<compile_context>
chip_gen: v7x
topology: tpu7x:2x2x1
jax: 0.10.2.dev20260603
libtpu: 0.0.44.dev20260713+nightly
codegen_flags: <defaults>
</compile_context>

<pallas_src>
import functools

import jax
import jax.numpy as jnp
from jax import lax
from jax.experimental import pallas as pl
from jax.experimental.pallas import tpu as pltpu
from jax.experimental.pallas import tpu_sc as plsc

_MAXLEN = 1024
_D = 128
_S = 1024
_B = _S * _S
_NC = 2
_NS = 16
_NW = _NC * _NS
_CHUNK = 128
_CPW = _B // (_NW * _CHUNK)
_K = 2
_G = _CPW // _K
_LANES = 16


def _body(pos_hbm, table_hbm, out_hbm, idx_v, table_sh, b0, b1, b2, b3, gsem, wsem):
    bufs = [b0, b1, b2, b3]
    sid = lax.axis_index("s")
    wid = sid * _NC + lax.axis_index("c")
    row0 = wid * _CPW

    trows = (2 * _MAXLEN) // _NS
    pltpu.sync_copy(
        table_hbm.at[pl.ds(sid * trows, trows)],
        table_sh.at[pl.ds(sid * trows, trows)],
    )

    pltpu.sync_copy(pos_hbm.at[pl.ds(row0, _CPW)], idx_v)
    plsc.subcore_barrier()

    def _fix_group(g):
        for b in range(_K):
            r = g * _K + b
            for s in range(_CHUNK // _LANES):
                c = s * _LANES
                v = idx_v[r, pl.ds(c, _LANES)]
                idx_v[r, pl.ds(c, _LANES)] = (
                    jnp.clip(v, -_MAXLEN, _MAXLEN - 1) + _MAXLEN
                )

    set0, set1 = bufs[:_K], bufs[_K:]

    def _fire_gathers(g, bset):
        for b in range(_K):
            pltpu.async_copy(table_sh.at[idx_v.at[g * _K + b]], bset[b], gsem)

    def _wait_gathers(g, bset):
        for b in range(_K):
            pltpu.make_async_copy(
                table_sh.at[idx_v.at[g * _K + b]], bset[b], gsem
            ).wait()

    def _fire_writes(g, bset):
        for b in range(_K):
            dst = out_hbm.at[pl.ds((row0 + g * _K + b) * _CHUNK, _CHUNK)]
            pltpu.async_copy(bset[b], dst, wsem)

    def _wait_writes(g, bset):
        for b in range(_K):
            dst = out_hbm.at[pl.ds((row0 + g * _K + b) * _CHUNK, _CHUNK)]
            pltpu.make_async_copy(bset[b], dst, wsem).wait()

    for g in range(4):
        _fix_group(g)
    _fire_gathers(0, set0)
    _fire_gathers(1, set1)
    _wait_gathers(0, set0)
    _fire_writes(0, set0)

    def _pair(gp, carry):
        g1 = 2 * gp + 1
        _wait_writes(g1 - 1, set0)
        _fire_gathers(g1 + 1, set0)

        @pl.when(g1 + 3 < _G)
        def _():
            _fix_group(g1 + 3)

        _wait_gathers(g1, set1)
        _fire_writes(g1, set1)
        g2 = g1 + 1
        _wait_writes(g2 - 1, set1)
        _fire_gathers(g2 + 1, set1)

        @pl.when(g2 + 3 < _G)
        def _():
            _fix_group(g2 + 3)

        _wait_gathers(g2, set0)
        _fire_writes(g2, set0)
        return carry

    lax.fori_loop(0, (_G - 2) // 2, _pair, 0)

    _wait_writes(_G - 2, set0)
    _wait_gathers(_G - 1, set1)
    _fire_writes(_G - 1, set1)
    _wait_writes(_G - 1, set1)


@functools.cache
def _build_gather():
    mesh = plsc.VectorSubcoreMesh(
        core_axis_name="c", subcore_axis_name="s",
        num_cores=_NC, num_subcores=_NS,
    )
    return functools.partial(
        pl.kernel,
        out_type=jax.ShapeDtypeStruct((_B, _D), jnp.float32),
        mesh=mesh,
        scratch_types=[
            pltpu.VMEM((_CPW, _CHUNK), jnp.int32),
            pltpu.VMEM_SHARED((2 * _MAXLEN, _D), jnp.float32),
            pltpu.VMEM((_CHUNK, _D), jnp.float32),
            pltpu.VMEM((_CHUNK, _D), jnp.float32),
            pltpu.VMEM((_CHUNK, _D), jnp.float32),
            pltpu.VMEM((_CHUNK, _D), jnp.float32),
            pltpu.SemaphoreType.DMA,
            pltpu.SemaphoreType.DMA,
        ],
    )(_body)


@jax.jit
def kernel(pos_seq, pe_k):
    pos_flat = pos_seq.reshape(_NW * _CPW, _CHUNK)
    out = _build_gather()(pos_flat, pe_k)
    return out.reshape(_S, _S, _D)

# --- scband reference (transcript-rebuilt; emitter-appended) ---
"""Pipeline reference for scband-relative-positional-encoding-66760971649353 (READ-ONLY COPY).

The authoritative reference and input builder live on the scoring server;
editing this copy changes nothing except your own understanding.
"""

import jax, jax.numpy as jnp
import numpy as np

MAXLEN = 1024
D_MODEL = 128
S = 1024

def setup_inputs(seed: int = 0) -> dict:
    key = jax.random.key(seed)
    k1, k2 = jax.random.split(key)
    pos_seq = jax.random.randint(k1, (S, S), 0, MAXLEN, dtype=jnp.int32)
    pe_k = jax.random.normal(k2, (2 * MAXLEN, D_MODEL), dtype=jnp.float32) * 0.02
    return {"pos_seq": pos_seq, "pe_k": pe_k}

def reference(pos_seq, pe_k):
    # clamp to [-maxlen, maxlen-1], then shift by +maxlen into table index range
    pos = jnp.clip(pos_seq, -MAXLEN, MAXLEN - 1) + MAXLEN
    # embedding lookup: gather rows of pe_k (SparseCore-friendly)
    out = jnp.take(pe_k, pos, axis=0)
    return out

if __name__ == "__main__":
    import jax
    _d = setup_inputs()
    print(jax.jit(kernel)(*tuple(_d.values())))

</pallas_src>

<mosaic_0001>
#map = affine_map<(d0, d1) -> (0, 0)>
module attributes {stable_mosaic.version = 14 : i64} {
  func.func @_body(%arg0: i32, %arg1: i32, %arg2: memref<8192x128xi32, #tpu.memory_space<hbm>>, %arg3: memref<2048x128xf32, #tpu.memory_space<hbm>>, %arg4: memref<1048576x128xf32, #tpu.memory_space<hbm>>, %arg5: memref<256x128xi32, #tpu.memory_space<vmem>>, %arg6: memref<2048x128xf32, #tpu.memory_space<vmem_shared>>, %arg7: memref<128x128xf32, #tpu.memory_space<vmem>>, %arg8: memref<128x128xf32, #tpu.memory_space<vmem>>, %arg9: memref<128x128xf32, #tpu.memory_space<vmem>>, %arg10: memref<128x128xf32, #tpu.memory_space<vmem>>, %arg11: memref<!tpu.dma_semaphore, #tpu.memory_space<semaphore_mem>>, %arg12: memref<!tpu.dma_semaphore, #tpu.memory_space<semaphore_mem>>) attributes {dimension_semantics = [#tpu.dimension_semantics<core_parallel>, #tpu.dimension_semantics<subcore_parallel>], iteration_bounds = array<i64: 2, 16>, scalar_prefetch = 0 : i64, scratch_operands = 8 : i64, tpu.core_type = #tpu.core_type<sc_vector_subcore>, window_params = [{transform_indices = #map}, {transform_indices = #map}, {transform_indices = #map}]} {
    %mul3A = arith.constant 2 : i32
    %mul3A_0 = arith.muli %arg1, %mul3A : i32
    %add3A = arith.addi %mul3A_0, %arg0 : i32
    %mul3A_1 = arith.constant 256 : i32
    %mul3A_2 = arith.muli %add3A, %mul3A_1 : i32
    %mul3A_3 = arith.constant 128 : i32
    %mul3A_4 = arith.muli %arg1, %mul3A_3 : i32
    %mul3A_5 = arith.constant 128 : i32
    %mul3A_6 = arith.muli %arg1, %mul3A_5 : i32
    "tpu.region"() ({
      %run_scoped3A = tpu.sem_alloc : memref<!tpu.dma_semaphore, #tpu.memory_space<semaphore_mem>>
      %dma_start3A_1421 = arith.constant 0 : i32
      %dma_start3A_1422 = tpu.memref_slice %arg6[%mul3A_6, %dma_start3A_1421] : memref<2048x128xf32, #tpu.memory_space<vmem_shared>> -> memref<128x128xf32, #tpu.memory_space<vmem_shared>>
      %dma_start3A_1423 = arith.constant 0 : i32
      %dma_start3A_1424 = tpu.memref_slice %arg3[%mul3A_4, %dma_start3A_1423] : memref<2048x128xf32, #tpu.memory_space<hbm>> -> memref<128x128xf32, #tpu.memory_space<hbm>>
      tpu.enqueue_dma source(%dma_start3A_1424 : memref<128x128xf32, #tpu.memory_space<hbm>>) target(%dma_start3A_1422 : memref<128x128xf32, #tpu.memory_space<vmem_shared>>) target_semaphore(%run_scoped3A : memref<!tpu.dma_semaphore, #tpu.memory_space<semaphore_mem>>)
      %dma_wait3A_1425 = arith.constant 0 : i32
      %dma_wait3A_1426 = tpu.memref_slice %arg6[%mul3A_6, %dma_wait3A_1425] : memref<2048x128xf32, #tpu.memory_space<vmem_shared>> -> memref<128x128xf32, #tpu.memory_space<vmem_shared>>
      %dma_wait3A_1427 = arith.constant 0 : i32
      %dma_wait3A_1428 = tpu.memref_slice %arg3[%mul3A_4, %dma_wait3A_1427] : memref<2048x128xf32, #tpu.memory_space<hbm>> -> memref<128x128xf32, #tpu.memory_space<hbm>>
      tpu.wait_dma2 semaphore(%run_scoped3A : memref<!tpu.dma_semaphore, #tpu.memory_space<semaphore_mem>>) src(%dma_wait3A_1428 : memref<128x128xf32, #tpu.memory_space<hbm>>) dst(%dma_wait3A_1426 : memref<128x128xf32, #tpu.memory_space<vmem_shared>>)
      tpu.yield
    }) : () -> ()
    "tpu.region"() ({
      %run_scoped3A = tpu.sem_alloc : memref<!tpu.dma_semaphore, #tpu.memory_space<semaphore_mem>>
      %dma_start3A_1421 = arith.constant 0 : i32
      %dma_start3A_1422 = tpu.memref_slice %arg2[%mul3A_2, %dma_start3A_1421] : memref<8192x128xi32, #tpu.memory_space<hbm>> -> memref<256x128xi32, #tpu.memory_space<hbm>>
      %dma_start3A_1423 = arith.constant 0 : i32
      %dma_start3A_1424 = tpu.memref_slice %arg2[%mul3A_2, %dma_start3A_1423] : memref<8192x128xi32, #tpu.memory_space<hbm>> -> memref<256x128xi32, #tpu.memory_space<hbm>>
      tpu.enqueue_dma source(%dma_start3A_1424 : memref<256x128xi32, #tpu.memory_space<hbm>>) target(%arg5 : memref<256x128xi32, #tpu.memory_space<vmem>>) target_semaphore(%run_scoped3A : memref<!tpu.dma_semaphore, #tpu.memory_space<semaphore_mem>>)
      %dma_wait3A_1425 = arith.constant 0 : i32
      %dma_wait3A_1426 = tpu.memref_slice %arg2[%mul3A_2, %dma_wait3A_1425] : memref<8192x128xi32, #tpu.memory_space<hbm>> -> memref<256x128xi32, #tpu.memory_space<hbm>>
      %dma_wait3A_1427 = arith.constant 0 : i32
      %dma_wait3A_1428 = tpu.memref_slice %arg2[%mul3A_2, %dma_wait3A_1427] : memref<8192x128xi32, #tpu.memory_space<hbm>> -> memref<256x128xi32, #tpu.memory_space<hbm>>
      tpu.wait_dma2 semaphore(%run_scoped3A : memref<!tpu.dma_semaphore, #tpu.memory_space<semaphore_mem>>) src(%dma_wait3A_1428 : memref<256x128xi32, #tpu.memory_space<hbm>>) dst(%arg5 : memref<256x128xi32, #tpu.memory_space<vmem>>)
      tpu.yield
    }) : () -> ()
    %barrier3A = arith.constant 0 : index
    tpu.barrier barrier_id(%barrier3A)
    %get3A = arith.constant 0 : i32
    %get3A_7 = arith.index_cast %get3A : i32 to index
    %get3A_8 = arith.constant 0 : index
    %get3A_9 = tpu.vector_load %arg5[%get3A_7, %get3A_8] {strides = array<i32>} : memref<256x128xi32, #tpu.memory_space<vmem>>, vector<1x16xi32>,
    %get3A_10 = vector.shape_cast %get3A_9 : vector<1x16xi32> to vector<16xi32>
    %jit3A = arith.constant -1024 : i32
    %jit3A_11 = arith.constant 1023 : i32
    %max3A = vector.broadcast %jit3A : i32 to vector<16xi32>
    %max3A_12 = arith.maxsi %max3A, %get3A_10 : vector<16xi32>
    %min3A = vector.broadcast %jit3A_11 : i32 to vector<16xi32>
    %min3A_13 = arith.minsi %min3A, %max3A_12 : vector<16xi32>
    %add3A_14 = arith.constant 1024 : i32
    %add3A_15 = vector.broadcast %add3A_14 : i32 to vector<16xi32>
    %add3A_16 = arith.addi %min3A_13, %add3A_15 : vector<16xi32>
    %swap3A = arith.constant 0 : i32
    %swap3A_17 = arith.index_cast %swap3A : i32 to index
    %swap3A_18 = arith.constant 0 : index
    %swap3A_19 = tpu.vector_load %arg5[%swap3A_17, %swap3A_18] {strides = array<i32>} : memref<256x128xi32, #tpu.memory_space<vmem>>, vector<1x16xi32>,
    %swap3A_20 = vector.shape_cast %swap3A_19 : vector<1x16xi32> to vector<16xi32>
    %swap3A_21 = vector.shape_cast %add3A_16 : vector<16xi32> to vector<1x16xi32>
    tpu.vector_store %arg5[%swap3A_17, %swap3A_18], %swap3A_21 {strides = array<i32>} : memref<256x128xi32, #tpu.memory_space<vmem>>, vector<1x16xi32>,
    %get3A_22 = arith.constant 0 : i32
    %get3A_23 = arith.index_cast %get3A_22 : i32 to index
    %get3A_24 = arith.constant 16 : index
    %get3A_25 = tpu.vector_load %arg5[%get3A_23, %get3A_24] {strides = array<i32>} : memref<256x128xi32, #tpu.memory_space<vmem>>, vector<1x16xi32>,
    %get3A_26 = vector.shape_cast %get3A_25 : vector<1x16xi32> to vector<16xi32>
    %jit3A_27 = arith.constant -1024 : i32
    %jit3A_28 = arith.constant 1023 : i32
    %max3A_29 = vector.broadcast %jit3A_27 : i32 to vector<16xi32>
    %max3A_30 = arith.maxsi %max3A_29, %get3A_26 : vector<16xi32>
    %min3A_31 = vector.broadcast %jit3A_28 : i32 to vector<16xi32>
    %min3A_32 = arith.minsi %min3A_31, %max3A_30 : vector<16xi32>
    %add3A_33 = arith.constant 1024 : i32
    %add3A_34 = vector.broadcast %add3A_33 : i32 to vector<16xi32>
    %add3A_35 = arith.addi %min3A_32, %add3A_34 : vector<16xi32>
    %swap3A_36 = arith.constant 0 : i32
    %swap3A_37 = arith.index_cast %swap3A_36 : i32 to index
    %swap3A_38 = arith.constant 16 : index
    %swap3A_39 = tpu.vector_load %arg5[%swap3A_37, %swap3A_38] {strides = array<i32>} : memref<256x128xi32, #tpu.memory_space<vmem>>, vector<1x16xi32>,
    %swap3A_40 = vector.shape_cast %swap3A_39 : vector<1x16xi32> to vector<16xi32>
    %swap3A_41 = vector.shape_cast %add3A_35 : vector<16xi32> to vector<1x16xi32>
    tpu.vector_store %arg5[%swap3A_37, %swap3A_38], %swap3A_41 {strides = array<i32>} : memref<256x128xi32, #tpu.memory_space<vmem>>, vector<1x16xi32>,
    %get3A_42 = arith.constant 0 : i32
    %get3A_43 = arith.index_cast %get3A_42 : i32 to index
    %get3A_44 = arith.constant 32 : index
    %get3A_45 = tpu.vector_load %arg5[%get3A_43, %get3A_44] {strides = array<i32>} : memref<256x128xi32, #tpu.memory_space<vmem>>, vector<1x16xi32>,
    %get3A_46 = vector.shape_cast %get3A_45 : vector<1x16xi32> to vector<16xi32>
    %jit3A_47 = arith.constant -1024 : i32
    %jit3A_48 = arith.constant 1023 : i32
    %max3A_49 = vector.broadcast %jit3A_47 : i32 to vector<16xi32>
    %max3A_50 = arith.maxsi %max3A_49, %get3A_46 : vector<16xi32>
    %min3A_51 = vector.broadcast %jit3A_48 : i32 to vector<16xi32>
    %min3A_52 = arith.minsi %min3A_51, %max3A_50 : vector<16xi32>
    %add3A_53 = arith.constant 1024 : i32
    %add3A_54 = vector.broadcast %add3A_53 : i32 to vector<16xi32>
    %add3A_55 = arith.addi %min3A_52, %add3A_54 : vector<16xi32>
    %swap3A_56 = arith.constant 0 : i32
    %swap3A_57 = arith.index_cast %swap3A_56 : i32 to index
    %swap3A_58 = arith.constant 32 : index
    %swap3A_59 = tpu.vector_load %arg5[%swap3A_57, %swap3A_58] {strides = array<i32>} : memref<256x128xi32, #tpu.memory_space<vmem>>, vector<1x16xi32>,
    %swap3A_60 = vector.shape_cast %swap3A_59 : vector<1x16xi32> to vector<16xi32>
    %swap3A_61 = vector.shape_cast %add3A_55 : vector<16xi32> to vector<1x16xi32>
    tpu.vector_store %arg5[%swap3A_57, %swap3A_58], %swap3A_61 {strides = array<i32>} : memref<256x128xi32, #tpu.memory_space<vmem>>, vector<1x16xi32>,
    %get3A_62 = arith.constant 0 : i32
    %get3A_63 = arith.index_cast %get3A_62 : i32 to index
    %get3A_64 = arith.constant 48 : index
    %get3A_65 = tpu.vector_load %arg5[%get3A_63, %get3A_64] {strides = array<i32>} : memref<256x128xi32, #tpu.memory_space<vmem>>, vector<1x16xi32>,
    %get3A_66 = vector.shape_cast %get3A_65 : vector<1x16xi32> to vector<16xi32>
    %jit3A_67 = arith.constant -1024 : i32
    %jit3A_68 = arith.constant 1023 : i32
    %max3A_69 = vector.broadcast %jit3A_67 : i32 to vector<16xi32>
    %max3A_70 = arith.maxsi %max3A_69, %get3A_66 : vector<16xi32>
    %min3A_71 = vector.broadcast %jit3A_68 : i32 to vector<16xi32>
    %min3A_72 = arith.minsi %min3A_71, %max3A_70 : vector<16xi32>
    %add3A_73 = arith.constant 1024 : i32
    %add3A_74 = vector.broadcast %add3A_73 : i32 to vector<16xi32>
    %add3A_75 = arith.addi %min3A_72, %add3A_74 : vector<16xi32>
    %swap3A_76 = arith.constant 0 : i32
    %swap3A_77 = arith.index_cast %swap3A_76 : i32 to index
    %swap3A_78 = arith.constant 48 : index
    %swap3A_79 = tpu.vector_load %arg5[%swap3A_77, %swap3A_78] {strides = array<i32>} : memref<256x128xi32, #tpu.memory_space<vmem>>, vector<1x16xi32>,
    %swap3A_80 = vector.shape_cast %swap3A_79 : vector<1x16xi32> to vector<16xi32>
    %swap3A_81 = vector.shape_cast %add3A_75 : vector<16xi32> to vector<1x16xi32>
    tpu.vector_store %arg5[%swap3A_77, %swap3A_78], %swap3A_81 {strides = array<i32>} : memref<256x128xi32, #tpu.memory_space<vmem>>, vector<1x16xi32>,
    %get3A_82 = arith.constant 0 : i32
    %get3A_83 = arith.index_cast %get3A_82 : i32 to index
    %get3A_84 = arith.constant 64 : index
    %get3A_85 = tpu.vector_load %arg5[%get3A_83, %get3A_84] {strides = array<i32>} : memref<256x128xi32, #tpu.memory_space<vmem>>, vector<1x16xi32>,
    %get3A_86 = vector.shape_cast %get3A_85 : vector<1x16xi32> to vector<16xi32>
    %jit3A_87 = arith.constant -1024 : i32
    %jit3A_88 = arith.constant 1023 : i32
    %max3A_89 = vector.broadcast %jit3A_87 : i32 to vector<16xi32>
    %max3A_90 = arith.maxsi %max3A_89, %get3A_86 : vector<16xi32>
    %min3A_91 = vector.broadcast %jit3A_88 : i32 to vector<16xi32>
    %min3A_92 = arith.minsi %min3A_91, %max3A_90 : vector<16xi32>
    %add3A_93 = arith.constant 1024 : i32
    %add3A_94 = vector.broadcast %add3A_93 : i32 to vector<16xi32>
    %add3A_95 = arith.addi %min3A_92, %add3A_94 : vector<16xi32>
    %swap3A_96 = arith.constant 0 : i32
    %swap3A_97 = arith.index_cast %swap3A_96 : i32 to index
    %swap3A_98 = arith.constant 64 : index
    %swap3A_99 = tpu.vector_load %arg5[%swap3A_97, %swap3A_98] {strides = array<i32>} : memref<256x128xi32, #tpu.memory_space<vmem>>, vector<1x16xi32>,
    %swap3A_100 = vector.shape_cast %swap3A_99 : vector<1x16xi32> to vector<16xi32>
    %swap3A_101 = vector.shape_cast %add3A_95 : vector<16xi32> to vector<1x16xi32>
    tpu.vector_store %arg5[%swap3A_97, %swap3A_98], %swap3A_101 {strides = array<i32>} : memref<256x128xi32, #tpu.memory_space<vmem>>, vector<1x16xi32>,
    %get3A_102 = arith.constant 0 : i32
    %get3A_103 = arith.index_cast %get3A_102 : i32 to index
    %get3A_104 = arith.constant 80 : index
    %get3A_105 = tpu.vector_load %arg5[%get3A_103, %get3A_104] {strides = array<i32>} : memref<256x128xi32, #tpu.memory_space<vmem>>, vector<1x16xi32>,
    %get3A_106 = vector.shape_cast %get3A_105 : vector<1x16xi32> to vector<16xi32>
    %jit3A_107 = arith.constant -1024 : i32
    %jit3A_108 = arith.constant 1023 : i32
    %max3A_109 = vector.broadcast %jit3A_107 : i32 to vector<16xi32>
    %max3A_110 = arith.maxsi %max3A_109, %get3A_106 : vector<16xi32>
    %min3A_111 = vector.broadcast %jit3A_108 : i32 to vector<16xi32>
    %min3A_112 = arith.minsi %min3A_111, %max3A_110 : vector<16xi32>
    %add3A_113 = arith.constant 1024 : i32
    %add3A_114 = vector.broadcast %add3A_113 : i32 to vector<16xi32>
    %add3A_115 = arith.addi %min3A_112, %add3A_114 : vector<16xi32>
    %swap3A_116 = arith.constant 0 : i32
    %swap3A_117 = arith.index_cast %swap3A_116 : i32 to index
    %swap3A_118 = arith.constant 80 : index
    %swap3A_119 = tpu.vector_load %arg5[%swap3A_117, %swap3A_118] {strides = array<i32>} : memref<256x128xi32, #tpu.memory_space<vmem>>, vector<1x16xi32>,
    %swap3A_120 = vector.shape_cast %swap3A_119 : vector<1x16xi32> to vector<16xi32>
    %swap3A_121 = vector.shape_cast %add3A_115 : vector<16xi32> to vector<1x16xi32>
    tpu.vector_store %arg5[%swap3A_117, %swap3A_118], %swap3A_121 {strides = array<i32>} : memref<256x128xi32, #tpu.memory_space<vmem>>, vector<1x16xi32>,
    %get3A_122 = arith.constant 0 : i32
    %get3A_123 = arith.index_cast %get3A_122 : i32 to index
    %get3A_124 = arith.constant 96 : index
    %get3A_125 = tpu.vector_load %arg5[%get3A_123, %get3A_124] {strides = array<i32>} : memref<256x128xi32, #tpu.memory_space<vmem>>, vector<1x16xi32>,
    %get3A_126 = vector.shape_cast %get3A_125 : vector<1x16xi32> to vector<16xi32>
    %jit3A_127 = arith.constant -1024 : i32
    %jit3A_128 = arith.constant 1023 : i32
    %max3A_129 = vector.broadcast %jit3A_127 : i32 to vector<16xi32>
    %max3A_130 = arith.maxsi %max3A_129, %get3A_126 : vector<16xi32>
    %min3A_131 = vector.broadcast %jit3A_128 : i32 to vector<16xi32>
    %min3A_132 = arith.minsi %min3A_131, %max3A_130 : vector<16xi32>
    %add3A_133 = arith.constant 1024 : i32
    %add3A_134 = vector.broadcast %add3A_133 : i32 to vector<16xi32>
    %add3A_135 = arith.addi %min3A_132, %add3A_134 : vector<16xi32>
    %swap3A_136 = arith.constant 0 : i32
    %swap3A_137 = arith.index_cast %swap3A_136 : i32 to index
    %swap3A_138 = arith.constant 96 : index
    %swap3A_139 = tpu.vector_load %arg5[%swap3A_137, %swap3A_138] {strides = array<i32>} : memref<256x128xi32, #tpu.memory_space<vmem>>, vector<1x16xi32>,
    %swap3A_140 = vector.shape_cast %swap3A_139 : vector<1x16xi32> to vector<16xi32>
    %swap3A_141 = vector.shape_cast %add3A_135 : vector<16xi32> to vector<1x16xi32>
    tpu.vector_store %arg5[%swap3A_137, %swap3A_138], %swap3A_141 {strides = array<i32>} : memref<256x128xi32, #tpu.memory_space<vmem>>, vector<1x16xi32>,
    %get3A_142 = arith.constant 0 : i32
    %get3A_143 = arith.index_cast %get3A_142 : i32 to index
    %get3A_144 = arith.constant 112 : index
    %get3A_145 = tpu.vector_load %arg5[%get3A_143, %get3A_144] {strides = array<i32>} : memref<256x128xi32, #tpu.memory_space<vmem>>, vector<1x16xi32>,
    %get3A_146 = vector.shape_cast %get3A_145 : vector<1x16xi32> to vector<16xi32>
    %jit3A_147 = arith.constant -1024 : i32
    %jit3A_148 = arith.constant 1023 : i32
    %max3A_149 = vector.broadcast %jit3A_147 : i32 to vector<16xi32>
    %max3A_150 = arith.maxsi %max3A_149, %get3A_146 : vector<16xi32>
    %min3A_151 = vector.broadcast %jit3A_148 : i32 to vector<16xi32>
    %min3A_152 = arith.minsi %min3A_151, %max3A_150 : vector<16xi32>
    %add3A_153 = arith.constant 1024 : i32
    %add3A_154 = vector.broadcast %add3A_153 : i32 to vector<16xi32>
    %add3A_155 = arith.addi %min3A_152, %add3A_154 : vector<16xi32>
    %swap3A_156 = arith.constant 0 : i32
    %swap3A_157 = arith.index_cast %swap3A_156 : i32 to index
    %swap3A_158 = arith.constant 112 : index
    %swap3A_159 = tpu.vector_load %arg5[%swap3A_157, %swap3A_158] {strides = array<i32>} : memref<256x128xi32, #tpu.memory_space<vmem>>, vector<1x16xi32>,
    %swap3A_160 = vector.shape_cast %swap3A_159 : vector<1x16xi32> to vector<16xi32>
    %swap3A_161 = vector.shape_cast %add3A_155 : vector<16xi32> to vector<1x16xi32>
    tpu.vector_store %arg5[%swap3A_157, %swap3A_158], %swap3A_161 {strides = array<i32>} : memref<256x128xi32, #tpu.memory_space<vmem>>, vector<1x16xi32>,
    %get3A_162 = arith.constant 1 : i32
    %get3A_163 = arith.index_cast %get3A_162 : i32 to index
    %get3A_164 = arith.constant 0 : index
    %get3A_165 = tpu.vector_load %arg5[%get3A_163, %get3A_164] {strides = array<i32>} : memref<256x128xi32, #tpu.memory_space<vmem>>, vector<1x16xi32>,
    %get3A_166 = vector.shape_cast %get3A_165 : vector<1x16xi32> to vector<16xi32>
    %jit3A_167 = arith.constant -1024 : i32
    %jit3A_168 = arith.constant 1023 : i32
    %max3A_169 = vector.broadcast %jit3A_167 : i32 to vector<16xi32>
    %max3A_170 = arith.maxsi %max3A_169, %get3A_166 : vector<16xi32>
    %min3A_171 = vector.broadcast %jit3A_168 : i32 to vector<16xi32>
    %min3A_172 = arith.minsi %min3A_171, %max3A_170 : vector<16xi32>
    %add3A_173 = arith.constant 1024 : i32
    %add3A_174 = vector.broadcast %add3A_173 : i32 to vector<16xi32>
    %add3A_175 = arith.addi %min3A_172, %add3A_174 : vector<16xi32>
    %swap3A_176 = arith.constant 1 : i32
    %swap3A_177 = arith.index_cast %swap3A_176 : i32 to index
    %swap3A_178 = arith.constant 0 : index
    %swap3A_179 = tpu.vector_load %arg5[%swap3A_177, %swap3A_178] {strides = array<i32>} : memref<256x128xi32, #tpu.memory_space<vmem>>, vector<1x16xi32>,
    %swap3A_180 = vector.shape_cast %swap3A_179 : vector<1x16xi32> to vector<16xi32>
    %swap3A_181 = vector.shape_cast %add3A_175 : vector<16xi32> to vector<1x16xi32>
    tpu.vector_store %arg5[%swap3A_177, %swap3A_178], %swap3A_181 {strides = array<i32>} : memref<256x128xi32, #tpu.memory_space<vmem>>, vector<1x16xi32>,
    %get3A_182 = arith.constant 1 : i32
    %get3A_183 = arith.index_cast %get3A_182 : i32 to index
    %get3A_184 = arith.constant 16 : index
    %get3A_185 = tpu.vector_load %arg5[%get3A_183, %get3A_184] {strides = array<i32>} : memref<256x128xi32, #tpu.memory_space<vmem>>, vector<1x16xi32>,
    %get3A_186 = vector.shape_cast %get3A_185 : vector<1x16xi32> to vector<16xi32>
    %jit3A_187 = arith.constant -1024 : i32
    %jit3A_188 = arith.constant 1023 : i32
    %max3A_189 = vector.broadcast %jit3A_187 : i32 to vector<16xi32>
    %max3A_190 = arith.maxsi %max3A_189, %get3A_186 : vector<16xi32>
    %min3A_191 = vector.broadcast %jit3A_188 : i32 to vector<16xi32>
    %min3A_192 = arith.minsi %min3A_191, %max3A_190 : vector<16xi32>
    %add3A_193 = arith.constant 1024 : i32
    %add3A_194 = vector.broadcast %add3A_193 : i32 to vector<16xi32>
    %add3A_195 = arith.addi %min3A_192, %add3A_194 : vector<16xi32>
    %swap3A_196 = arith.constant 1 : i32
    %swap3A_197 = arith.index_cast %swap3A_196 : i32 to index
    %swap3A_198 = arith.constant 16 : index
    %swap3A_199 = tpu.vector_load %arg5[%swap3A_197, %swap3A_198] {strides = array<i32>} : memref<256x128xi32, #tpu.memory_space<vmem>>, vector<1x16xi32>,
    %swap3A_200 = vector.shape_cast %swap3A_199 : vector<1x16xi32> to vector<16xi32>
    %swap3A_201 = vector.shape_cast %add3A_195 : vector<16xi32> to vector<1x16xi32>
    tpu.vector_store %arg5[%swap3A_197, %swap3A_198], %swap3A_201 {strides = array<i32>} : memref<256x128xi32, #tpu.memory_space<vmem>>, vector<1x16xi32>,
    %get3A_202 = arith.constant 1 : i32
    %get3A_203 = arith.index_cast %get3A_202 : i32 to index
    %get3A_204 = arith.constant 32 : index
    %get3A_205 = tpu.vector_load %arg5[%get3A_203, %get3A_204] {strides = array<i32>} : memref<256x128xi32, #tpu.memory_space<vmem>>, vector<1x16xi32>,
    %get3A_206 = vector.shape_cast %get3A_205 : vector<1x16xi32> to vector<16xi32>
    %jit3A_207 = arith.constant -1024 : i32
    %jit3A_208 = arith.constant 1023 : i32
    %max3A_209 = vector.broadcast %jit3A_207 : i32 to vector<16xi32>
    %max3A_210 = arith.maxsi %max3A_209, %get3A_206 : vector<16xi32>
    %min3A_211 = vector.broadcast %jit3A_208 : i32 to vector<16xi32>
    %min3A_212 = arith.minsi %min3A_211, %max3A_210 : vector<16xi32>
    %add3A_213 = arith.constant 1024 : i32
    %add3A_214 = vector.broadcast %add3A_213 : i32 to vector<16xi32>
    %add3A_215 = arith.addi %min3A_212, %add3A_214 : vector<16xi32>
    %swap3A_216 = arith.constant 1 : i32
    %swap3A_217 = arith.index_cast %swap3A_216 : i32 to index
    %swap3A_218 = arith.constant 32 : index
    %swap3A_219 = tpu.vector_load %arg5[%swap3A_217, %swap3A_218] {strides = array<i32>} : memref<256x128xi32, #tpu.memory_space<vmem>>, vector<1x16xi32>,
    %swap3A_220 = vector.shape_cast %swap3A_219 : vector<1x16xi32> to vector<16xi32>
    %swap3A_221 = vector.shape_cast %add3A_215 : vector<16xi32> to vector<1x16xi32>
    tpu.vector_store %arg5[%swap3A_217, %swap3A_218], %swap3A_221 {strides = array<i32>} : memref<256x128xi32, #tpu.memory_space<vmem>>, vector<1x16xi32>,
    %get3A_222 = arith.constant 1 : i32
    %get3A_223 = arith.index_cast %get3A_222 : i32 to index
    %get3A_224 = arith.constant 48 : index
    %get3A_225 = tpu.vector_load %arg5[%get3A_223, %get3A_224] {strides = array<i32>} : memref<256x128xi32, #tpu.memory_space<vmem>>, vector<1x16xi32>,
    %get3A_226 = vector.shape_cast %get3A_225 : vector<1x16xi32> to vector<16xi32>
    %jit3A_227 = arith.constant -1024 : i32
    %jit3A_228 = arith.constant 1023 : i32
    %max3A_229 = vector.broadcast %jit3A_227 : i32 to vector<16xi32>
    %max3A_230 = arith.maxsi %max3A_229, %get3A_226 : vector<16xi32>
    %min3A_231 = vector.broadcast %jit3A_228 : i32 to vector<16xi32>
    %min3A_232 = arith.minsi %min3A_231, %max3A_230 : vector<16xi32>
    %add3A_233 = arith.constant 1024 : i32
    %add3A_234 = vector.broadcast %add3A_233 : i32 to vector<16xi32>
    %add3A_235 = arith.addi %min3A_232, %add3A_234 : vector<16xi32>
    %swap3A_236 = arith.constant 1 : i32
    %swap3A_237 = arith.index_cast %swap3A_236 : i32 to index
    %swap3A_238 = arith.constant 48 : index
    %swap3A_239 = tpu.vector_load %arg5[%swap3A_237, %swap3A_238] {strides = array<i32>} : memref<256x128xi32, #tpu.memory_space<vmem>>, vector<1x16xi32>,
    %swap3A_240 = vector.shape_cast %swap3A_239 : vector<1x16xi32> to vector<16xi32>
    %swap3A_241 = vector.shape_cast %add3A_235 : vector<16xi32> to vector<1x16xi32>
    tpu.vector_store %arg5[%swap3A_237, %swap3A_238], %swap3A_241 {strides = array<i32>} : memref<256x128xi32, #tpu.memory_space<vmem>>, vector<1x16xi32>,
    %get3A_242 = arith.constant 1 : i32
    %get3A_243 = arith.index_cast %get3A_242 : i32 to index
    %get3A_244 = arith.constant 64 : index
    %get3A_245 = tpu.vector_load %arg5[%get3A_243, %get3A_244] {strides = array<i32>} : memref<256x128xi32, #tpu.memory_space<vmem>>, vector<1x16xi32>,
    %get3A_246 = vector.shape_cast %get3A_245 : vector<1x16xi32> to vector<16xi32>
    %jit3A_247 = arith.constant -1024 : i32
    %jit3A_248 = arith.constant 1023 : i32
    %max3A_249 = vector.broadcast %jit3A_247 : i32 to vector<16xi32>
    %max3A_250 = arith.maxsi %max3A_249, %get3A_246 : vector<16xi32>
    %min3A_251 = vector.broadcast %jit3A_248 : i32 to vector<16xi32>
    %min3A_252 = arith.minsi %min3A_251, %max3A_250 : vector<16xi32>
    %add3A_253 = arith.constant 1024 : i32
    %add3A_254 = vector.broadcast %add3A_253 : i32 to vector<16xi32>
    %add3A_255 = arith.addi %min3A_252, %add3A_254 : vector<16xi32>
    %swap3A_256 = arith.constant 1 : i32
    %swap3A_257 = arith.index_cast %swap3A_256 : i32 to index
    %swap3A_258 = arith.constant 64 : index
    %swap3A_259 = tpu.vector_load %arg5[%swap3A_257, %swap3A_258] {strides = array<i32>} : memref<256x128xi32, #tpu.memory_space<vmem>>, vector<1x16xi32>,
    %swap3A_260 = vector.shape_cast %swap3A_259 : vector<1x16xi32> to vector<16xi32>
    %swap3A_261 = vector.shape_cast %add3A_255 : vector<16xi32> to vector<1x16xi32>
    tpu.vector_store %arg5[%swap3A_257, %swap3A_258], %swap3A_261 {strides = array<i32>} : memref<256x128xi32, #tpu.memory_space<vmem>>, vector<1x16xi32>,
    %get3A_262 = arith.constant 1 : i32
    %get3A_263 = arith.index_cast %get3A_262 : i32 to index
    %get3A_264 = arith.constant 80 : index
    %get3A_265 = tpu.vector_load %arg5[%get3A_263, %get3A_264] {strides = array<i32>} : memref<256x128xi32, #tpu.memory_space<vmem>>, vector<1x16xi32>,
    %get3A_266 = vector.shape_cast %get3A_265 : vector<1x16xi32> to vector<16xi32>
    %jit3A_267 = arith.constant -1024 : i32
    %jit3A_268 = arith.constant 1023 : i32
    %max3A_269 = vector.broadcast %jit3A_267 : i32 to vector<16xi32>
    %max3A_270 = arith.maxsi %max3A_269, %get3A_266 : vector<16xi32>
    %min3A_271 = vector.broadcast %jit3A_268 : i32 to vector<16xi32>
    %min3A_272 = arith.minsi %min3A_271, %max3A_270 : vector<16xi32>
    %add3A_273 = arith.constant 1024 : i32
    %add3A_274 = vector.broadcast %add3A_273 : i32 to vector<16xi32>
    %add3A_275 = arith.addi %min3A_272, %add3A_274 : vector<16xi32>
    %swap3A_276 = arith.constant 1 : i32
    %swap3A_277 = arith.index_cast %swap3A_276 : i32 to index
    %swap3A_278 = arith.constant 80 : index
    %swap3A_279 = tpu.vector_load %arg5[%swap3A_277, %swap3A_278] {strides = array<i32>} : memref<256x128xi32, #tpu.memory_space<vmem>>, vector<1x16xi32>,
    %swap3A_280 = vector.shape_cast %swap3A_279 : vector<1x16xi32> to vector<16xi32>
    %swap3A_281 = vector.shape_cast %add3A_275 : vector<16xi32> to vector<1x16xi32>
    tpu.vector_store %arg5[%swap3A_277, %swap3A_278], %swap3A_281 {strides = array<i32>} : memref<256x128xi32, #tpu.memory_space<vmem>>, vector<1x16xi32>,
    %get3A_282 = arith.constant 1 : i32
    %get3A_283 = arith.index_cast %get3A_282 : i32 to index
    %get3A_284 = arith.constant 96 : index
    %get3A_285 = tpu.vector_load %arg5[%get3A_283, %get3A_284] {strides = array<i32>} : memref<256x128xi32, #tpu.memory_space<vmem>>, vector<1x16xi32>,
    %get3A_286 = vector.shape_cast %get3A_285 : vector<1x16xi32> to vector<16xi32>
    %jit3A_287 = arith.constant -1024 : i32
    %jit3A_288 = arith.constant 1023 : i32
    %max3A_289 = vector.broadcast %jit3A_287 : i32 to vector<16xi32>
    %max3A_290 = arith.maxsi %max3A_289, %get3A_286 : vector<16xi32>
    %min3A_291 = vector.broadcast %jit3A_288 : i32 to vector<16xi32>
    %min3A_292 = arith.minsi %min3A_291, %max3A_290 : vector<16xi32>
    %add3A_293 = arith.constant 1024 : i32
    %add3A_294 = vector.broadcast %add3A_293 : i32 to vector<16xi32>
    %add3A_295 = arith.addi %min3A_292, %add3A_294 : vector<16xi32>
    %swap3A_296 = arith.constant 1 : i32
    %swap3A_297 = arith.index_cast %swap3A_296 : i32 to index
    %swap3A_298 = arith.constant 96 : index
    %swap3A_299 = tpu.vector_load %arg5[%swap3A_297, %swap3A_298] {strides = array<i32>} : memref<256x128xi32, #tpu.memory_space<vmem>>, vector<1x16xi32>,
    %swap3A_300 = vector.shape_cast %swap3A_299 : vector<1x16xi32> to vector<16xi32>
    %swap3A_301 = vector.shape_cast %add3A_295 : vector<16xi32> to vector<1x16xi32>
    tpu.vector_store %arg5[%swap3A_297, %swap3A_298], %swap3A_301 {strides = array<i32>} : memref<256x128xi32, #tpu.memory_space<vmem>>, vector<1x16xi32>,
    %get3A_302 = arith.constant 1 : i32
    %get3A_303 = arith.index_cast %get3A_302 : i32 to index
    %get3A_304 = arith.constant 112 : index
    %get3A_305 = tpu.vector_load %arg5[%get3A_303, %get3A_304] {strides = array<i32>} : memref<256x128xi32, #tpu.memory_space<vmem>>, vector<1x16xi32>,
    %get3A_306 = vector.shape_cast %get3A_305 : vector<1x16xi32> to vector<16xi32>
    %jit3A_307 = arith.constant -1024 : i32
    %jit3A_308 = arith.constant 1023 : i32
    %max3A_309 = vector.broadcast %jit3A_307 : i32 to vector<16xi32>
    %max3A_310 = arith.maxsi %max3A_309, %get3A_306 : vector<16xi32>
    %min3A_311 = vector.broadcast %jit3A_308 : i32 to vector<16xi32>
    %min3A_312 = arith.minsi %min3A_311, %max3A_310 : vector<16xi32>
    %add3A_313 = arith.constant 1024 : i32
    %add3A_314 = vector.broadcast %add3A_313 : i32 to vector<16xi32>
    %add3A_315 = arith.addi %min3A_312, %add3A_314 : vector<16xi32>
    %swap3A_316 = arith.constant 1 : i32
    %swap3A_317 = arith.index_cast %swap3A_316 : i32 to index
    %swap3A_318 = arith.constant 112 : index
    %swap3A_319 = tpu.vector_load %arg5[%swap3A_317, %swap3A_318] {strides = array<i32>} : memref<256x128xi32, #tpu.memory_space<vmem>>, vector<1x16xi32>,
    %swap3A_320 = vector.shape_cast %swap3A_319 : vector<1x16xi32> to vector<16xi32>
    %swap3A_321 = vector.shape_cast %add3A_315 : vector<16xi32> to vector<1x16xi32>
    tpu.vector_store %arg5[%swap3A_317, %swap3A_318], %swap3A_321 {strides = array<i32>} : memref<256x128xi32, #tpu.memory_space<vmem>>, vector<1x16xi32>,
    %get3A_322 = arith.constant 2 : i32
    %get3A_323 = arith.index_cast %get3A_322 : i32 to index
    %get3A_324 = arith.constant 0 : index
    %get3A_325 = tpu.vector_load %arg5[%get3A_323, %get3A_324] {strides = array<i32>} : memref<256x128xi32, #tpu.memory_space<vmem>>, vector<1x16xi32>,
    %get3A_326 = vector.shape_cast %get3A_325 : vector<1x16xi32> to vector<16xi32>
    %jit3A_327 = arith.constant -1024 : i32
    %jit3A_328 = arith.constant 1023 : i32
    %max3A_329 = vector.broadcast %jit3A_327 : i32 to vector<16xi32>
    %max3A_330 = arith.maxsi %max3A_329, %get3A_326 : vector<16xi32>
    %min3A_331 = vector.broadcast %jit3A_328 : i32 to vector<16xi32>
    %min3A_332 = arith.minsi %min3A_331, %max3A_330 : vector<16xi32>
    %add3A_333 = arith.constant 1024 : i32
    %add3A_334 = vector.broadcast %add3A_333 : i32 to vector<16xi32>
    %add3A_335 = arith.addi %min3A_332, %add3A_334 : vector<16xi32>
    %swap3A_336 = arith.constant 2 : i32
    %swap3A_337 = arith.index_cast %swap3A_336 : i32 to index
    %swap3A_338 = arith.constant 0 : index
    %swap3A_339 = tpu.vector_load %arg5[%swap3A_337, %swap3A_338] {strides = array<i32>} : memref<256x128xi32, #tpu.memory_space<vmem>>, vector<1x16xi32>,
    %swap3A_340 = vector.shape_cast %swap3A_339 : vector<1x16xi32> to vector<16xi32>
    %swap3A_341 = vector.shape_cast %add3A_335 : vector<16xi32> to vector<1x16xi32>
    tpu.vector_store %arg5[%swap3A_337, %swap3A_338], %swap3A_341 {strides = array<i32>} : memref<256x128xi32, #tpu.memory_space<vmem>>, vector<1x16xi32>,
    %get3A_342 = arith.constant 2 : i32
    %get3A_343 = arith.index_cast %get3A_342 : i32 to index
    %get3A_344 = arith.constant 16 : index
    %get3A_345 = tpu.vector_load %arg5[%get3A_343, %get3A_344] {strides = array<i32>} : memref<256x128xi32, #tpu.memory_space<vmem>>, vector<1x16xi32>,
    %get3A_346 = vector.shape_cast %get3A_345 : vector<1x16xi32> to vector<16xi32>
    %jit3A_347 = arith.constant -1024 : i32
    %jit3A_348 = arith.constant 1023 : i32
    %max3A_349 = vector.broadcast %jit3A_347 : i32 to vector<16xi32>
    %max3A_350 = arith.maxsi %max3A_349, %get3A_346 : vector<16xi32>
    %min3A_351 = vector.broadcast %jit3A_348 : i32 to vector<16xi32>
    %min3A_352 = arith.minsi %min3A_351, %max3A_350 : vector<16xi32>
    %add3A_353 = arith.constant 1024 : i32
    %add3A_354 = vector.broadcast %add3A_353 : i32 to vector<16xi32>
    %add3A_355 = arith.addi %min3A_352, %add3A_354 : vector<16xi32>
    %swap3A_356 = arith.constant 2 : i32
    %swap3A_357 = arith.index_cast %swap3A_356 : i32 to index
    %swap3A_358 = arith.constant 16 : index
    %swap3A_359 = tpu.vector_load %arg5[%swap3A_357, %swap3A_358] {strides = array<i32>} : memref<256x128xi32, #tpu.memory_space<vmem>>, vector<1x16xi32>,
    %swap3A_360 = vector.shape_cast %swap3A_359 : vector<1x16xi32> to vector<16xi32>
    %swap3A_361 = vector.shape_cast %add3A_355 : vector<16xi32> to vector<1x16xi32>
    tpu.vector_store %arg5[%swap3A_357, %swap3A_358], %swap3A_361 {strides = array<i32>} : memref<256x128xi32, #tpu.memory_space<vmem>>, vector<1x16xi32>,
    %get3A_362 = arith.constant 2 : i32
    %get3A_363 = arith.index_cast %get3A_362 : i32 to index
    %get3A_364 = arith.constant 32 : index
    %get3A_365 = tpu.vector_load %arg5[%get3A_363, %get3A_364] {strides = array<i32>} : memref<256x128xi32, #tpu.memory_space<vmem>>, vector<1x16xi32>,
    %get3A_366 = vector.shape_cast %get3A_365 : vector<1x16xi32> to vector<16xi32>
    %jit3A_367 = arith.constant -1024 : i32
    %jit3A_368 = arith.constant 1023 : i32
    %max3A_369 = vector.broadcast %jit3A_367 : i32 to vector<16xi32>
    %max3A_370 = arith.maxsi %max3A_369, %get3A_366 : vector<16xi32>
    %min3A_371 = vector.broadcast %jit3A_368 : i32 to vector<16xi32>
    %min3A_372 = arith.minsi %min3A_371, %max3A_370 : vector<16xi32>
    %add3A_373 = arith.constant 1024 : i32
    %add3A_374 = vector.broadcast %add3A_373 : i32 to vector<16xi32>
    %add3A_375 = arith.addi %min3A_372, %add3A_374 : vector<16xi32>
    %swap3A_376 = arith.constant 2 : i32
    %swap3A_377 = arith.index_cast %swap3A_376 : i32 to index
    %swap3A_378 = arith.constant 32 : index
    %swap3A_379 = tpu.vector_load %arg5[%swap3A_377, %swap3A_378] {strides = array<i32>} : memref<256x128xi32, #tpu.memory_space<vmem>>, vector<1x16xi32>,
    %swap3A_380 = vector.shape_cast %swap3A_379 : vector<1x16xi32> to vector<16xi32>
    %swap3A_381 = vector.shape_cast %add3A_375 : vector<16xi32> to vector<1x16xi32>
    tpu.vector_store %arg5[%swap3A_377, %swap3A_378], %swap3A_381 {strides = array<i32>} : memref<256x128xi32, #tpu.memory_space<vmem>>, vector<1x16xi32>,
    %get3A_382 = arith.constant 2 : i32
    %get3A_383 = arith.index_cast %get3A_382 : i32 to index
    %get3A_384 = arith.constant 48 : index
    %get3A_385 = tpu.vector_load %arg5[%get3A_383, %get3A_384] {strides = array<i32>} : memref<256x128xi32, #tpu.memory_space<vmem>>, vector<1x16xi32>,
    %get3A_386 = vector.shape_cast %get3A_385 : vector<1x16xi32> to vector<16xi32>
    %jit3A_387 = arith.constant -1024 : i32
    %jit3A_388 = arith.constant 1023 : i32
    %max3A_389 = vector.broadcast %jit3A_387 : i32 to vector<16xi32>
    %max3A_390 = arith.maxsi %max3A_389, %get3A_386 : vector<16xi32>
    %min3A_391 = vector.broadcast %jit3A_388 : i32 to vector<16xi32>
    %min3A_392 = arith.minsi %min3A_391, %max3A_390 : vector<16xi32>
    %add3A_393 = arith.constant 1024 : i32
    %add3A_394 = vector.broadcast %add3A_393 : i32 to vector<16xi32>
    %add3A_395 = arith.addi %min3A_392, %add3A_394 : vector<16xi32>
    %swap3A_396 = arith.constant 2 : i32
    %swap3A_397 = arith.index_cast %swap3A_396 : i32 to index
    %swap3A_398 = arith.constant 48 : index
    %swap3A_399 = tpu.vector_load %arg5[%swap3A_397, %swap3A_398] {strides = array<i32>} : memref<256x128xi32, #tpu.memory_space<vmem>>, vector<1x16xi32>,
    %swap3A_400 = vector.shape_cast %swap3A_399 : vector<1x16xi32> to vector<16xi32>
    %swap3A_401 = vector.shape_cast %add3A_395 : vector<16xi32> to vector<1x16xi32>
    tpu.vector_store %arg5[%swap3A_397, %swap3A_398], %swap3A_401 {strides = array<i32>} : memref<256x128xi32, #tpu.memory_space<vmem>>, vector<1x16xi32>,
    %get3A_402 = arith.constant 2 : i32
    %get3A_403 = arith.index_cast %get3A_402 : i32 to index
    %get3A_404 = arith.constant 64 : index
    %get3A_405 = tpu.vector_load %arg5[%get3A_403, %get3A_404] {strides = array<i32>} : memref<256x128xi32, #tpu.memory_space<vmem>>, vector<1x16xi32>,
    %get3A_406 = vector.shape_cast %get3A_405 : vector<1x16xi32> to vector<16xi32>
    %jit3A_407 = arith.constant -1024 : i32
    %jit3A_408 = arith.constant 1023 : i32
    %max3A_409 = vector.broadcast %jit3A_407 : i32 to vector<16xi32>
    %max3A_410 = arith.maxsi %max3A_409, %get3A_406 : vector<16xi32>
    %min3A_411 = vector.broadcast %jit3A_408 : i32 to vector<16xi32>
    %min3A_412 = arith.minsi %min3A_411, %max3A_410 : vector<16xi32>
    %add3A_413 = arith.constant 1024 : i32
    %add3A_414 = vector.broadcast %add3A_413 : i32 to vector<16xi32>
    %add3A_415 = arith.addi %min3A_412, %add3A_414 : vector<16xi32>
    %swap3A_416 = arith.constant 2 : i32
    %swap3A_417 = arith.index_cast %swap3A_416 : i32 to index
    %swap3A_418 = arith.constant 64 : index
    %swap3A_419 = tpu.vector_load %arg5[%swap3A_417, %swap3A_418] {strides = array<i32>} : memref<256x128xi32, #tpu.memory_space<vmem>>, vector<1x16xi32>,
    %swap3A_420 = vector.shape_cast %swap3A_419 : vector<1x16xi32> to vector<16xi32>
    %swap3A_421 = vector.shape_cast %add3A_415 : vector<16xi32> to vector<1x16xi32>
    tpu.vector_store %arg5[%swap3A_417, %swap3A_418], %swap3A_421 {strides = array<i32>} : memref<256x128xi32, #tpu.memory_space<vmem>>, vector<1x16xi32>,
    %get3A_422 = arith.constant 2 : i32
    %get3A_423 = arith.index_cast %get3A_422 : i32 to index
    %get3A_424 = arith.constant 80 : index
    %get3A_425 = tpu.vector_load %arg5[%get3A_423, %get3A_424] {strides = array<i32>} : memref<256x128xi32, #tpu.memory_space<vmem>>, vector<1x16xi32>,
    %get3A_426 = vector.shape_cast %get3A_425 : vector<1x16xi32> to vector<16xi32>
    %jit3A_427 = arith.constant -1024 : i32
    %jit3A_428 = arith.constant 1023 : i32
    %max3A_429 = vector.broadcast %jit3A_427 : i32 to vector<16xi32>
    %max3A_430 = arith.maxsi %max3A_429, %get3A_426 : vector<16xi32>
    %min3A_431 = vector.broadcast %jit3A_428 : i32 to vector<16xi32>
    %min3A_432 = arith.minsi %min3A_431, %max3A_430 : vector<16xi32>
    %add3A_433 = arith.constant 1024 : i32
    %add3A_434 = vector.broadcast %add3A_433 : i32 to vector<16xi32>
    %add3A_435 = arith.addi %min3A_432, %add3A_434 : vector<16xi32>
    %swap3A_436 = arith.constant 2 : i32
    %swap3A_437 = arith.index_cast %swap3A_436 : i32 to index
    %swap3A_438 = arith.constant 80 : index
    %swap3A_439 = tpu.vector_load %arg5[%swap3A_437, %swap3A_438] {strides = array<i32>} : memref<256x128xi32, #tpu.memory_space<vmem>>, vector<1x16xi32>,
    %swap3A_440 = vector.shape_cast %swap3A_439 : vector<1x16xi32> to vector<16xi32>
    %swap3A_441 = vector.shape_cast %add3A_435 : vector<16xi32> to vector<1x16xi32>
    tpu.vector_store %arg5[%swap3A_437, %swap3A_438], %swap3A_441 {strides = array<i32>} : memref<256x128xi32, #tpu.memory_space<vmem>>, vector<1x16xi32>,
    %get3A_442 = arith.constant 2 : i32
    %get3A_443 = arith.index_cast %get3A_442 : i32 to index
    %get3A_444 = arith.constant 96 : index
    %get3A_445 = tpu.vector_load %arg5[%get3A_443, %get3A_444] {strides = array<i32>} : memref<256x128xi32, #tpu.memory_space<vmem>>, vector<1x16xi32>,
    %get3A_446 = vector.shape_cast %get3A_445 : vector<1x16xi32> to vector<16xi32>
    %jit3A_447 = arith.constant -1024 : i32
    %jit3A_448 = arith.constant 1023 : i32
    %max3A_449 = vector.broadcast %jit3A_447 : i32 to vector<16xi32>
    %max3A_450 = arith.maxsi %max3A_449, %get3A_446 : vector<16xi32>
    %min3A_451 = vector.broadcast %jit3A_448 : i32 to vector<16xi32>
    %min3A_452 = arith.minsi %min3A_451, %max3A_450 : vector<16xi32>
    %add3A_453 = arith.constant 1024 : i32
    %add3A_454 = vector.broadcast %add3A_453 : i32 to vector<16xi32>
    %add3A_455 = arith.addi %min3A_452, %add3A_454 : vector<16xi32>
    %swap3A_456 = arith.constant 2 : i32
    %swap3A_457 = arith.index_cast %swap3A_456 : i32 to index
    %swap3A_458 = arith.constant 96 : index
    %swap3A_459 = tpu.vector_load %arg5[%swap3A_457, %swap3A_458] {strides = array<i32>} : memref<256x128xi32, #tpu.memory_space<vmem>>, vector<1x16xi32>,
    %swap3A_460 = vector.shape_cast %swap3A_459 : vector<1x16xi32> to vector<16xi32>
    %swap3A_461 = vector.shape_cast %add3A_455 : vector<16xi32> to vector<1x16xi32>
    tpu.vector_store %arg5[%swap3A_457, %swap3A_458], %swap3A_461 {strides = array<i32>} : memref<256x128xi32, #tpu.memory_space<vmem>>, vector<1x16xi32>,
    %get3A_462 = arith.constant 2 : i32
    %get3A_463 = arith.index_cast %get3A_462 : i32 to index
    %get3A_464 = arith.constant 112 : index
    %get3A_465 = tpu.vector_load %arg5[%get3A_463, %get3A_464] {strides = array<i32>} : memref<256x128xi32, #tpu.memory_space<vmem>>, vector<1x16xi32>,
    %get3A_466 = vector.shape_cast %get3A_465 : vector<1x16xi32> to vector<16xi32>
    %jit3A_467 = arith.constant -1024 : i32
    %jit3A_468 = arith.constant 1023 : i32
    %max3A_469 = vector.broadcast %jit3A_467 : i32 to vector<16xi32>
    %max3A_470 = arith.maxsi %max3A_469, %get3A_466 : vector<16xi32>
    %min3A_471 = vector.broadcast %jit3A_468 : i32 to vector<16xi32>
    %min3A_472 = arith.minsi %min3A_471, %max3A_470 : vector<16xi32>
    %add3A_473 = arith.constant 1024 : i32
    %add3A_474 = vector.broadcast %add3A_473 : i32 to vector<16xi32>
    %add3A_475 = arith.addi %min3A_472, %add3A_474 : vector<16xi32>
    %swap3A_476 = arith.constant 2 : i32
    %swap3A_477 = arith.index_cast %swap3A_476 : i32 to index
    %swap3A_478 = arith.constant 112 : index
    %swap3A_479 = tpu.vector_load %arg5[%swap3A_477, %swap3A_478] {strides = array<i32>} : memref<256x128xi32, #tpu.memory_space<vmem>>, vector<1x16xi32>,
    %swap3A_480 = vector.shape_cast %swap3A_479 : vector<1x16xi32> to vector<16xi32>
    %swap3A_481 = vector.shape_cast %add3A_475 : vector<16xi32> to vector<1x16xi32>
    tpu.vector_store %arg5[%swap3A_477, %swap3A_478], %swap3A_481 {strides = array<i32>} : memref<256x128xi32, #tpu.memory_space<vmem>>, vector<1x16xi32>,
    %get3A_482 = arith.constant 3 : i32
    %get3A_483 = arith.index_cast %get3A_482 : i32 to index
    %get3A_484 = arith.constant 0 : index
    %get3A_485 = tpu.vector_load %arg5[%get3A_483, %get3A_484] {strides = array<i32>} : memref<256x128xi32, #tpu.memory_space<vmem>>, vector<1x16xi32>,
    %get3A_486 = vector.shape_cast %get3A_485 : vector<1x16xi32> to vector<16xi32>
    %jit3A_487 = arith.constant -1024 : i32
    %jit3A_488 = arith.constant 1023 : i32
    %max3A_489 = vector.broadcast %jit3A_487 : i32 to vector<16xi32>
    %max3A_490 = arith.maxsi %max3A_489, %get3A_486 : vector<16xi32>
    %min3A_491 = vector.broadcast %jit3A_488 : i32 to vector<16xi32>
    %min3A_492 = arith.minsi %min3A_491, %max3A_490 : vector<16xi32>
    %add3A_493 = arith.constant 1024 : i32
    %add3A_494 = vector.broadcast %add3A_493 : i32 to vector<16xi32>
    %add3A_495 = arith.addi %min3A_492, %add3A_494 : vector<16xi32>
    %swap3A_496 = arith.constant 3 : i32
    %swap3A_497 = arith.index_cast %swap3A_496 : i32 to index
    %swap3A_498 = arith.constant 0 : index
    %swap3A_499 = tpu.vector_load %arg5[%swap3A_497, %swap3A_498] {strides = array<i32>} : memref<256x128xi32, #tpu.memory_space<vmem>>, vector<1x16xi32>,
    %swap3A_500 = vector.shape_cast %swap3A_499 : vector<1x16xi32> to vector<16xi32>
    %swap3A_501 = vector.shape_cast %add3A_495 : vector<16xi32> to vector<1x16xi32>
    tpu.vector_store %arg5[%swap3A_497, %swap3A_498], %swap3A_501 {strides = array<i32>} : memref<256x128xi32, #tpu.memory_space<vmem>>, vector<1x16xi32>,
    %get3A_502 = arith.constant 3 : i32
    %get3A_503 = arith.index_cast %get3A_502 : i32 to index
    %get3A_504 = arith.constant 16 : index
    %get3A_505 = tpu.vector_load %arg5[%get3A_503, %get3A_504] {strides = array<i32>} : memref<256x128xi32, #tpu.memory_space<vmem>>, vector<1x16xi32>,
    %get3A_506 = vector.shape_cast %get3A_505 : vector<1x16xi32> to vector<16xi32>
    %jit3A_507 = arith.constant -1024 : i32
    %jit3A_508 = arith.constant 1023 : i32
    %max3A_509 = vector.broadcast %jit3A_507 : i32 to vector<16xi32>
    %max3A_510 = arith.maxsi %max3A_509, %get3A_506 : vector<16xi32>
    %min3A_511 = vector.broadcast %jit3A_508 : i32 to vector<16xi32>
    %min3A_512 = arith.minsi %min3A_511, %max3A_510 : vector<16xi32>
    %add3A_513 = arith.constant 1024 : i32
    %add3A_514 = vector.broadcast %add3A_513 : i32 to vector<16xi32>
    %add3A_515 = arith.addi %min3A_512, %add3A_514 : vector<16xi32>
    %swap3A_516 = arith.constant 3 : i32
    %swap3A_517 = arith.index_cast %swap3A_516 : i32 to index
    %swap3A_518 = arith.constant 16 : index
    %swap3A_519 = tpu.vector_load %arg5[%swap3A_517, %swap3A_518] {strides = array<i32>} : memref<256x128xi32, #tpu.memory_space<vmem>>, vector<1x16xi32>,
    %swap3A_520 = vector.shape_cast %swap3A_519 : vector<1x16xi32> to vector<16xi32>
    %swap3A_521 = vector.shape_cast %add3A_515 : vector<16xi32> to vector<1x16xi32>
    tpu.vector_store %arg5[%swap3A_517, %swap3A_518], %swap3A_521 {strides = array<i32>} : memref<256x128xi32, #tpu.memory_space<vmem>>, vector<1x16xi32>,
    %get3A_522 = arith.constant 3 : i32
    %get3A_523 = arith.index_cast %get3A_522 : i32 to index
    %get3A_524 = arith.constant 32 : index
    %get3A_525 = tpu.vector_load %arg5[%get3A_523, %get3A_524] {strides = array<i32>} : memref<256x128xi32, #tpu.memory_space<vmem>>, vector<1x16xi32>,
    %get3A_526 = vector.shape_cast %get3A_525 : vector<1x16xi32> to vector<16xi32>
    %jit3A_527 = arith.constant -1024 : i32
    %jit3A_528 = arith.constant 1023 : i32
    %max3A_529 = vector.broadcast %jit3A_527 : i32 to vector<16xi32>
    %max3A_530 = arith.maxsi %max3A_529, %get3A_526 : vector<16xi32>
    %min3A_531 = vector.broadcast %jit3A_528 : i32 to vector<16xi32>
    %min3A_532 = arith.minsi %min3A_531, %max3A_530 : vector<16xi32>
    %add3A_533 = arith.constant 1024 : i32
    %add3A_534 = vector.broadcast %add3A_533 : i32 to vector<16xi32>
    %add3A_535 = arith.addi %min3A_532, %add3A_534 : vector<16xi32>
    %swap3A_536 = arith.constant 3 : i32
    %swap3A_537 = arith.index_cast %swap3A_536 : i32 to index
    %swap3A_538 = arith.constant 32 : index
    %swap3A_539 = tpu.vector_load %arg5[%swap3A_537, %swap3A_538] {strides = array<i32>} : memref<256x128xi32, #tpu.memory_space<vmem>>, vector<1x16xi32>,
    %swap3A_540 = vector.shape_cast %swap3A_539 : vector<1x16xi32> to vector<16xi32>
    %swap3A_541 = vector.shape_cast %add3A_535 : vector<16xi32> to vector<1x16xi32>
    tpu.vector_store %arg5[%swap3A_537, %swap3A_538], %swap3A_541 {strides = array<i32>} : memref<256x128xi32, #tpu.memory_space<vmem>>, vector<1x16xi32>,
    %get3A_542 = arith.constant 3 : i32
    %get3A_543 = arith.index_cast %get3A_542 : i32 to index
    %get3A_544 = arith.constant 48 : index
    %get3A_545 = tpu.vector_load %arg5[%get3A_543, %get3A_544] {strides = array<i32>} : memref<256x128xi32, #tpu.memory_space<vmem>>, vector<1x16xi32>,
    %get3A_546 = vector.shape_cast %get3A_545 : vector<1x16xi32> to vector<16xi32>
    %jit3A_547 = arith.constant -1024 : i32
    %jit3A_548 = arith.constant 1023 : i32
    %max3A_549 = vector.broadcast %jit3A_547 : i32 to vector<16xi32>
    %max3A_550 = arith.maxsi %max3A_549, %get3A_546 : vector<16xi32>
    %min3A_551 = vector.broadcast %jit3A_548 : i32 to vector<16xi32>
    %min3A_552 = arith.minsi %min3A_551, %max3A_550 : vector<16xi32>
    %add3A_553 = arith.constant 1024 : i32
    %add3A_554 = vector.broadcast %add3A_553 : i32 to vector<16xi32>
    %add3A_555 = arith.addi %min3A_552, %add3A_554 : vector<16xi32>
    %swap3A_556 = arith.constant 3 : i32
    %swap3A_557 = arith.index_cast %swap3A_556 : i32 to index
    %swap3A_558 = arith.constant 48 : index
    %swap3A_559 = tpu.vector_load %arg5[%swap3A_557, %swap3A_558] {strides = array<i32>} : memref<256x128xi32, #tpu.memory_space<vmem>>, vector<1x16xi32>,
    %swap3A_560 = vector.shape_cast %swap3A_559 : vector<1x16xi32> to vector<16xi32>
    %swap3A_561 = vector.shape_cast %add3A_555 : vector<16xi32> to vector<1x16xi32>
    tpu.vector_store %arg5[%swap3A_557, %swap3A_558], %swap3A_561 {strides = array<i32>} : memref<256x128xi32, #tpu.memory_space<vmem>>, vector<1x16xi32>,
    %get3A_562 = arith.constant 3 : i32
    %get3A_563 = arith.index_cast %get3A_562 : i32 to index
    %get3A_564 = arith.constant 64 : index
    %get3A_565 = tpu.vector_load %arg5[%get3A_563, %get3A_564] {strides = array<i32>} : memref<256x128xi32, #tpu.memory_space<vmem>>, vector<1x16xi32>,
    %get3A_566 = vector.shape_cast %get3A_565 : vector<1x16xi32> to vector<16xi32>
    %jit3A_567 = arith.constant -1024 : i32
    %jit3A_568 = arith.constant 1023 : i32
    %max3A_569 = vector.broadcast %jit3A_567 : i32 to vector<16xi32>
    %max3A_570 = arith.maxsi %max3A_569, %get3A_566 : vector<16xi32>
    %min3A_571 = vector.broadcast %jit3A_568 : i32 to vector<16xi32>
    %min3A_572 = arith.minsi %min3A_571, %max3A_570 : vector<16xi32>
    %add3A_573 = arith.constant 1024 : i32
    %add3A_574 = vector.broadcast %add3A_573 : i32 to vector<16xi32>
    %add3A_575 = arith.addi %min3A_572, %add3A_574 : vector<16xi32>
    %swap3A_576 = arith.constant 3 : i32
    %swap3A_577 = arith.index_cast %swap3A_576 : i32 to index
    %swap3A_578 = arith.constant 64 : index
    %swap3A_579 = tpu.vector_load %arg5[%swap3A_577, %swap3A_578] {strides = array<i32>} : memref<256x128xi32, #tpu.memory_space<vmem>>, vector<1x16xi32>,
    %swap3A_580 = vector.shape_cast %swap3A_579 : vector<1x16xi32> to vector<16xi32>
    %swap3A_581 = vector.shape_cast %add3A_575 : vector<16xi32> to vector<1x16xi32>
    tpu.vector_store %arg5[%swap3A_577, %swap3A_578], %swap3A_581 {strides = array<i32>} : memref<256x128xi32, #tpu.memory_space<vmem>>, vector<1x16xi32>,
    %get3A_582 = arith.constant 3 : i32
    %get3A_583 = arith.index_cast %get3A_582 : i32 to index
    %get3A_584 = arith.constant 80 : index
    %get3A_585 = tpu.vector_load %arg5[%get3A_583, %get3A_584] {strides = array<i32>} : memref<256x128xi32, #tpu.memory_space<vmem>>, vector<1x16xi32>,
    %get3A_586 = vector.shape_cast %get3A_585 : vector<1x16xi32> to vector<16xi32>
    %jit3A_587 = arith.constant -1024 : i32
    %jit3A_588 = arith.constant 1023 : i32
    %max3A_589 = vector.broadcast %jit3A_587 : i32 to vector<16xi32>
    %max3A_590 = arith.maxsi %max3A_589, %get3A_586 : vector<16xi32>
    %min3A_591 = vector.broadcast %jit3A_588 : i32 to vector<16xi32>
    %min3A_592 = arith.minsi %min3A_591, %max3A_590 : vector<16xi32>
    %add3A_593 = arith.constant 1024 : i32
    %add3A_594 = vector.broadcast %add3A_593 : i32 to vector<16xi32>
    %add3A_595 = arith.addi %min3A_592, %add3A_594 : vector<16xi32>
    %swap3A_596 = arith.constant 3 : i32
    %swap3A_597 = arith.index_cast %swap3A_596 : i32 to index
    %swap3A_598 = arith.constant 80 : index
    %swap3A_599 = tpu.vector_load %arg5[%swap3A_597, %swap3A_598] {strides = array<i32>} : memref<256x128xi32, #tpu.memory_space<vmem>>, vector<1x16xi32>,
    %swap3A_600 = vector.shape_cast %swap3A_599 : vector<1x16xi32> to vector<16xi32>
    %swap3A_601 = vector.shape_cast %add3A_595 : vector<16xi32> to vector<1x16xi32>
    tpu.vector_store %arg5[%swap3A_597, %swap3A_598], %swap3A_601 {strides = array<i32>} : memref<256x128xi32, #tpu.memory_space<vmem>>, vector<1x16xi32>,
    %get3A_602 = arith.constant 3 : i32
    %get3A_603 = arith.index_cast %get3A_602 : i32 to index
    %get3A_604 = arith.constant 96 : index
    %get3A_605 = tpu.vector_load %arg5[%get3A_603, %get3A_604] {strides = array<i32>} : memref<256x128xi32, #tpu.memory_space<vmem>>, vector<1x16xi32>,
    %get3A_606 = vector.shape_cast %get3A_605 : vector<1x16xi32> to vector<16xi32>
    %jit3A_607 = arith.constant -1024 : i32
    %jit3A_608 = arith.constant 1023 : i32
    %max3A_609 = vector.broadcast %jit3A_607 : i32 to vector<16xi32>
    %max3A_610 = arith.maxsi %max3A_609, %get3A_606 : vector<16xi32>
    %min3A_611 = vector.broadcast %jit3A_608 : i32 to vector<16xi32>
    %min3A_612 = arith.minsi %min3A_611, %max3A_610 : vector<16xi32>
    %add3A_613 = arith.constant 1024 : i32
    %add3A_614 = vector.broadcast %add3A_613 : i32 to vector<16xi32>
    %add3A_615 = arith.addi %min3A_612, %add3A_614 : vector<16xi32>
    %swap3A_616 = arith.constant 3 : i32
    %swap3A_617 = arith.index_cast %swap3A_616 : i32 to index
    %swap3A_618 = arith.constant 96 : index
    %swap3A_619 = tpu.vector_load %arg5[%swap3A_617, %swap3A_618] {strides = array<i32>} : memref<256x128xi32, #tpu.memory_space<vmem>>, vector<1x16xi32>,
    %swap3A_620 = vector.shape_cast %swap3A_619 : vector<1x16xi32> to vector<16xi32>
    %swap3A_621 = vector.shape_cast %add3A_615 : vector<16xi32> to vector<1x16xi32>
    tpu.vector_store %arg5[%swap3A_617, %swap3A_618], %swap3A_621 {strides = array<i32>} : memref<256x128xi32, #tpu.memory_space<vmem>>, vector<1x16xi32>,
    %get3A_622 = arith.constant 3 : i32
    %get3A_623 = arith.index_cast %get3A_622 : i32 to index
    %get3A_624 = arith.constant 112 : index
    %get3A_625 = tpu.vector_load %arg5[%get3A_623, %get3A_624] {strides = array<i32>} : memref<256x128xi32, #tpu.memory_space<vmem>>, vector<1x16xi32>,
    %get3A_626 = vector.shape_cast %get3A_625 : vector<1x16xi32> to vector<16xi32>
    %jit3A_627 = arith.constant -1024 : i32
    %jit3A_628 = arith.constant 1023 : i32
    %max3A_629 = vector.broadcast %jit3A_627 : i32 to vector<16xi32>
    %max3A_630 = arith.maxsi %max3A_629, %get3A_626 : vector<16xi32>
    %min3A_631 = vector.broadcast %jit3A_628 : i32 to vector<16xi32>
    %min3A_632 = arith.minsi %min3A_631, %max3A_630 : vector<16xi32>
    %add3A_633 = arith.constant 1024 : i32
    %add3A_634 = vector.broadcast %add3A_633 : i32 to vector<16xi32>
    %add3A_635 = arith.addi %min3A_632, %add3A_634 : vector<16xi32>
    %swap3A_636 = arith.constant 3 : i32
    %swap3A_637 = arith.index_cast %swap3A_636 : i32 to index
    %swap3A_638 = arith.constant 112 : index
    %swap3A_639 = tpu.vector_load %arg5[%swap3A_637, %swap3A_638] {strides = array<i32>} : memref<256x128xi32, #tpu.memory_space<vmem>>, vector<1x16xi32>,
    %swap3A_640 = vector.shape_cast %swap3A_639 : vector<1x16xi32> to vector<16xi32>
    %swap3A_641 = vector.shape_cast %add3A_635 : vector<16xi32> to vector<1x16xi32>
    tpu.vector_store %arg5[%swap3A_637, %swap3A_638], %swap3A_641 {strides = array<i32>} : memref<256x128xi32, #tpu.memory_space<vmem>>, vector<1x16xi32>,
    %get3A_642 = arith.constant 4 : i32
    %get3A_643 = arith.index_cast %get3A_642 : i32 to index
    %get3A_644 = arith.constant 0 : index
    %get3A_645 = tpu.vector_load %arg5[%get3A_643, %get3A_644] {strides = array<i32>} : memref<256x128xi32, #tpu.memory_space<vmem>>, vector<1x16xi32>,
    %get3A_646 = vector.shape_cast %get3A_645 : vector<1x16xi32> to vector<16xi32>
    %jit3A_647 = arith.constant -1024 : i32
    %jit3A_648 = arith.constant 1023 : i32
    %max3A_649 = vector.broadcast %jit3A_647 : i32 to vector<16xi32>
    %max3A_650 = arith.maxsi %max3A_649, %get3A_646 : vector<16xi32>
    %min3A_651 = vector.broadcast %jit3A_648 : i32 to vector<16xi32>
    %min3A_652 = arith.minsi %min3A_651, %max3A_650 : vector<16xi32>
    %add3A_653 = arith.constant 1024 : i32
    %add3A_654 = vector.broadcast %add3A_653 : i32 to vector<16xi32>
    %add3A_655 = arith.addi %min3A_652, %add3A_654 : vector<16xi32>
    %swap3A_656 = arith.constant 4 : i32
    %swap3A_657 = arith.index_cast %swap3A_656 : i32 to index
    %swap3A_658 = arith.constant 0 : index
    %swap3A_659 = tpu.vector_load %arg5[%swap3A_657, %swap3A_658] {strides = array<i32>} : memref<256x128xi32, #tpu.memory_space<vmem>>, vector<1x16xi32>,
    %swap3A_660 = vector.shape_cast %swap3A_659 : vector<1x16xi32> to vector<16xi32>
    %swap3A_661 = vector.shape_cast %add3A_655 : vector<16xi32> to vector<1x16xi32>
    tpu.vector_store %arg5[%swap3A_657, %swap3A_658], %swap3A_661 {strides = array<i32>} : memref<256x128xi32, #tpu.memory_space<vmem>>, vector<1x16xi32>,
    %get3A_662 = arith.constant 4 : i32
    %get3A_663 = arith.index_cast %get3A_662 : i32 to index
    %get3A_664 = arith.constant 16 : index
    %get3A_665 = tpu.vector_load %arg5[%get3A_663, %get3A_664] {strides = array<i32>} : memref<256x128xi32, #tpu.memory_space<vmem>>, vector<1x16xi32>,
    %get3A_666 = vector.shape_cast %get3A_665 : vector<1x16xi32> to vector<16xi32>
    %jit3A_667 = arith.constant -1024 : i32
    %jit3A_668 = arith.constant 1023 : i32
    %max3A_669 = vector.broadcast %jit3A_667 : i32 to vector<16xi32>
    %max3A_670 = arith.maxsi %max3A_669, %get3A_666 : vector<16xi32>
    %min3A_671 = vector.broadcast %jit3A_668 : i32 to vector<16xi32>
    %min3A_672 = arith.minsi %min3A_671, %max3A_670 : vector<16xi32>
    %add3A_673 = arith.constant 1024 : i32
    %add3A_674 = vector.broadcast %add3A_673 : i32 to vector<16xi32>
    %add3A_675 = arith.addi %min3A_672, %add3A_674 : vector<16xi32>
    %swap3A_676 = arith.constant 4 : i32
    %swap3A_677 = arith.index_cast %swap3A_676 : i32 to index
    %swap3A_678 = arith.constant 16 : index
    %swap3A_679 = tpu.vector_load %arg5[%swap3A_677, %swap3A_678] {strides = array<i32>} : memref<256x128xi32, #tpu.memory_space<vmem>>, vector<1x16xi32>,
    %swap3A_680 = vector.shape_cast %swap3A_679 : vector<1x16xi32> to vector<16xi32>
    %swap3A_681 = vector.shape_cast %add3A_675 : vector<16xi32> to vector<1x16xi32>
    tpu.vector_store %arg5[%swap3A_677, %swap3A_678], %swap3A_681 {strides = array<i32>} : memref<256x128xi32, #tpu.memory_space<vmem>>, vector<1x16xi32>,
    %get3A_682 = arith.constant 4 : i32
    %get3A_683 = arith.index_cast %get3A_682 : i32 to index
    %get3A_684 = arith.constant 32 : index
    %get3A_685 = tpu.vector_load %arg5[%get3A_683, %get3A_684] {strides = array<i32>} : memref<256x128xi32, #tpu.memory_space<vmem>>, vector<1x16xi32>,
    %get3A_686 = vector.shape_cast %get3A_685 : vector<1x16xi32> to vector<16xi32>
    %jit3A_687 = arith.constant -1024 : i32
    %jit3A_688 = arith.constant 1023 : i32
    %max3A_689 = vector.broadcast %jit3A_687 : i32 to vector<16xi32>
    %max3A_690 = arith.maxsi %max3A_689, %get3A_686 : vector<16xi32>
    %min3A_691 = vector.broadcast %jit3A_688 : i32 to vector<16xi32>
    %min3A_692 = arith.minsi %min3A_691, %max3A_690 : vector<16xi32>
    %add3A_693 = arith.constant 1024 : i32
    %add3A_694 = vector.broadcast %add3A_693 : i32 to vector<16xi32>
    %add3A_695 = arith.addi %min3A_692, %add3A_694 : vector<16xi32>
    %swap3A_696 = arith.constant 4 : i32
    %swap3A_697 = arith.index_cast %swap3A_696 : i32 to index
    %swap3A_698 = arith.constant 32 : index
    %swap3A_699 = tpu.vector_load %arg5[%swap3A_697, %swap3A_698] {strides = array<i32>} : memref<256x128xi32, #tpu.memory_space<vmem>>, vector<1x16xi32>,
    %swap3A_700 = vector.shape_cast %swap3A_699 : vector<1x16xi32> to vector<16xi32>
    %swap3A_701 = vector.shape_cast %add3A_695 : vector<16xi32> to vector<1x16xi32>
    tpu.vector_store %arg5[%swap3A_697, %swap3A_698], %swap3A_701 {strides = array<i32>} : memref<256x128xi32, #tpu.memory_space<vmem>>, vector<1x16xi32>,
    %get3A_702 = arith.constant 4 : i32
    %get3A_703 = arith.index_cast %get3A_702 : i32 to index
    %get3A_704 = arith.constant 48 : index
    %get3A_705 = tpu.vector_load %arg5[%get3A_703, %get3A_704] {strides = array<i32>} : memref<256x128xi32, #tpu.memory_space<vmem>>, vector<1x16xi32>,
    %get3A_706 = vector.shape_cast %get3A_705 : vector<1x16xi32> to vector<16xi32>
    %jit3A_707 = arith.constant -1024 : i32
    %jit3A_708 = arith.constant 1023 : i32
    %max3A_709 = vector.broadcast %jit3A_707 : i32 to vector<16xi32>
    %max3A_710 = arith.maxsi %max3A_709, %get3A_706 : vector<16xi32>
    %min3A_711 = vector.broadcast %jit3A_708 : i32 to vector<16xi32>
    %min3A_712 = arith.minsi %min3A_711, %max3A_710 : vector<16xi32>
    %add3A_713 = arith.constant 1024 : i32
    %add3A_714 = vector.broadcast %add3A_713 : i32 to vector<16xi32>
    %add3A_715 = arith.addi %min3A_712, %add3A_714 : vector<16xi32>
    %swap3A_716 = arith.constant 4 : i32
    %swap3A_717 = arith.index_cast %swap3A_716 : i32 to index
    %swap3A_718 = arith.constant 48 : index
    %swap3A_719 = tpu.vector_load %arg5[%swap3A_717, %swap3A_718] {strides = array<i32>} : memref<256x128xi32, #tpu.memory_space<vmem>>, vector<1x16xi32>,
    %swap3A_720 = vector.shape_cast %swap3A_719 : vector<1x16xi32> to vector<16xi32>
    %swap3A_721 = vector.shape_cast %add3A_715 : vector<16xi32> to vector<1x16xi32>
    tpu.vector_store %arg5[%swap3A_717, %swap3A_718], %swap3A_721 {strides = array<i32>} : memref<256x128xi32, #tpu.memory_space<vmem>>, vector<1x16xi32>,
    %get3A_722 = arith.constant 4 : i32
    %get3A_723 = arith.index_cast %get3A_722 : i32 to index
    %get3A_724 = arith.constant 64 : index
    %get3A_725 = tpu.vector_load %arg5[%get3A_723, %get3A_724] {strides = array<i32>} : memref<256x128xi32, #tpu.memory_space<vmem>>, vector<1x16xi32>,
    %get3A_726 = vector.shape_cast %get3A_725 : vector<1x16xi32> to vector<16xi32>
    %jit3A_727 = arith.constant -1024 : i32
    %jit3A_728 = arith.constant 1023 : i32
    %max3A_729 = vector.broadcast %jit3A_727 : i32 to vector<16xi32>
    %max3A_730 = arith.maxsi %max3A_729, %get3A_726 : vector<16xi32>
    %min3A_731 = vector.broadcast %jit3A_728 : i32 to vector<16xi32>
    %min3A_732 = arith.minsi %min3A_731, %max3A_730 : vector<16xi32>
    %add3A_733 = arith.constant 1024 : i32
    %add3A_734 = vector.broadcast %add3A_733 : i32 to vector<16xi32>
    %add3A_735 = arith.addi %min3A_732, %add3A_734 : vector<16xi32>
    %swap3A_736 = arith.constant 4 : i32
    %swap3A_737 = arith.index_cast %swap3A_736 : i32 to index
    %swap3A_738 = arith.constant 64 : index
    %swap3A_739 = tpu.vector_load %arg5[%swap3A_737, %swap3A_738] {strides = array<i32>} : memref<256x128xi32, #tpu.memory_space<vmem>>, vector<1x16xi32>,
    %swap3A_740 = vector.shape_cast %swap3A_739 : vector<1x16xi32> to vector<16xi32>
    %swap3A_741 = vector.shape_cast %add3A_735 : vector<16xi32> to vector<1x16xi32>
    tpu.vector_store %arg5[%swap3A_737, %swap3A_738], %swap3A_741 {strides = array<i32>} : memref<256x128xi32, #tpu.memory_space<vmem>>, vector<1x16xi32>,
    %get3A_742 = arith.constant 4 : i32
    %get3A_743 = arith.index_cast %get3A_742 : i32 to index
    %get3A_744 = arith.constant 80 : index
    %get3A_745 = tpu.vector_load %arg5[%get3A_743, %get3A_744] {strides = array<i32>} : memref<256x128xi32, #tpu.memory_space<vmem>>, vector<1x16xi32>,
    %get3A_746 = vector.shape_cast %get3A_745 : vector<1x16xi32> to vector<16xi32>
    %jit3A_747 = arith.constant -1024 : i32
    %jit3A_748 = arith.constant 1023 : i32
    %max3A_749 = vector.broadcast %jit3A_747 : i32 to vector<16xi32>
    %max3A_750 = arith.maxsi %max3A_749, %get3A_746 : vector<16xi32>
    %min3A_751 = vector.broadcast %jit3A_748 : i32 to vector<16xi32>
    %min3A_752 = arith.minsi %min3A_751, %max3A_750 : vector<16xi32>
    %add3A_753 = arith.constant 1024 : i32
    %add3A_754 = vector.broadcast %add3A_753 : i32 to vector<16xi32>
    %add3A_755 = arith.addi %min3A_752, %add3A_754 : vector<16xi32>
    %swap3A_756 = arith.constant 4 : i32
    %swap3A_757 = arith.index_cast %swap3A_756 : i32 to index
    %swap3A_758 = arith.constant 80 : index
    %swap3A_759 = tpu.vector_load %arg5[%swap3A_757, %swap3A_758] {strides = array<i32>} : memref<256x128xi32, #tpu.memory_space<vmem>>, vector<1x16xi32>,
    %swap3A_760 = vector.shape_cast %swap3A_759 : vector<1x16xi32> to vector<16xi32>
    %swap3A_761 = vector.shape_cast %add3A_755 : vector<16xi32> to vector<1x16xi32>
    tpu.vector_store %arg5[%swap3A_757, %swap3A_758], %swap3A_761 {strides = array<i32>} : memref<256x128xi32, #tpu.memory_space<vmem>>, vector<1x16xi32>,
    %get3A_762 = arith.constant 4 : i32
    %get3A_763 = arith.index_cast %get3A_762 : i32 to index
    %get3A_764 = arith.constant 96 : index
    %get3A_765 = tpu.vector_load %arg5[%get3A_763, %get3A_764] {strides = array<i32>} : memref<256x128xi32, #tpu.memory_space<vmem>>, vector<1x16xi32>,
    %get3A_766 = vector.shape_cast %get3A_765 : vector<1x16xi32> to vector<16xi32>
    %jit3A_767 = arith.constant -1024 : i32
    %jit3A_768 = arith.constant 1023 : i32
    %max3A_769 = vector.broadcast %jit3A_767 : i32 to vector<16xi32>
    %max3A_770 = arith.maxsi %max3A_769, %get3A_766 : vector<16xi32>
    %min3A_771 = vector.broadcast %jit3A_768 : i32 to vector<16xi32>
    %min3A_772 = arith.minsi %min3A_771, %max3A_770 : vector<16xi32>
    %add3A_773 = arith.constant 1024 : i32
    %add3A_774 = vector.broadcast %add3A_773 : i32 to vector<16xi32>
    %add3A_775 = arith.addi %min3A_772, %add3A_774 : vector<16xi32>
    %swap3A_776 = arith.constant 4 : i32
    %swap3A_777 = arith.index_cast %swap3A_776 : i32 to index
    %swap3A_778 = arith.constant 96 : index
    %swap3A_779 = tpu.vector_load %arg5[%swap3A_777, %swap3A_778] {strides = array<i32>} : memref<256x128xi32, #tpu.memory_space<vmem>>, vector<1x16xi32>,
    %swap3A_780 = vector.shape_cast %swap3A_779 : vector<1x16xi32> to vector<16xi32>
    %swap3A_781 = vector.shape_cast %add3A_775 : vector<16xi32> to vector<1x16xi32>
    tpu.vector_store %arg5[%swap3A_777, %swap3A_778], %swap3A_781 {strides = array<i32>} : memref<256x128xi32, #tpu.memory_space<vmem>>, vector<1x16xi32>,
    %get3A_782 = arith.constant 4 : i32
    %get3A_783 = arith.index_cast %get3A_782 : i32 to index
    %get3A_784 = arith.constant 112 : index
    %get3A_785 = tpu.vector_load %arg5[%get3A_783, %get3A_784] {strides = array<i32>} : memref<256x128xi32, #tpu.memory_space<vmem>>, vector<1x16xi32>,
    %get3A_786 = vector.shape_cast %get3A_785 : vector<1x16xi32> to vector<16xi32>
    %jit3A_787 = arith.constant -1024 : i32
    %jit3A_788 = arith.constant 1023 : i32
    %max3A_789 = vector.broadcast %jit3A_787 : i32 to vector<16xi32>
    %max3A_790 = arith.maxsi %max3A_789, %get3A_786 : vector<16xi32>
    %min3A_791 = vector.broadcast %jit3A_788 : i32 to vector<16xi32>
    %min3A_792 = arith.minsi %min3A_791, %max3A_790 : vector<16xi32>
    %add3A_793 = arith.constant 1024 : i32
    %add3A_794 = vector.broadcast %add3A_793 : i32 to vector<16xi32>
    %add3A_795 = arith.addi %min3A_792, %add3A_794 : vector<16xi32>
    %swap3A_796 = arith.constant 4 : i32
    %swap3A_797 = arith.index_cast %swap3A_796 : i32 to index
    %swap3A_798 = arith.constant 112 : index
    %swap3A_799 = tpu.vector_load %arg5[%swap3A_797, %swap3A_798] {strides = array<i32>} : memref<256x128xi32, #tpu.memory_space<vmem>>, vector<1x16xi32>,
    %swap3A_800 = vector.shape_cast %swap3A_799 : vector<1x16xi32> to vector<16xi32>
    %swap3A_801 = vector.shape_cast %add3A_795 : vector<16xi32> to vector<1x16xi32>
    tpu.vector_store %arg5[%swap3A_797, %swap3A_798], %swap3A_801 {strides = array<i32>} : memref<256x128xi32, #tpu.memory_space<vmem>>, vector<1x16xi32>,
    %get3A_802 = arith.constant 5 : i32
    %get3A_803 = arith.index_cast %get3A_802 : i32 to index
    %get3A_804 = arith.constant 0 : index
    %get3A_805 = tpu.vector_load %arg5[%get3A_803, %get3A_804] {strides = array<i32>} : memref<256x128xi32, #tpu.memory_space<vmem>>, vector<1x16xi32>,
    %get3A_806 = vector.shape_cast %get3A_805 : vector<1x16xi32> to vector<16xi32>
    %jit3A_807 = arith.constant -1024 : i32
    %jit3A_808 = arith.constant 1023 : i32
    %max3A_809 = vector.broadcast %jit3A_807 : i32 to vector<16xi32>
    %max3A_810 = arith.maxsi %max3A_809, %get3A_806 : vector<16xi32>
    %min3A_811 = vector.broadcast %jit3A_808 : i32 to vector<16xi32>
    %min3A_812 = arith.minsi %min3A_811, %max3A_810 : vector<16xi32>
    %add3A_813 = arith.constant 1024 : i32
    %add3A_814 = vector.broadcast %add3A_813 : i32 to vector<16xi32>
    %add3A_815 = arith.addi %min3A_812, %add3A_814 : vector<16xi32>
    %swap3A_816 = arith.constant 5 : i32
    %swap3A_817 = arith.index_cast %swap3A_816 : i32 to index
    %swap3A_818 = arith.constant 0 : index
    %swap3A_819 = tpu.vector_load %arg5[%swap3A_817, %swap3A_818] {strides = array<i32>} : memref<256x128xi32, #tpu.memory_space<vmem>>, vector<1x16xi32>,
    %swap3A_820 = vector.shape_cast %swap3A_819 : vector<1x16xi32> to vector<16xi32>
    %swap3A_821 = vector.shape_cast %add3A_815 : vector<16xi32> to vector<1x16xi32>
    tpu.vector_store %arg5[%swap3A_817, %swap3A_818], %swap3A_821 {strides = array<i32>} : memref<256x128xi32, #tpu.memory_space<vmem>>, vector<1x16xi32>,
    %get3A_822 = arith.constant 5 : i32
    %get3A_823 = arith.index_cast %get3A_822 : i32 to index
    %get3A_824 = arith.constant 16 : index
    %get3A_825 = tpu.vector_load %arg5[%get3A_823, %get3A_824] {strides = array<i32>} : memref<256x128xi32, #tpu.memory_space<vmem>>, vector<1x16xi32>,
    %get3A_826 = vector.shape_cast %get3A_825 : vector<1x16xi32> to vector<16xi32>
    %jit3A_827 = arith.constant -1024 : i32
    %jit3A_828 = arith.constant 1023 : i32
    %max3A_829 = vector.broadcast %jit3A_827 : i32 to vector<16xi32>
    %max3A_830 = arith.maxsi %max3A_829, %get3A_826 : vector<16xi32>
    %min3A_831 = vector.broadcast %jit3A_828 : i32 to vector<16xi32>
    %min3A_832 = arith.minsi %min3A_831, %max3A_830 : vector<16xi32>
    %add3A_833 = arith.constant 1024 : i32
    %add3A_834 = vector.broadcast %add3A_833 : i32 to vector<16xi32>
    %add3A_835 = arith.addi %min3A_832, %add3A_834 : vector<16xi32>
    %swap3A_836 = arith.constant 5 : i32
    %swap3A_837 = arith.index_cast %swap3A_836 : i32 to index
    %swap3A_838 = arith.constant 16 : index
    %swap3A_839 = tpu.vector_load %arg5[%swap3A_837, %swap3A_838] {strides = array<i32>} : memref<256x128xi32, #tpu.memory_space<vmem>>, vector<1x16xi32>,
    %swap3A_840 = vector.shape_cast %swap3A_839 : vector<1x16xi32> to vector<16xi32>
    %swap3A_841 = vector.shape_cast %add3A_835 : vector<16xi32> to vector<1x16xi32>
    tpu.vector_store %arg5[%swap3A_837, %swap3A_838], %swap3A_841 {strides = array<i32>} : memref<256x128xi32, #tpu.memory_space<vmem>>, vector<1x16xi32>,
    %get3A_842 = arith.constant 5 : i32
    %get3A_843 = arith.index_cast %get3A_842 : i32 to index
    %get3A_844 = arith.constant 32 : index
    %get3A_845 = tpu.vector_load %arg5[%get3A_843, %get3A_844] {strides = array<i32>} : memref<256x128xi32, #tpu.memory_space<vmem>>, vector<1x16xi32>,
    %get3A_846 = vector.shape_cast %get3A_845 : vector<1x16xi32> to vector<16xi32>
    %jit3A_847 = arith.constant -1024 : i32
    %jit3A_848 = arith.constant 1023 : i32
    %max3A_849 = vector.broadcast %jit3A_847 : i32 to vector<16xi32>
    %max3A_850 = arith.maxsi %max3A_849, %get3A_846 : vector<16xi32>
    %min3A_851 = vector.broadcast %jit3A_848 : i32 to vector<16xi32>
    %min3A_852 = arith.minsi %min3A_851, %max3A_850 : vector<16xi32>
    %add3A_853 = arith.constant 1024 : i32
    %add3A_854 = vector.broadcast %add3A_853 : i32 to vector<16xi32>
    %add3A_855 = arith.addi %min3A_852, %add3A_854 : vector<16xi32>
    %swap3A_856 = arith.constant 5 : i32
    %swap3A_857 = arith.index_cast %swap3A_856 : i32 to index
    %swap3A_858 = arith.constant 32 : index
    %swap3A_859 = tpu.vector_load %arg5[%swap3A_857, %swap3A_858] {strides = array<i32>} : memref<256x128xi32, #tpu.memory_space<vmem>>, vector<1x16xi32>,
    %swap3A_860 = vector.shape_cast %swap3A_859 : vector<1x16xi32> to vector<16xi32>
    %swap3A_861 = vector.shape_cast %add3A_855 : vector<16xi32> to vector<1x16xi32>
    tpu.vector_store %arg5[%swap3A_857, %swap3A_858], %swap3A_861 {strides = array<i32>} : memref<256x128xi32, #tpu.memory_space<vmem>>, vector<1x16xi32>,
    %get3A_862 = arith.constant 5 : i32
    %get3A_863 = arith.index_cast %get3A_862 : i32 to index
    %get3A_864 = arith.constant 48 : index
    %get3A_865 = tpu.vector_load %arg5[%get3A_863, %get3A_864] {strides = array<i32>} : memref<256x128xi32, #tpu.memory_space<vmem>>, vector<1x16xi32>,
    %get3A_866 = vector.shape_cast %get3A_865 : vector<1x16xi32> to vector<16xi32>
    %jit3A_867 = arith.constant -1024 : i32
    %jit3A_868 = arith.constant 1023 : i32
    %max3A_869 = vector.broadcast %jit3A_867 : i32 to vector<16xi32>
    %max3A_870 = arith.maxsi %max3A_869, %get3A_866 : vector<16xi32>
    %min3A_871 = vector.broadcast %jit3A_868 : i32 to vector<16xi32>
    %min3A_872 = arith.minsi %min3A_871, %max3A_870 : vector<16xi32>
    %add3A_873 = arith.constant 1024 : i32
    %add3A_874 = vector.broadcast %add3A_873 : i32 to vector<16xi32>
    %add3A_875 = arith.addi %min3A_872, %add3A_874 : vector<16xi32>
    %swap3A_876 = arith.constant 5 : i32
    %swap3A_877 = arith.index_cast %swap3A_876 : i32 to index
    %swap3A_878 = arith.constant 48 : index
    %swap3A_879 = tpu.vector_load %arg5[%swap3A_877, %swap3A_878] {strides = array<i32>} : memref<256x128xi32, #tpu.memory_space<vmem>>, vector<1x16xi32>,
    %swap3A_880 = vector.shape_cast %swap3A_879 : vector<1x16xi32> to vector<16xi32>
    %swap3A_881 = vector.shape_cast %add3A_875 : vector<16xi32> to vector<1x16xi32>
    tpu.vector_store %arg5[%swap3A_877, %swap3A_878], %swap3A_881 {strides = array<i32>} : memref<256x128xi32, #tpu.memory_space<vmem>>, vector<1x16xi32>,
    %get3A_882 = arith.constant 5 : i32
    %get3A_883 = arith.index_cast %get3A_882 : i32 to index
    %get3A_884 = arith.constant 64 : index
    %get3A_885 = tpu.vector_load %arg5[%get3A_883, %get3A_884] {strides = array<i32>} : memref<256x128xi32, #tpu.memory_space<vmem>>, vector<1x16xi32>,
    %get3A_886 = vector.shape_cast %get3A_885 : vector<1x16xi32> to vector<16xi32>
    %jit3A_887 = arith.constant -1024 : i32
    %jit3A_888 = arith.constant 1023 : i32
    %max3A_889 = vector.broadcast %jit3A_887 : i32 to vector<16xi32>
    %max3A_890 = arith.maxsi %max3A_889, %get3A_886 : vector<16xi32>
    %min3A_891 = vector.broadcast %jit3A_888 : i32 to vector<16xi32>
    %min3A_892 = arith.minsi %min3A_891, %max3A_890 : vector<16xi32>
    %add3A_893 = arith.constant 1024 : i32
    %add3A_894 = vector.broadcast %add3A_893 : i32 to vector<16xi32>
    %add3A_895 = arith.addi %min3A_892, %add3A_894 : vector<16xi32>
    %swap3A_896 = arith.constant 5 : i32
    %swap3A_897 = arith.index_cast %swap3A_896 : i32 to index
    %swap3A_898 = arith.constant 64 : index
    %swap3A_899 = tpu.vector_load %arg5[%swap3A_897, %swap3A_898] {strides = array<i32>} : memref<256x128xi32, #tpu.memory_space<vmem>>, vector<1x16xi32>,
    %swap3A_900 = vector.shape_cast %swap3A_899 : vector<1x16xi32> to vector<16xi32>
    %swap3A_901 = vector.shape_cast %add3A_895 : vector<16xi32> to vector<1x16xi32>
    tpu.vector_store %arg5[%swap3A_897, %swap3A_898], %swap3A_901 {strides = array<i32>} : memref<256x128xi32, #tpu.memory_space<vmem>>, vector<1x16xi32>,
    %get3A_902 = arith.constant 5 : i32
    %get3A_903 = arith.index_cast %get3A_902 : i32 to index
    %get3A_904 = arith.constant 80 : index
    %get3A_905 = tpu.vector_load %arg5[%get3A_903, %get3A_904] {strides = array<i32>} : memref<256x128xi32, #tpu.memory_space<vmem>>, vector<1x16xi32>,
    %get3A_906 = vector.shape_cast %get3A_905 : vector<1x16xi32> to vector<16xi32>
    %jit3A_907 = arith.constant -1024 : i32
    %jit3A_908 = arith.constant 1023 : i32
    %max3A_909 = vector.broadcast %jit3A_907 : i32 to vector<16xi32>
    %max3A_910 = arith.maxsi %max3A_909, %get3A_906 : vector<16xi32>
    %min3A_911 = vector.broadcast %jit3A_908 : i32 to vector<16xi32>
    %min3A_912 = arith.minsi %min3A_911, %max3A_910 : vector<16xi32>
    %add3A_913 = arith.constant 1024 : i32
    %add3A_914 = vector.broadcast %add3A_913 : i32 to vector<16xi32>
    %add3A_915 = arith.addi %min3A_912, %add3A_914 : vector<16xi32>
    %swap3A_916 = arith.constant 5 : i32
    %swap3A_917 = arith.index_cast %swap3A_916 : i32 to index
    %swap3A_918 = arith.constant 80 : index
    %swap3A_919 = tpu.vector_load %arg5[%swap3A_917, %swap3A_918] {strides = array<i32>} : memref<256x128xi32, #tpu.memory_space<vmem>>, vector<1x16xi32>,
    %swap3A_920 = vector.shape_cast %swap3A_919 : vector<1x16xi32> to vector<16xi32>
    %swap3A_921 = vector.shape_cast %add3A_915 : vector<16xi32> to vector<1x16xi32>
    tpu.vector_store %arg5[%swap3A_917, %swap3A_918], %swap3A_921 {strides = array<i32>} : memref<256x128xi32, #tpu.memory_space<vmem>>, vector<1x16xi32>,
    %get3A_922 = arith.constant 5 : i32
    %get3A_923 = arith.index_cast %get3A_922 : i32 to index
    %get3A_924 = arith.constant 96 : index
    %get3A_925 = tpu.vector_load %arg5[%get3A_923, %get3A_924] {strides = array<i32>} : memref<256x128xi32, #tpu.memory_space<vmem>>, vector<1x16xi32>,
    %get3A_926 = vector.shape_cast %get3A_925 : vector<1x16xi32> to vector<16xi32>
    %jit3A_927 = arith.constant -1024 : i32
    %jit3A_928 = arith.constant 1023 : i32
    %max3A_929 = vector.broadcast %jit3A_927 : i32 to vector<16xi32>
    %max3A_930 = arith.maxsi %max3A_929, %get3A_926 : vector<16xi32>
    %min3A_931 = vector.broadcast %jit3A_928 : i32 to vector<16xi32>
    %min3A_932 = arith.minsi %min3A_931, %max3A_930 : vector<16xi32>
    %add3A_933 = arith.constant 1024 : i32
    %add3A_934 = vector.broadcast %add3A_933 : i32 to vector<16xi32>
    %add3A_935 = arith.addi %min3A_932, %add3A_934 : vector<16xi32>
    %swap3A_936 = arith.constant 5 : i32
    %swap3A_937 = arith.index_cast %swap3A_936 : i32 to index
    %swap3A_938 = arith.constant 96 : index
    %swap3A_939 = tpu.vector_load %arg5[%swap3A_937, %swap3A_938] {strides = array<i32>} : memref<256x128xi32, #tpu.memory_space<vmem>>, vector<1x16xi32>,
    %swap3A_940 = vector.shape_cast %swap3A_939 : vector<1x16xi32> to vector<16xi32>
    %swap3A_941 = vector.shape_cast %add3A_935 : vector<16xi32> to vector<1x16xi32>
    tpu.vector_store %arg5[%swap3A_937, %swap3A_938], %swap3A_941 {strides = array<i32>} : memref<256x128xi32, #tpu.memory_space<vmem>>, vector<1x16xi32>,
    %get3A_942 = arith.constant 5 : i32
    %get3A_943 = arith.index_cast %get3A_942 : i32 to index
    %get3A_944 = arith.constant 112 : index
    %get3A_945 = tpu.vector_load %arg5[%get3A_943, %get3A_944] {strides = array<i32>} : memref<256x128xi32, #tpu.memory_space<vmem>>, vector<1x16xi32>,
    %get3A_946 = vector.shape_cast %get3A_945 : vector<1x16xi32> to vector<16xi32>
    %jit3A_947 = arith.constant -1024 : i32
    %jit3A_948 = arith.constant 1023 : i32
    %max3A_949 = vector.broadcast %jit3A_947 : i32 to vector<16xi32>
    %max3A_950 = arith.maxsi %max3A_949, %get3A_946 : vector<16xi32>
    %min3A_951 = vector.broadcast %jit3A_948 : i32 to vector<16xi32>
    %min3A_952 = arith.minsi %min3A_951, %max3A_950 : vector<16xi32>
    %add3A_953 = arith.constant 1024 : i32
    %add3A_954 = vector.broadcast %add3A_953 : i32 to vector<16xi32>
    %add3A_955 = arith.addi %min3A_952, %add3A_954 : vector<16xi32>
    %swap3A_956 = arith.constant 5 : i32
    %swap3A_957 = arith.index_cast %swap3A_956 : i32 to index
    %swap3A_958 = arith.constant 112 : index
    %swap3A_959 = tpu.vector_load %arg5[%swap3A_957, %swap3A_958] {strides = array<i32>} : memref<256x128xi32, #tpu.memory_space<vmem>>, vector<1x16xi32>,
    %swap3A_960 = vector.shape_cast %swap3A_959 : vector<1x16xi32> to vector<16xi32>
    %swap3A_961 = vector.shape_cast %add3A_955 : vector<16xi32> to vector<1x16xi32>
    tpu.vector_store %arg5[%swap3A_957, %swap3A_958], %swap3A_961 {strides = array<i32>} : memref<256x128xi32, #tpu.memory_space<vmem>>, vector<1x16xi32>,
    %get3A_962 = arith.constant 6 : i32
    %get3A_963 = arith.index_cast %get3A_962 : i32 to index
    %get3A_964 = arith.constant 0 : index
    %get3A_965 = tpu.vector_load %arg5[%get3A_963, %get3A_964] {strides = array<i32>} : memref<256x128xi32, #tpu.memory_space<vmem>>, vector<1x16xi32>,
    %get3A_966 = vector.shape_cast %get3A_965 : vector<1x16xi32> to vector<16xi32>
    %jit3A_967 = arith.constant -1024 : i32
    %jit3A_968 = arith.constant 1023 : i32
    %max3A_969 = vector.broadcast %jit3A_967 : i32 to vector<16xi32>
    %max3A_970 = arith.maxsi %max3A_969, %get3A_966 : vector<16xi32>
    %min3A_971 = vector.broadcast %jit3A_968 : i32 to vector<16xi32>
    %min3A_972 = arith.minsi %min3A_971, %max3A_970 : vector<16xi32>
    %add3A_973 = arith.constant 1024 : i32
    %add3A_974 = vector.broadcast %add3A_973 : i32 to vector<16xi32>
    %add3A_975 = arith.addi %min3A_972, %add3A_974 : vector<16xi32>
    %swap3A_976 = arith.constant 6 : i32
    %swap3A_977 = arith.index_cast %swap3A_976 : i32 to index
    %swap3A_978 = arith.constant 0 : index
    %swap3A_979 = tpu.vector_load %arg5[%swap3A_977, %swap3A_978] {strides = array<i32>} : memref<256x128xi32, #tpu.memory_space<vmem>>, vector<1x16xi32>,
    %swap3A_980 = vector.shape_cast %swap3A_979 : vector<1x16xi32> to vector<16xi32>
    %swap3A_981 = vector.shape_cast %add3A_975 : vector<16xi32> to vector<1x16xi32>
    tpu.vector_store %arg5[%swap3A_977, %swap3A_978], %swap3A_981 {strides = array<i32>} : memref<256x128xi32, #tpu.memory_space<vmem>>, vector<1x16xi32>,
    %get3A_982 = arith.constant 6 : i32
    %get3A_983 = arith.index_cast %get3A_982 : i32 to index
    %get3A_984 = arith.constant 16 : index
    %get3A_985 = tpu.vector_load %arg5[%get3A_983, %get3A_984] {strides = array<i32>} : memref<256x128xi32, #tpu.memory_space<vmem>>, vector<1x16xi32>,
    %get3A_986 = vector.shape_cast %get3A_985 : vector<1x16xi32> to vector<16xi32>
    %jit3A_987 = arith.constant -1024 : i32
    %jit3A_988 = arith.constant 1023 : i32
    %max3A_989 = vector.broadcast %jit3A_987 : i32 to vector<16xi32>
    %max3A_990 = arith.maxsi %max3A_989, %get3A_986 : vector<16xi32>
    %min3A_991 = vector.broadcast %jit3A_988 : i32 to vector<16xi32>
    %min3A_992 = arith.minsi %min3A_991, %max3A_990 : vector<16xi32>
    %add3A_993 = arith.constant 1024 : i32
    %add3A_994 = vector.broadcast %add3A_993 : i32 to vector<16xi32>
    %add3A_995 = arith.addi %min3A_992, %add3A_994 : vector<16xi32>
    %swap3A_996 = arith.constant 6 : i32
    %swap3A_997 = arith.index_cast %swap3A_996 : i32 to index
    %swap3A_998 = arith.constant 16 : index
    %swap3A_999 = tpu.vector_load %arg5[%swap3A_997, %swap3A_998] {strides = array<i32>} : memref<256x128xi32, #tpu.memory_space<vmem>>, vector<1x16xi32>,
    %swap3A_1000 = vector.shape_cast %swap3A_999 : vector<1x16xi32> to vector<16xi32>
    %swap3A_1001 = vector.shape_cast %add3A_995 : vector<16xi32> to vector<1x16xi32>
    tpu.vector_store %arg5[%swap3A_997, %swap3A_998], %swap3A_1001 {strides = array<i32>} : memref<256x128xi32, #tpu.memory_space<vmem>>, vector<1x16xi32>,
    %get3A_1002 = arith.constant 6 : i32
    %get3A_1003 = arith.index_cast %get3A_1002 : i32 to index
    %get3A_1004 = arith.constant 32 : index
    %get3A_1005 = tpu.vector_load %arg5[%get3A_1003, %get3A_1004] {strides = array<i32>} : memref<256x128xi32, #tpu.memory_space<vmem>>, vector<1x16xi32>,
    %get3A_1006 = vector.shape_cast %get3A_1005 : vector<1x16xi32> to vector<16xi32>
    %jit3A_1007 = arith.constant -1024 : i32
    %jit3A_1008 = arith.constant 1023 : i32
    %max3A_1009 = vector.broadcast %jit3A_1007 : i32 to vector<16xi32>
    %max3A_1010 = arith.maxsi %max3A_1009, %get3A_1006 : vector<16xi32>
    %min3A_1011 = vector.broadcast %jit3A_1008 : i32 to vector<16xi32>
    %min3A_1012 = arith.minsi %min3A_1011, %max3A_1010 : vector<16xi32>
    %add3A_1013 = arith.constant 1024 : i32
    %add3A_1014 = vector.broadcast %add3A_1013 : i32 to vector<16xi32>
    %add3A_1015 = arith.addi %min3A_1012, %add3A_1014 : vector<16xi32>
    %swap3A_1016 = arith.constant 6 : i32
    %swap3A_1017 = arith.index_cast %swap3A_1016 : i32 to index
    %swap3A_1018 = arith.constant 32 : index
    %swap3A_1019 = tpu.vector_load %arg5[%swap3A_1017, %swap3A_1018] {strides = array<i32>} : memref<256x128xi32, #tpu.memory_space<vmem>>, vector<1x16xi32>,
    %swap3A_1020 = vector.shape_cast %swap3A_1019 : vector<1x16xi32> to vector<16xi32>
    %swap3A_1021 = vector.shape_cast %add3A_1015 : vector<16xi32> to vector<1x16xi32>
    tpu.vector_store %arg5[%swap3A_1017, %swap3A_1018], %swap3A_1021 {strides = array<i32>} : memref<256x128xi32, #tpu.memory_space<vmem>>, vector<1x16xi32>,
    %get3A_1022 = arith.constant 6 : i32
    %get3A_1023 = arith.index_cast %get3A_1022 : i32 to index
    %get3A_1024 = arith.constant 48 : index
    %get3A_1025 = tpu.vector_load %arg5[%get3A_1023, %get3A_1024] {strides = array<i32>} : memref<256x128xi32, #tpu.memory_space<vmem>>, vector<1x16xi32>,
    %get3A_1026 = vector.shape_cast %get3A_1025 : vector<1x16xi32> to vector<16xi32>
    %jit3A_1027 = arith.constant -1024 : i32
    %jit3A_1028 = arith.constant 1023 : i32
    %max3A_1029 = vector.broadcast %jit3A_1027 : i32 to vector<16xi32>
    %max3A_1030 = arith.maxsi %max3A_1029, %get3A_1026 : vector<16xi32>
    %min3A_1031 = vector.broadcast %jit3A_1028 : i32 to vector<16xi32>
    %min3A_1032 = arith.minsi %min3A_1031, %max3A_1030 : vector<16xi32>
    %add3A_1033 = arith.constant 1024 : i32
    %add3A_1034 = vector.broadcast %add3A_1033 : i32 to vector<16xi32>
    %add3A_1035 = arith.addi %min3A_1032, %add3A_1034 : vector<16xi32>
    %swap3A_1036 = arith.constant 6 : i32
    %swap3A_1037 = arith.index_cast %swap3A_1036 : i32 to index
    %swap3A_1038 = arith.constant 48 : index
    %swap3A_1039 = tpu.vector_load %arg5[%swap3A_1037, %swap3A_1038] {strides = array<i32>} : memref<256x128xi32, #tpu.memory_space<vmem>>, vector<1x16xi32>,
    %swap3A_1040 = vector.shape_cast %swap3A_1039 : vector<1x16xi32> to vector<16xi32>
    %swap3A_1041 = vector.shape_cast %add3A_1035 : vector<16xi32> to vector<1x16xi32>
    tpu.vector_store %arg5[%swap3A_1037, %swap3A_1038], %swap3A_1041 {strides = array<i32>} : memref<256x128xi32, #tpu.memory_space<vmem>>, vector<1x16xi32>,
    %get3A_1042 = arith.constant 6 : i32
    %get3A_1043 = arith.index_cast %get3A_1042 : i32 to index
    %get3A_1044 = arith.constant 64 : index
    %get3A_1045 = tpu.vector_load %arg5[%get3A_1043, %get3A_1044] {strides = array<i32>} : memref<256x128xi32, #tpu.memory_space<vmem>>, vector<1x16xi32>,
    %get3A_1046 = vector.shape_cast %get3A_1045 : vector<1x16xi32> to vector<16xi32>
    %jit3A_1047 = arith.constant -1024 : i32
    %jit3A_1048 = arith.constant 1023 : i32
    %max3A_1049 = vector.broadcast %jit3A_1047 : i32 to vector<16xi32>
    %max3A_1050 = arith.maxsi %max3A_1049, %get3A_1046 : vector<16xi32>
    %min3A_1051 = vector.broadcast %jit3A_1048 : i32 to vector<16xi32>
    %min3A_1052 = arith.minsi %min3A_1051, %max3A_1050 : vector<16xi32>
    %add3A_1053 = arith.constant 1024 : i32
    %add3A_1054 = vector.broadcast %add3A_1053 : i32 to vector<16xi32>
    %add3A_1055 = arith.addi %min3A_1052, %add3A_1054 : vector<16xi32>
    %swap3A_1056 = arith.constant 6 : i32
    %swap3A_1057 = arith.index_cast %swap3A_1056 : i32 to index
    %swap3A_1058 = arith.constant 64 : index
    %swap3A_1059 = tpu.vector_load %arg5[%swap3A_1057, %swap3A_1058] {strides = array<i32>} : memref<256x128xi32, #tpu.memory_space<vmem>>, vector<1x16xi32>,
    %swap3A_1060 = vector.shape_cast %swap3A_1059 : vector<1x16xi32> to vector<16xi32>
    %swap3A_1061 = vector.shape_cast %add3A_1055 : vector<16xi32> to vector<1x16xi32>
    tpu.vector_store %arg5[%swap3A_1057, %swap3A_1058], %swap3A_1061 {strides = array<i32>} : memref<256x128xi32, #tpu.memory_space<vmem>>, vector<1x16xi32>,
    %get3A_1062 = arith.constant 6 : i32
    %get3A_1063 = arith.index_cast %get3A_1062 : i32 to index
    %get3A_1064 = arith.constant 80 : index
    %get3A_1065 = tpu.vector_load %arg5[%get3A_1063, %get3A_1064] {strides = array<i32>} : memref<256x128xi32, #tpu.memory_space<vmem>>, vector<1x16xi32>,
    %get3A_1066 = vector.shape_cast %get3A_1065 : vector<1x16xi32> to vector<16xi32>
    %jit3A_1067 = arith.constant -1024 : i32
    %jit3A_1068 = arith.constant 1023 : i32
    %max3A_1069 = vector.broadcast %jit3A_1067 : i32 to vector<16xi32>
    %max3A_1070 = arith.maxsi %max3A_1069, %get3A_1066 : vector<16xi32>
    %min3A_1071 = vector.broadcast %jit3A_1068 : i32 to vector<16xi32>
    %min3A_1072 = arith.minsi %min3A_1071, %max3A_1070 : vector<16xi32>
    %add3A_1073 = arith.constant 1024 : i32
    %add3A_1074 = vector.broadcast %add3A_1073 : i32 to vector<16xi32>
    %add3A_1075 = arith.addi %min3A_1072, %add3A_1074 : vector<16xi32>
    %swap3A_1076 = arith.constant 6 : i32
    %swap3A_1077 = arith.index_cast %swap3A_1076 : i32 to index
    %swap3A_1078 = arith.constant 80 : index
    %swap3A_1079 = tpu.vector_load %arg5[%swap3A_1077, %swap3A_1078] {strides = array<i32>} : memref<256x128xi32, #tpu.memory_space<vmem>>, vector<1x16xi32>,
    %swap3A_1080 = vector.shape_cast %swap3A_1079 : vector<1x16xi32> to vector<16xi32>
    %swap3A_1081 = vector.shape_cast %add3A_1075 : vector<16xi32> to vector<1x16xi32>
    tpu.vector_store %arg5[%swap3A_1077, %swap3A_1078], %swap3A_1081 {strides = array<i32>} : memref<256x128xi32, #tpu.memory_space<vmem>>, vector<1x16xi32>,
    %get3A_1082 = arith.constant 6 : i32
    %get3A_1083 = arith.index_cast %get3A_1082 : i32 to index
    %get3A_1084 = arith.constant 96 : index
    %get3A_1085 = tpu.vector_load %arg5[%get3A_1083, %get3A_1084] {strides = array<i32>} : memref<256x128xi32, #tpu.memory_space<vmem>>, vector<1x16xi32>,
    %get3A_1086 = vector.shape_cast %get3A_1085 : vector<1x16xi32> to vector<16xi32>
    %jit3A_1087 = arith.constant -1024 : i32
    %jit3A_1088 = arith.constant 1023 : i32
    %max3A_1089 = vector.broadcast %jit3A_1087 : i32 to vector<16xi32>
    %max3A_1090 = arith.maxsi %max3A_1089, %get3A_1086 : vector<16xi32>
    %min3A_1091 = vector.broadcast %jit3A_1088 : i32 to vector<16xi32>
    %min3A_1092 = arith.minsi %min3A_1091, %max3A_1090 : vector<16xi32>
    %add3A_1093 = arith.constant 1024 : i32
    %add3A_1094 = vector.broadcast %add3A_1093 : i32 to vector<16xi32>
    %add3A_1095 = arith.addi %min3A_1092, %add3A_1094 : vector<16xi32>
    %swap3A_1096 = arith.constant 6 : i32
    %swap3A_1097 = arith.index_cast %swap3A_1096 : i32 to index
    %swap3A_1098 = arith.constant 96 : index
    %swap3A_1099 = tpu.vector_load %arg5[%swap3A_1097, %swap3A_1098] {strides = array<i32>} : memref<256x128xi32, #tpu.memory_space<vmem>>, vector<1x16xi32>,
    %swap3A_1100 = vector.shape_cast %swap3A_1099 : vector<1x16xi32> to vector<16xi32>
    %swap3A_1101 = vector.shape_cast %add3A_1095 : vector<16xi32> to vector<1x16xi32>
    tpu.vector_store %arg5[%swap3A_1097, %swap3A_1098], %swap3A_1101 {strides = array<i32>} : memref<256x128xi32, #tpu.memory_space<vmem>>, vector<1x16xi32>,
    %get3A_1102 = arith.constant 6 : i32
    %get3A_1103 = arith.index_cast %get3A_1102 : i32 to index
    %get3A_1104 = arith.constant 112 : index
    %get3A_1105 = tpu.vector_load %arg5[%get3A_1103, %get3A_1104] {strides = array<i32>} : memref<256x128xi32, #tpu.memory_space<vmem>>, vector<1x16xi32>,
    %get3A_1106 = vector.shape_cast %get3A_1105 : vector<1x16xi32> to vector<16xi32>
    %jit3A_1107 = arith.constant -1024 : i32
    %jit3A_1108 = arith.constant 1023 : i32
    %max3A_1109 = vector.broadcast %jit3A_1107 : i32 to vector<16xi32>
    %max3A_1110 = arith.maxsi %max3A_1109, %get3A_1106 : vector<16xi32>
    %min3A_1111 = vector.broadcast %jit3A_1108 : i32 to vector<16xi32>
    %min3A_1112 = arith.minsi %min3A_1111, %max3A_1110 : vector<16xi32>
    %add3A_1113 = arith.constant 1024 : i32
    %add3A_1114 = vector.broadcast %add3A_1113 : i32 to vector<16xi32>
    %add3A_1115 = arith.addi %min3A_1112, %add3A_1114 : vector<16xi32>
    %swap3A_1116 = arith.constant 6 : i32
    %swap3A_1117 = arith.index_cast %swap3A_1116 : i32 to index
    %swap3A_1118 = arith.constant 112 : index
    %swap3A_1119 = tpu.vector_load %arg5[%swap3A_1117, %swap3A_1118] {strides = array<i32>} : memref<256x128xi32, #tpu.memory_space<vmem>>, vector<1x16xi32>,
    %swap3A_1120 = vector.shape_cast %swap3A_1119 : vector<1x16xi32> to vector<16xi32>
    %swap3A_1121 = vector.shape_cast %add3A_1115 : vector<16xi32> to vector<1x16xi32>
    tpu.vector_store %arg5[%swap3A_1117, %swap3A_1118], %swap3A_1121 {strides = array<i32>} : memref<256x128xi32, #tpu.memory_space<vmem>>, vector<1x16xi32>,
    %get3A_1122 = arith.constant 7 : i32
    %get3A_1123 = arith.index_cast %get3A_1122 : i32 to index
    %get3A_1124 = arith.constant 0 : index
    %get3A_1125 = tpu.vector_load %arg5[%get3A_1123, %get3A_1124] {strides = array<i32>} : memref<256x128xi32, #tpu.memory_space<vmem>>, vector<1x16xi32>,
    %get3A_1126 = vector.shape_cast %get3A_1125 : vector<1x16xi32> to vector<16xi32>
    %jit3A_1127 = arith.constant -1024 : i32
    %jit3A_1128 = arith.constant 1023 : i32
    %max3A_1129 = vector.broadcast %jit3A_1127 : i32 to vector<16xi32>
    %max3A_1130 = arith.maxsi %max3A_1129, %get3A_1126 : vector<16xi32>
    %min3A_1131 = vector.broadcast %jit3A_1128 : i32 to vector<16xi32>
    %min3A_1132 = arith.minsi %min3A_1131, %max3A_1130 : vector<16xi32>
    %add3A_1133 = arith.constant 1024 : i32
    %add3A_1134 = vector.broadcast %add3A_1133 : i32 to vector<16xi32>
    %add3A_1135 = arith.addi %min3A_1132, %add3A_1134 : vector<16xi32>
    %swap3A_1136 = arith.constant 7 : i32
    %swap3A_1137 = arith.index_cast %swap3A_1136 : i32 to index
    %swap3A_1138 = arith.constant 0 : index
    %swap3A_1139 = tpu.vector_load %arg5[%swap3A_1137, %swap3A_1138] {strides = array<i32>} : memref<256x128xi32, #tpu.memory_space<vmem>>, vector<1x16xi32>,
    %swap3A_1140 = vector.shape_cast %swap3A_1139 : vector<1x16xi32> to vector<16xi32>
    %swap3A_1141 = vector.shape_cast %add3A_1135 : vector<16xi32> to vector<1x16xi32>
    tpu.vector_store %arg5[%swap3A_1137, %swap3A_1138], %swap3A_1141 {strides = array<i32>} : memref<256x128xi32, #tpu.memory_space<vmem>>, vector<1x16xi32>,
    %get3A_1142 = arith.constant 7 : i32
    %get3A_1143 = arith.index_cast %get3A_1142 : i32 to index
    %get3A_1144 = arith.constant 16 : index
    %get3A_1145 = tpu.vector_load %arg5[%get3A_1143, %get3A_1144] {strides = array<i32>} : memref<256x128xi32, #tpu.memory_space<vmem>>, vector<1x16xi32>,
    %get3A_1146 = vector.shape_cast %get3A_1145 : vector<1x16xi32> to vector<16xi32>
    %jit3A_1147 = arith.constant -1024 : i32
    %jit3A_1148 = arith.constant 1023 : i32
    %max3A_1149 = vector.broadcast %jit3A_1147 : i32 to vector<16xi32>
    %max3A_1150 = arith.maxsi %max3A_1149, %get3A_1146 : vector<16xi32>
    %min3A_1151 = vector.broadcast %jit3A_1148 : i32 to vector<16xi32>
    %min3A_1152 = arith.minsi %min3A_1151, %max3A_1150 : vector<16xi32>
    %add3A_1153 = arith.constant 1024 : i32
    %add3A_1154 = vector.broadcast %add3A_1153 : i32 to vector<16xi32>
    %add3A_1155 = arith.addi %min3A_1152, %add3A_1154 : vector<16xi32>
    %swap3A_1156 = arith.constant 7 : i32
    %swap3A_1157 = arith.index_cast %swap3A_1156 : i32 to index
    %swap3A_1158 = arith.constant 16 : index
    %swap3A_1159 = tpu.vector_load %arg5[%swap3A_1157, %swap3A_1158] {strides = array<i32>} : memref<256x128xi32, #tpu.memory_space<vmem>>, vector<1x16xi32>,
    %swap3A_1160 = vector.shape_cast %swap3A_1159 : vector<1x16xi32> to vector<16xi32>
    %swap3A_1161 = vector.shape_cast %add3A_1155 : vector<16xi32> to vector<1x16xi32>
    tpu.vector_store %arg5[%swap3A_1157, %swap3A_1158], %swap3A_1161 {strides = array<i32>} : memref<256x128xi32, #tpu.memory_space<vmem>>, vector<1x16xi32>,
    %get3A_1162 = arith.constant 7 : i32
    %get3A_1163 = arith.index_cast %get3A_1162 : i32 to index
    %get3A_1164 = arith.constant 32 : index
    %get3A_1165 = tpu.vector_load %arg5[%get3A_1163, %get3A_1164] {strides = array<i32>} : memref<256x128xi32, #tpu.memory_space<vmem>>, vector<1x16xi32>,
    %get3A_1166 = vector.shape_cast %get3A_1165 : vector<1x16xi32> to vector<16xi32>
    %jit3A_1167 = arith.constant -1024 : i32
    %jit3A_1168 = arith.constant 1023 : i32
    %max3A_1169 = vector.broadcast %jit3A_1167 : i32 to vector<16xi32>
    %max3A_1170 = arith.maxsi %max3A_1169, %get3A_1166 : vector<16xi32>
    %min3A_1171 = vector.broadcast %jit3A_1168 : i32 to vector<16xi32>
    %min3A_1172 = arith.minsi %min3A_1171, %max3A_1170 : vector<16xi32>
    %add3A_1173 = arith.constant 1024 : i32
    %add3A_1174 = vector.broadcast %add3A_1173 : i32 to vector<16xi32>
    %add3A_1175 = arith.addi %min3A_1172, %add3A_1174 : vector<16xi32>
    %swap3A_1176 = arith.constant 7 : i32
    %swap3A_1177 = arith.index_cast %swap3A_1176 : i32 to index
    %swap3A_1178 = arith.constant 32 : index
    %swap3A_1179 = tpu.vector_load %arg5[%swap3A_1177, %swap3A_1178] {strides = array<i32>} : memref<256x128xi32, #tpu.memory_space<vmem>>, vector<1x16xi32>,
    %swap3A_1180 = vector.shape_cast %swap3A_1179 : vector<1x16xi32> to vector<16xi32>
    %swap3A_1181 = vector.shape_cast %add3A_1175 : vector<16xi32> to vector<1x16xi32>
    tpu.vector_store %arg5[%swap3A_1177, %swap3A_1178], %swap3A_1181 {strides = array<i32>} : memref<256x128xi32, #tpu.memory_space<vmem>>, vector<1x16xi32>,
    %get3A_1182 = arith.constant 7 : i32
    %get3A_1183 = arith.index_cast %get3A_1182 : i32 to index
    %get3A_1184 = arith.constant 48 : index
    %get3A_1185 = tpu.vector_load %arg5[%get3A_1183, %get3A_1184] {strides = array<i32>} : memref<256x128xi32, #tpu.memory_space<vmem>>, vector<1x16xi32>,
    %get3A_1186 = vector.shape_cast %get3A_1185 : vector<1x16xi32> to vector<16xi32>
    %jit3A_1187 = arith.constant -1024 : i32
    %jit3A_1188 = arith.constant 1023 : i32
    %max3A_1189 = vector.broadcast %jit3A_1187 : i32 to vector<16xi32>
    %max3A_1190 = arith.maxsi %max3A_1189, %get3A_1186 : vector<16xi32>
    %min3A_1191 = vector.broadcast %jit3A_1188 : i32 to vector<16xi32>
    %min3A_1192 = arith.minsi %min3A_1191, %max3A_1190 : vector<16xi32>
    %add3A_1193 = arith.constant 1024 : i32
    %add3A_1194 = vector.broadcast %add3A_1193 : i32 to vector<16xi32>
    %add3A_1195 = arith.addi %min3A_1192, %add3A_1194 : vector<16xi32>
    %swap3A_1196 = arith.constant 7 : i32
    %swap3A_1197 = arith.index_cast %swap3A_1196 : i32 to index
    %swap3A_1198 = arith.constant 48 : index
    %swap3A_1199 = tpu.vector_load %arg5[%swap3A_1197, %swap3A_1198] {strides = array<i32>} : memref<256x128xi32, #tpu.memory_space<vmem>>, vector<1x16xi32>,
    %swap3A_1200 = vector.shape_cast %swap3A_1199 : vector<1x16xi32> to vector<16xi32>
    %swap3A_1201 = vector.shape_cast %add3A_1195 : vector<16xi32> to vector<1x16xi32>
    tpu.vector_store %arg5[%swap3A_1197, %swap3A_1198], %swap3A_1201 {strides = array<i32>} : memref<256x128xi32, #tpu.memory_space<vmem>>, vector<1x16xi32>,
    %get3A_1202 = arith.constant 7 : i32
    %get3A_1203 = arith.index_cast %get3A_1202 : i32 to index
    %get3A_1204 = arith.constant 64 : index
    %get3A_1205 = tpu.vector_load %arg5[%get3A_1203, %get3A_1204] {strides = array<i32>} : memref<256x128xi32, #tpu.memory_space<vmem>>, vector<1x16xi32>,
    %get3A_1206 = vector.shape_cast %get3A_1205 : vector<1x16xi32> to vector<16xi32>
    %jit3A_1207 = arith.constant -1024 : i32
    %jit3A_1208 = arith.constant 1023 : i32
    %max3A_1209 = vector.broadcast %jit3A_1207 : i32 to vector<16xi32>
    %max3A_1210 = arith.maxsi %max3A_1209, %get3A_1206 : vector<16xi32>
    %min3A_1211 = vector.broadcast %jit3A_1208 : i32 to vector<16xi32>
    %min3A_1212 = arith.minsi %min3A_1211, %max3A_1210 : vector<16xi32>
    %add3A_1213 = arith.constant 1024 : i32
    %add3A_1214 = vector.broadcast %add3A_1213 : i32 to vector<16xi32>
    %add3A_1215 = arith.addi %min3A_1212, %add3A_1214 : vector<16xi32>
    %swap3A_1216 = arith.constant 7 : i32
    %swap3A_1217 = arith.index_cast %swap3A_1216 : i32 to index
    %swap3A_1218 = arith.constant 64 : index
    %swap3A_1219 = tpu.vector_load %arg5[%swap3A_1217, %swap3A_1218] {strides = array<i32>} : memref<256x128xi32, #tpu.memory_space<vmem>>, vector<1x16xi32>,
    %swap3A_1220 = vector.shape_cast %swap3A_1219 : vector<1x16xi32> to vector<16xi32>
    %swap3A_1221 = vector.shape_cast %add3A_1215 : vector<16xi32> to vector<1x16xi32>
    tpu.vector_store %arg5[%swap3A_1217, %swap3A_1218], %swap3A_1221 {strides = array<i32>} : memref<256x128xi32, #tpu.memory_space<vmem>>, vector<1x16xi32>,
    %get3A_1222 = arith.constant 7 : i32
    %get3A_1223 = arith.index_cast %get3A_1222 : i32 to index
    %get3A_1224 = arith.constant 80 : index
    %get3A_1225 = tpu.vector_load %arg5[%get3A_1223, %get3A_1224] {strides = array<i32>} : memref<256x128xi32, #tpu.memory_space<vmem>>, vector<1x16xi32>,
    %get3A_1226 = vector.shape_cast %get3A_1225 : vector<1x16xi32> to vector<16xi32>
    %jit3A_1227 = arith.constant -1024 : i32
    %jit3A_1228 = arith.constant 1023 : i32
    %max3A_1229 = vector.broadcast %jit3A_1227 : i32 to vector<16xi32>
    %max3A_1230 = arith.maxsi %max3A_1229, %get3A_1226 : vector<16xi32>
    %min3A_1231 = vector.broadcast %jit3A_1228 : i32 to vector<16xi32>
    %min3A_1232 = arith.minsi %min3A_1231, %max3A_1230 : vector<16xi32>
    %add3A_1233 = arith.constant 1024 : i32
    %add3A_1234 = vector.broadcast %add3A_1233 : i32 to vector<16xi32>
    %add3A_1235 = arith.addi %min3A_1232, %add3A_1234 : vector<16xi32>
    %swap3A_1236 = arith.constant 7 : i32
    %swap3A_1237 = arith.index_cast %swap3A_1236 : i32 to index
    %swap3A_1238 = arith.constant 80 : index
    %swap3A_1239 = tpu.vector_load %arg5[%swap3A_1237, %swap3A_1238] {strides = array<i32>} : memref<256x128xi32, #tpu.memory_space<vmem>>, vector<1x16xi32>,
    %swap3A_1240 = vector.shape_cast %swap3A_1239 : vector<1x16xi32> to vector<16xi32>
    %swap3A_1241 = vector.shape_cast %add3A_1235 : vector<16xi32> to vector<1x16xi32>
    tpu.vector_store %arg5[%swap3A_1237, %swap3A_1238], %swap3A_1241 {strides = array<i32>} : memref<256x128xi32, #tpu.memory_space<vmem>>, vector<1x16xi32>,
    %get3A_1242 = arith.constant 7 : i32
    %get3A_1243 = arith.index_cast %get3A_1242 : i32 to index
    %get3A_1244 = arith.constant 96 : index
    %get3A_1245 = tpu.vector_load %arg5[%get3A_1243, %get3A_1244] {strides = array<i32>} : memref<256x128xi32, #tpu.memory_space<vmem>>, vector<1x16xi32>,
    %get3A_1246 = vector.shape_cast %get3A_1245 : vector<1x16xi32> to vector<16xi32>
    %jit3A_1247 = arith.constant -1024 : i32
    %jit3A_1248 = arith.constant 1023 : i32
    %max3A_1249 = vector.broadcast %jit3A_1247 : i32 to vector<16xi32>
    %max3A_1250 = arith.maxsi %max3A_1249, %get3A_1246 : vector<16xi32>
    %min3A_1251 = vector.broadcast %jit3A_1248 : i32 to vector<16xi32>
    %min3A_1252 = arith.minsi %min3A_1251, %max3A_1250 : vector<16xi32>
    %add3A_1253 = arith.constant 1024 : i32
    %add3A_1254 = vector.broadcast %add3A_1253 : i32 to vector<16xi32>
    %add3A_1255 = arith.addi %min3A_1252, %add3A_1254 : vector<16xi32>
    %swap3A_1256 = arith.constant 7 : i32
    %swap3A_1257 = arith.index_cast %swap3A_1256 : i32 to index
    %swap3A_1258 = arith.constant 96 : index
    %swap3A_1259 = tpu.vector_load %arg5[%swap3A_1257, %swap3A_1258] {strides = array<i32>} : memref<256x128xi32, #tpu.memory_space<vmem>>, vector<1x16xi32>,
    %swap3A_1260 = vector.shape_cast %swap3A_1259 : vector<1x16xi32> to vector<16xi32>
    %swap3A_1261 = vector.shape_cast %add3A_1255 : vector<16xi32> to vector<1x16xi32>
    tpu.vector_store %arg5[%swap3A_1257, %swap3A_1258], %swap3A_1261 {strides = array<i32>} : memref<256x128xi32, #tpu.memory_space<vmem>>, vector<1x16xi32>,
    %get3A_1262 = arith.constant 7 : i32
    %get3A_1263 = arith.index_cast %get3A_1262 : i32 to index
    %get3A_1264 = arith.constant 112 : index
    %get3A_1265 = tpu.vector_load %arg5[%get3A_1263, %get3A_1264] {strides = array<i32>} : memref<256x128xi32, #tpu.memory_space<vmem>>, vector<1x16xi32>,
    %get3A_1266 = vector.shape_cast %get3A_1265 : vector<1x16xi32> to vector<16xi32>
    %jit3A_1267 = arith.constant -1024 : i32
    %jit3A_1268 = arith.constant 1023 : i32
    %max3A_1269 = vector.broadcast %jit3A_1267 : i32 to vector<16xi32>
    %max3A_1270 = arith.maxsi %max3A_1269, %get3A_1266 : vector<16xi32>
    %min3A_1271 = vector.broadcast %jit3A_1268 : i32 to vector<16xi32>
    %min3A_1272 = arith.minsi %min3A_1271, %max3A_1270 : vector<16xi32>
    %add3A_1273 = arith.constant 1024 : i32
    %add3A_1274 = vector.broadcast %add3A_1273 : i32 to vector<16xi32>
    %add3A_1275 = arith.addi %min3A_1272, %add3A_1274 : vector<16xi32>
    %swap3A_1276 = arith.constant 7 : i32
    %swap3A_1277 = arith.index_cast %swap3A_1276 : i32 to index
    %swap3A_1278 = arith.constant 112 : index
    %swap3A_1279 = tpu.vector_load %arg5[%swap3A_1277, %swap3A_1278] {strides = array<i32>} : memref<256x128xi32, #tpu.memory_space<vmem>>, vector<1x16xi32>,
    %swap3A_1280 = vector.shape_cast %swap3A_1279 : vector<1x16xi32> to vector<16xi32>
    %swap3A_1281 = vector.shape_cast %add3A_1275 : vector<16xi32> to vector<1x16xi32>
    tpu.vector_store %arg5[%swap3A_1277, %swap3A_1278], %swap3A_1281 {strides = array<i32>} : memref<256x128xi32, #tpu.memory_space<vmem>>, vector<1x16xi32>,
    %dma_start3A = arith.constant 0 : i32
    %dma_start3A_1282 = arith.constant 0 : i32
    %dma_start3A_1283 = tpu.memref_slice %arg5[%dma_start3A, %dma_start3A_1282] : memref<256x128xi32, #tpu.memory_space<vmem>> -> memref<1x128xi32, #tpu.memory_space<vmem>>
    %dma_start3A_1284 = tpu.memref_squeeze %dma_start3A_1283 : memref<1x128xi32, #tpu.memory_space<vmem>> -> memref<128xi32, #tpu.memory_space<vmem>>
    %dma_start3A_1285 = arith.constant 0 : i32
    %dma_start3A_1286 = arith.constant 0 : i32
    %dma_start3A_1287 = tpu.memref_slice %arg6[%dma_start3A_1285, %dma_start3A_1286] : memref<2048x128xf32, #tpu.memory_space<vmem_shared>> -> memref<2048x128xf32, #tpu.memory_space<vmem_shared>>
    tpu.enqueue_indirect_dma source(%dma_start3A_1287 : memref<2048x128xf32, #tpu.memory_space<vmem_shared>>) target(%arg7 : memref<128x128xf32, #tpu.memory_space<vmem>>) offsets(%dma_start3A_1284 : memref<128xi32, #tpu.memory_space<vmem>>) semaphore(%arg11 : memref<!tpu.dma_semaphore, #tpu.memory_space<semaphore_mem>>)
    %dma_start3A_1288 = arith.constant 1 : i32
    %dma_start3A_1289 = arith.constant 0 : i32
    %dma_start3A_1290 = tpu.memref_slice %arg5[%dma_start3A_1288, %dma_start3A_1289] : memref<256x128xi32, #tpu.memory_space<vmem>> -> memref<1x128xi32, #tpu.memory_space<vmem>>
    %dma_start3A_1291 = tpu.memref_squeeze %dma_start3A_1290 : memref<1x128xi32, #tpu.memory_space<vmem>> -> memref<128xi32, #tpu.memory_space<vmem>>
    %dma_start3A_1292 = arith.constant 0 : i32
    %dma_start3A_1293 = arith.constant 0 : i32
    %dma_start3A_1294 = tpu.memref_slice %arg6[%dma_start3A_1292, %dma_start3A_1293] : memref<2048x128xf32, #tpu.memory_space<vmem_shared>> -> memref<2048x128xf32, #tpu.memory_space<vmem_shared>>
    tpu.enqueue_indirect_dma source(%dma_start3A_1294 : memref<2048x128xf32, #tpu.memory_space<vmem_shared>>) target(%arg8 : memref<128x128xf32, #tpu.memory_space<vmem>>) offsets(%dma_start3A_1291 : memref<128xi32, #tpu.memory_space<vmem>>) semaphore(%arg11 : memref<!tpu.dma_semaphore, #tpu.memory_space<semaphore_mem>>)
    %dma_start3A_1295 = arith.constant 2 : i32
    %dma_start3A_1296 = arith.constant 0 : i32
    %dma_start3A_1297 = tpu.memref_slice %arg5[%dma_start3A_1295, %dma_start3A_1296] : memref<256x128xi32, #tpu.memory_space<vmem>> -> memref<1x128xi32, #tpu.memory_space<vmem>>
    %dma_start3A_1298 = tpu.memref_squeeze %dma_start3A_1297 : memref<1x128xi32, #tpu.memory_space<vmem>> -> memref<128xi32, #tpu.memory_space<vmem>>
    %dma_start3A_1299 = arith.constant 0 : i32
    %dma_start3A_1300 = arith.constant 0 : i32
    %dma_start3A_1301 = tpu.memref_slice %arg6[%dma_start3A_1299, %dma_start3A_1300] : memref<2048x128xf32, #tpu.memory_space<vmem_shared>> -> memref<2048x128xf32, #tpu.memory_space<vmem_shared>>
    tpu.enqueue_indirect_dma source(%dma_start3A_1301 : memref<2048x128xf32, #tpu.memory_space<vmem_shared>>) target(%arg9 : memref<128x128xf32, #tpu.memory_space<vmem>>) offsets(%dma_start3A_1298 : memref<128xi32, #tpu.memory_space<vmem>>) semaphore(%arg11 : memref<!tpu.dma_semaphore, #tpu.memory_space<semaphore_mem>>)
    %dma_start3A_1302 = arith.constant 3 : i32
    %dma_start3A_1303 = arith.constant 0 : i32
    %dma_start3A_1304 = tpu.memref_slice %arg5[%dma_start3A_1302, %dma_start3A_1303] : memref<256x128xi32, #tpu.memory_space<vmem>> -> memref<1x128xi32, #tpu.memory_space<vmem>>
    %dma_start3A_1305 = tpu.memref_squeeze %dma_start3A_1304 : memref<1x128xi32, #tpu.memory_space<vmem>> -> memref<128xi32, #tpu.memory_space<vmem>>
    %dma_start3A_1306 = arith.constant 0 : i32
    %dma_start3A_1307 = arith.constant 0 : i32
    %dma_start3A_1308 = tpu.memref_slice %arg6[%dma_start3A_1306, %dma_start3A_1307] : memref<2048x128xf32, #tpu.memory_space<vmem_shared>> -> memref<2048x128xf32, #tpu.memory_space<vmem_shared>>
    tpu.enqueue_indirect_dma source(%dma_start3A_1308 : memref<2048x128xf32, #tpu.memory_space<vmem_shared>>) target(%arg10 : memref<128x128xf32, #tpu.memory_space<vmem>>) offsets(%dma_start3A_1305 : memref<128xi32, #tpu.memory_space<vmem>>) semaphore(%arg11 : memref<!tpu.dma_semaphore, #tpu.memory_space<semaphore_mem>>)
    %dma_wait3A = arith.constant 0 : i32
    %dma_wait3A_1309 = arith.constant 0 : i32
    %dma_wait3A_1310 = tpu.memref_slice %arg5[%dma_wait3A, %dma_wait3A_1309] : memref<256x128xi32, #tpu.memory_space<vmem>> -> memref<1x128xi32, #tpu.memory_space<vmem>>
    %dma_wait3A_1311 = tpu.memref_squeeze %dma_wait3A_1310 : memref<1x128xi32, #tpu.memory_space<vmem>> -> memref<128xi32, #tpu.memory_space<vmem>>
    %dma_wait3A_1312 = arith.constant 0 : i32
    %dma_wait3A_1313 = arith.constant 0 : i32
    %dma_wait3A_1314 = tpu.memref_slice %arg6[%dma_wait3A_1312, %dma_wait3A_1313] : memref<2048x128xf32, #tpu.memory_space<vmem_shared>> -> memref<2048x128xf32, #tpu.memory_space<vmem_shared>>
    tpu.wait_indirect_dma semaphore(%arg11 : memref<!tpu.dma_semaphore, #tpu.memory_space<semaphore_mem>>) src(%dma_wait3A_1314 : memref<2048x128xf32, #tpu.memory_space<vmem_shared>>) dst(%arg7 : memref<128x128xf32, #tpu.memory_space<vmem>>)
    %dma_wait3A_1315 = arith.constant 1 : i32
    %dma_wait3A_1316 = arith.constant 0 : i32
    %dma_wait3A_1317 = tpu.memref_slice %arg5[%dma_wait3A_1315, %dma_wait3A_1316] : memref<256x128xi32, #tpu.memory_space<vmem>> -> memref<1x128xi32, #tpu.memory_space<vmem>>
    %dma_wait3A_1318 = tpu.memref_squeeze %dma_wait3A_1317 : memref<1x128xi32, #tpu.memory_space<vmem>> -> memref<128xi32, #tpu.memory_space<vmem>>
    %dma_wait3A_1319 = arith.constant 0 : i32
    %dma_wait3A_1320 = arith.constant 0 : i32
    %dma_wait3A_1321 = tpu.memref_slice %arg6[%dma_wait3A_1319, %dma_wait3A_1320] : memref<2048x128xf32, #tpu.memory_space<vmem_shared>> -> memref<2048x128xf32, #tpu.memory_space<vmem_shared>>
    tpu.wait_indirect_dma semaphore(%arg11 : memref<!tpu.dma_semaphore, #tpu.memory_space<semaphore_mem>>) src(%dma_wait3A_1321 : memref<2048x128xf32, #tpu.memory_space<vmem_shared>>) dst(%arg8 : memref<128x128xf32, #tpu.memory_space<vmem>>)
    %add3A_1322 = arith.constant 0 : i32
    %add3A_1323 = arith.addi %mul3A_2, %add3A_1322 : i32
    %add3A_1324 = arith.constant 0 : i32
    %add3A_1325 = arith.addi %add3A_1323, %add3A_1324 : i32
    %mul3A_1326 = arith.constant 128 : i32
    %mul3A_1327 = arith.muli %add3A_1325, %mul3A_1326 : i32
    %dma_start3A_1328 = arith.constant 0 : i32
    %dma_start3A_1329 = tpu.memref_slice %arg4[%mul3A_1327, %dma_start3A_1328] : memref<1048576x128xf32, #tpu.memory_space<hbm>> -> memref<128x128xf32, #tpu.memory_space<hbm>>
    %dma_start3A_1330 = arith.constant 0 : i32
    %dma_start3A_1331 = tpu.memref_slice %arg4[%mul3A_1327, %dma_start3A_1330] : memref<1048576x128xf32, #tpu.memory_space<hbm>> -> memref<128x128xf32, #tpu.memory_space<hbm>>
    tpu.enqueue_dma source(%arg7 : memref<128x128xf32, #tpu.memory_space<vmem>>) target(%dma_start3A_1331 : memref<128x128xf32, #tpu.memory_space<hbm>>) target_semaphore(%arg12 : memref<!tpu.dma_semaphore, #tpu.memory_space<semaphore_mem>>)
    %add3A_1332 = arith.constant 0 : i32
    %add3A_1333 = arith.addi %mul3A_2, %add3A_1332 : i32
    %add3A_1334 = arith.constant 1 : i32
    %add3A_1335 = arith.addi %add3A_1333, %add3A_1334 : i32
    %mul3A_1336 = arith.constant 128 : i32
    %mul3A_1337 = arith.muli %add3A_1335, %mul3A_1336 : i32
    %dma_start3A_1338 = arith.constant 0 : i32
    %dma_start3A_1339 = tpu.memref_slice %arg4[%mul3A_1337, %dma_start3A_1338] : memref<1048576x128xf32, #tpu.memory_space<hbm>> -> memref<128x128xf32, #tpu.memory_space<hbm>>
    %dma_start3A_1340 = arith.constant 0 : i32
    %dma_start3A_1341 = tpu.memref_slice %arg4[%mul3A_1337, %dma_start3A_1340] : memref<1048576x128xf32, #tpu.memory_space<hbm>> -> memref<128x128xf32, #tpu.memory_space<hbm>>
    tpu.enqueue_dma source(%arg8 : memref<128x128xf32, #tpu.memory_space<vmem>>) target(%dma_start3A_1341 : memref<128x128xf32, #tpu.memory_space<hbm>>) target_semaphore(%arg12 : memref<!tpu.dma_semaphore, #tpu.memory_space<semaphore_mem>>)
    %scan3A = arith.constant 0 : i32
    %scan3A_1342 = arith.constant 0 : i32
    %scan3A_1343 = arith.constant 63 : i32
    %scan3A_1344 = arith.addi %scan3A_1342, %scan3A_1343 : i32
    %scan3A_1345 = arith.constant 1 : i32
    scf.for %scan3A_1421 = %scan3A_1342 to %scan3A_1344 step %scan3A_1345  : i32 {
      %mul3A_1422 = arith.constant 2 : i32
      %mul3A_1423 = arith.muli %mul3A_1422, %scan3A_1421 : i32
      %add3A_1424 = arith.constant 1 : i32
      %add3A_1425 = arith.addi %mul3A_1423, %add3A_1424 : i32
      %sub3A = arith.constant 1 : i32
      %sub3A_1426 = arith.subi %add3A_1425, %sub3A : i32
      %mul3A_1427 = arith.constant 2 : i32
      %mul3A_1428 = arith.muli %sub3A_1426, %mul3A_1427 : i32
      %add3A_1429 = arith.addi %mul3A_2, %mul3A_1428 : i32
      %add3A_1430 = arith.constant 0 : i32
      %add3A_1431 = arith.addi %add3A_1429, %add3A_1430 : i32
      %mul3A_1432 = arith.constant 128 : i32
      %mul3A_1433 = arith.muli %add3A_1431, %mul3A_1432 : i32
      %dma_wait3A_1434 = arith.constant 0 : i32
      %dma_wait3A_1435 = tpu.memref_slice %arg4[%mul3A_1433, %dma_wait3A_1434] : memref<1048576x128xf32, #tpu.memory_space<hbm>> -> memref<128x128xf32, #tpu.memory_space<hbm>>
      %dma_wait3A_1436 = arith.constant 0 : i32
      %dma_wait3A_1437 = tpu.memref_slice %arg4[%mul3A_1433, %dma_wait3A_1436] : memref<1048576x128xf32, #tpu.memory_space<hbm>> -> memref<128x128xf32, #tpu.memory_space<hbm>>
      tpu.wait_dma2 semaphore(%arg12 : memref<!tpu.dma_semaphore, #tpu.memory_space<semaphore_mem>>) src(%arg7 : memref<128x128xf32, #tpu.memory_space<vmem>>) dst(%dma_wait3A_1437 : memref<128x128xf32, #tpu.memory_space<hbm>>)
      %mul3A_1438 = arith.constant 2 : i32
      %mul3A_1439 = arith.muli %sub3A_1426, %mul3A_1438 : i32
      %add3A_1440 = arith.addi %mul3A_2, %mul3A_1439 : i32
      %add3A_1441 = arith.constant 1 : i32
      %add3A_1442 = arith.addi %add3A_1440, %add3A_1441 : i32
      %mul3A_1443 = arith.constant 128 : i32
      %mul3A_1444 = arith.muli %add3A_1442, %mul3A_1443 : i32
      %dma_wait3A_1445 = arith.constant 0 : i32
      %dma_wait3A_1446 = tpu.memref_slice %arg4[%mul3A_1444, %dma_wait3A_1445] : memref<1048576x128xf32, #tpu.memory_space<hbm>> -> memref<128x128xf32, #tpu.memory_space<hbm>>
      %dma_wait3A_1447 = arith.constant 0 : i32
      %dma_wait3A_1448 = tpu.memref_slice %arg4[%mul3A_1444, %dma_wait3A_1447] : memref<1048576x128xf32, #tpu.memory_space<hbm>> -> memref<128x128xf32, #tpu.memory_space<hbm>>
      tpu.wait_dma2 semaphore(%arg12 : memref<!tpu.dma_semaphore, #tpu.memory_space<semaphore_mem>>) src(%arg8 : memref<128x128xf32, #tpu.memory_space<vmem>>) dst(%dma_wait3A_1448 : memref<128x128xf32, #tpu.memory_space<hbm>>)
      %add3A_1449 = arith.constant 1 : i32
      %add3A_1450 = arith.addi %add3A_1425, %add3A_1449 : i32
      %mul3A_1451 = arith.constant 2 : i32
      %mul3A_1452 = arith.muli %add3A_1450, %mul3A_1451 : i32
      %add3A_1453 = arith.constant 0 : i32
      %add3A_1454 = arith.addi %mul3A_1452, %add3A_1453 : i32
      %dma_start3A_1455 = arith.constant 0 : i32
      %dma_start3A_1456 = tpu.memref_slice %arg5[%add3A_1454, %dma_start3A_1455] : memref<256x128xi32, #tpu.memory_space<vmem>> -> memref<1x128xi32, #tpu.memory_space<vmem>>
      %dma_start3A_1457 = tpu.memref_squeeze %dma_start3A_1456 : memref<1x128xi32, #tpu.memory_space<vmem>> -> memref<128xi32, #tpu.memory_space<vmem>>
      %dma_start3A_1458 = arith.constant 0 : i32
      %dma_start3A_1459 = arith.constant 0 : i32
      %dma_start3A_1460 = tpu.memref_slice %arg6[%dma_start3A_1458, %dma_start3A_1459] : memref<2048x128xf32, #tpu.memory_space<vmem_shared>> -> memref<2048x128xf32, #tpu.memory_space<vmem_shared>>
      tpu.enqueue_indirect_dma source(%dma_start3A_1460 : memref<2048x128xf32, #tpu.memory_space<vmem_shared>>) target(%arg7 : memref<128x128xf32, #tpu.memory_space<vmem>>) offsets(%dma_start3A_1457 : memref<128xi32, #tpu.memory_space<vmem>>) semaphore(%arg11 : memref<!tpu.dma_semaphore, #tpu.memory_space<semaphore_mem>>)
      %mul3A_1461 = arith.constant 2 : i32
      %mul3A_1462 = arith.muli %add3A_1450, %mul3A_1461 : i32
      %add3A_1463 = arith.constant 1 : i32
      %add3A_1464 = arith.addi %mul3A_1462, %add3A_1463 : i32
      %dma_start3A_1465 = arith.constant 0 : i32
      %dma_start3A_1466 = tpu.memref_slice %arg5[%add3A_1464, %dma_start3A_1465] : memref<256x128xi32, #tpu.memory_space<vmem>> -> memref<1x128xi32, #tpu.memory_space<vmem>>
      %dma_start3A_1467 = tpu.memref_squeeze %dma_start3A_1466 : memref<1x128xi32, #tpu.memory_space<vmem>> -> memref<128xi32, #tpu.memory_space<vmem>>
      %dma_start3A_1468 = arith.constant 0 : i32
      %dma_start3A_1469 = arith.constant 0 : i32
      %dma_start3A_1470 = tpu.memref_slice %arg6[%dma_start3A_1468, %dma_start3A_1469] : memref<2048x128xf32, #tpu.memory_space<vmem_shared>> -> memref<2048x128xf32, #tpu.memory_space<vmem_shared>>
      tpu.enqueue_indirect_dma source(%dma_start3A_1470 : memref<2048x128xf32, #tpu.memory_space<vmem_shared>>) target(%arg8 : memref<128x128xf32, #tpu.memory_space<vmem>>) offsets(%dma_start3A_1467 : memref<128xi32, #tpu.memory_space<vmem>>) semaphore(%arg11 : memref<!tpu.dma_semaphore, #tpu.memory_space<semaphore_mem>>)
      %add3A_1471 = arith.constant 3 : i32
      %add3A_1472 = arith.addi %add3A_1425, %add3A_1471 : i32
      %lt3A = arith.constant 128 : i32
      %lt3A_1473 = arith.cmpi slt, %add3A_1472, %lt3A : i32
      %convert_element_type3A = arith.extui %lt3A_1473 : i1 to i32
      %cond3A = arith.constant 0 : i32
      %cond3A_1474 = arith.cmpi ne, %convert_element_type3A, %cond3A : i32
      scf.if %cond3A_1474 {
        %add3A_1614 = arith.constant 3 : i32
        %add3A_1615 = arith.addi %add3A_1425, %add3A_1614 : i32
        %mul3A_1616 = arith.constant 2 : i32
        %mul3A_1617 = arith.muli %add3A_1615, %mul3A_1616 : i32
        %add3A_1618 = arith.constant 0 : i32
        %add3A_1619 = arith.addi %mul3A_1617, %add3A_1618 : i32
        %get3A_1620 = arith.index_cast %add3A_1619 : i32 to index
        %get3A_1621 = arith.constant 0 : index
        %get3A_1622 = tpu.vector_load %arg5[%get3A_1620, %get3A_1621] {strides = array<i32>} : memref<256x128xi32, #tpu.memory_space<vmem>>, vector<1x16xi32>,
        %get3A_1623 = vector.shape_cast %get3A_1622 : vector<1x16xi32> to vector<16xi32>
        %jit3A_1624 = arith.constant -1024 : i32
        %jit3A_1625 = arith.constant 1023 : i32
        %max3A_1626 = vector.broadcast %jit3A_1624 : i32 to vector<16xi32>
        %max3A_1627 = arith.maxsi %max3A_1626, %get3A_1623 : vector<16xi32>
        %min3A_1628 = vector.broadcast %jit3A_1625 : i32 to vector<16xi32>
        %min3A_1629 = arith.minsi %min3A_1628, %max3A_1627 : vector<16xi32>
        %add3A_1630 = arith.constant 1024 : i32
        %add3A_1631 = vector.broadcast %add3A_1630 : i32 to vector<16xi32>
        %add3A_1632 = arith.addi %min3A_1629, %add3A_1631 : vector<16xi32>
        %swap3A_1633 = arith.index_cast %add3A_1619 : i32 to index
        %swap3A_1634 = arith.constant 0 : index
        %swap3A_1635 = tpu.vector_load %arg5[%swap3A_1633, %swap3A_1634] {strides = array<i32>} : memref<256x128xi32, #tpu.memory_space<vmem>>, vector<1x16xi32>,
        %swap3A_1636 = vector.shape_cast %swap3A_1635 : vector<1x16xi32> to vector<16xi32>
        %swap3A_1637 = vector.shape_cast %add3A_1632 : vector<16xi32> to vector<1x16xi32>
        tpu.vector_store %arg5[%swap3A_1633, %swap3A_1634], %swap3A_1637 {strides = array<i32>} : memref<256x128xi32, #tpu.memory_space<vmem>>, vector<1x16xi32>,
        %get3A_1638 = arith.index_cast %add3A_1619 : i32 to index
        %get3A_1639 = arith.constant 16 : index
        %get3A_1640 = tpu.vector_load %arg5[%get3A_1638, %get3A_1639] {strides = array<i32>} : memref<256x128xi32, #tpu.memory_space<vmem>>, vector<1x16xi32>,
        %get3A_1641 = vector.shape_cast %get3A_1640 : vector<1x16xi32> to vector<16xi32>
        %jit3A_1642 = arith.constant -1024 : i32
        %jit3A_1643 = arith.constant 1023 : i32
        %max3A_1644 = vector.broadcast %jit3A_1642 : i32 to vector<16xi32>
        %max3A_1645 = arith.maxsi %max3A_1644, %get3A_1641 : vector<16xi32>
        %min3A_1646 = vector.broadcast %jit3A_1643 : i32 to vector<16xi32>
        %min3A_1647 = arith.minsi %min3A_1646, %max3A_1645 : vector<16xi32>
        %add3A_1648 = arith.constant 1024 : i32
        %add3A_1649 = vector.broadcast %add3A_1648 : i32 to vector<16xi32>
        %add3A_1650 = arith.addi %min3A_1647, %add3A_1649 : vector<16xi32>
        %swap3A_1651 = arith.index_cast %add3A_1619 : i32 to index
        %swap3A_1652 = arith.constant 16 : index
        %swap3A_1653 = tpu.vector_load %arg5[%swap3A_1651, %swap3A_1652] {strides = array<i32>} : memref<256x128xi32, #tpu.memory_space<vmem>>, vector<1x16xi32>,
        %swap3A_1654 = vector.shape_cast %swap3A_1653 : vector<1x16xi32> to vector<16xi32>
        %swap3A_1655 = vector.shape_cast %add3A_1650 : vector<16xi32> to vector<1x16xi32>
        tpu.vector_store %arg5[%swap3A_1651, %swap3A_1652], %swap3A_1655 {strides = array<i32>} : memref<256x128xi32, #tpu.memory_space<vmem>>, vector<1x16xi32>,
        %get3A_1656 = arith.index_cast %add3A_1619 : i32 to index
        %get3A_1657 = arith.constant 32 : index
        %get3A_1658 = tpu.vector_load %arg5[%get3A_1656, %get3A_1657] {strides = array<i32>} : memref<256x128xi32, #tpu.memory_space<vmem>>, vector<1x16xi32>,
        %get3A_1659 = vector.shape_cast %get3A_1658 : vector<1x16xi32> to vector<16xi32>
        %jit3A_1660 = arith.constant -1024 : i32
        %jit3A_1661 = arith.constant 1023 : i32
        %max3A_1662 = vector.broadcast %jit3A_1660 : i32 to vector<16xi32>
        %max3A_1663 = arith.maxsi %max3A_1662, %get3A_1659 : vector<16xi32>
        %min3A_1664 = vector.broadcast %jit3A_1661 : i32 to vector<16xi32>
        %min3A_1665 = arith.minsi %min3A_1664, %max3A_1663 : vector<16xi32>
        %add3A_1666 = arith.constant 1024 : i32
        %add3A_1667 = vector.broadcast %add3A_1666 : i32 to vector<16xi32>
        %add3A_1668 = arith.addi %min3A_1665, %add3A_1667 : vector<16xi32>
        %swap3A_1669 = arith.index_cast %add3A_1619 : i32 to index
        %swap3A_1670 = arith.constant 32 : index
        %swap3A_1671 = tpu.vector_load %arg5[%swap3A_1669, %swap3A_1670] {strides = array<i32>} : memref<256x128xi32, #tpu.memory_space<vmem>>, vector<1x16xi32>,
        %swap3A_1672 = vector.shape_cast %swap3A_1671 : vector<1x16xi32> to vector<16xi32>
        %swap3A_1673 = vector.shape_cast %add3A_1668 : vector<16xi32> to vector<1x16xi32>
        tpu.vector_store %arg5[%swap3A_1669, %swap3A_1670], %swap3A_1673 {strides = array<i32>} : memref<256x128xi32, #tpu.memory_space<vmem>>, vector<1x16xi32>,
        %get3A_1674 = arith.index_cast %add3A_1619 : i32 to index
        %get3A_1675 = arith.constant 48 : index
        %get3A_1676 = tpu.vector_load %arg5[%get3A_1674, %get3A_1675] {strides = array<i32>} : memref<256x128xi32, #tpu.memory_space<vmem>>, vector<1x16xi32>,
        %get3A_1677 = vector.shape_cast %get3A_1676 : vector<1x16xi32> to vector<16xi32>
        %jit3A_1678 = arith.constant -1024 : i32
        %jit3A_1679 = arith.constant 1023 : i32
        %max3A_1680 = vector.broadcast %jit3A_1678 : i32 to vector<16xi32>
        %max3A_1681 = arith.maxsi %max3A_1680, %get3A_1677 : vector<16xi32>
        %min3A_1682 = vector.broadcast %jit3A_1679 : i32 to vector<16xi32>
        %min3A_1683 = arith.minsi %min3A_1682, %max3A_1681 : vector<16xi32>
        %add3A_1684 = arith.constant 1024 : i32
        %add3A_1685 = vector.broadcast %add3A_1684 : i32 to vector<16xi32>
        %add3A_1686 = arith.addi %min3A_1683, %add3A_1685 : vector<16xi32>
        %swap3A_1687 = arith.index_cast %add3A_1619 : i32 to index
        %swap3A_1688 = arith.constant 48 : index
        %swap3A_1689 = tpu.vector_load %arg5[%swap3A_1687, %swap3A_1688] {strides = array<i32>} : memref<256x128xi32, #tpu.memory_space<vmem>>, vector<1x16xi32>,
        %swap3A_1690 = vector.shape_cast %swap3A_1689 : vector<1x16xi32> to vector<16xi32>
        %swap3A_1691 = vector.shape_cast %add3A_1686 : vector<16xi32> to vector<1x16xi32>
        tpu.vector_store %arg5[%swap3A_1687, %swap3A_1688], %swap3A_1691 {strides = array<i32>} : memref<256x128xi32, #tpu.memory_space<vmem>>, vector<1x16xi32>,
        %get3A_1692 = arith.index_cast %add3A_1619 : i32 to index
        %get3A_1693 = arith.constant 64 : index
        %get3A_1694 = tpu.vector_load %arg5[%get3A_1692, %get3A_1693] {strides = array<i32>} : memref<256x128xi32, #tpu.memory_space<vmem>>, vector<1x16xi32>,
        %get3A_1695 = vector.shape_cast %get3A_1694 : vector<1x16xi32> to vector<16xi32>
        %jit3A_1696 = arith.constant -1024 : i32
        %jit3A_1697 = arith.constant 1023 : i32
        %max3A_1698 = vector.broadcast %jit3A_1696 : i32 to vector<16xi32>
        %max3A_1699 = arith.maxsi %max3A_1698, %get3A_1695 : vector<16xi32>
        %min3A_1700 = vector.broadcast %jit3A_1697 : i32 to vector<16xi32>
        %min3A_1701 = arith.minsi %min3A_1700, %max3A_1699 : vector<16xi32>
        %add3A_1702 = arith.constant 1024 : i32
        %add3A_1703 = vector.broadcast %add3A_1702 : i32 to vector<16xi32>
        %add3A_1704 = arith.addi %min3A_1701, %add3A_1703 : vector<16xi32>
        %swap3A_1705 = arith.index_cast %add3A_1619 : i32 to index
        %swap3A_1706 = arith.constant 64 : index
        %swap3A_1707 = tpu.vector_load %arg5[%swap3A_1705, %swap3A_1706] {strides = array<i32>} : memref<256x128xi32, #tpu.memory_space<vmem>>, vector<1x16xi32>,
        %swap3A_1708 = vector.shape_cast %swap3A_1707 : vector<1x16xi32> to vector<16xi32>
        %swap3A_1709 = vector.shape_cast %add3A_1704 : vector<16xi32> to vector<1x16xi32>
        tpu.vector_store %arg5[%swap3A_1705, %swap3A_1706], %swap3A_1709 {strides = array<i32>} : memref<256x128xi32, #tpu.memory_space<vmem>>, vector<1x16xi32>,
        %get3A_1710 = arith.index_cast %add3A_1619 : i32 to index
        %get3A_1711 = arith.constant 80 : index
        %get3A_1712 = tpu.vector_load %arg5[%get3A_1710, %get3A_1711] {strides = array<i32>} : memref<256x128xi32, #tpu.memory_space<vmem>>, vector<1x16xi32>,
        %get3A_1713 = vector.shape_cast %get3A_1712 : vector<1x16xi32> to vector<16xi32>
        %jit3A_1714 = arith.constant -1024 : i32
        %jit3A_1715 = arith.constant 1023 : i32
        %max3A_1716 = vector.broadcast %jit3A_1714 : i32 to vector<16xi32>
        %max3A_1717 = arith.maxsi %max3A_1716, %get3A_1713 : vector<16xi32>
        %min3A_1718 = vector.broadcast %jit3A_1715 : i32 to vector<16xi32>
        %min3A_1719 = arith.minsi %min3A_1718, %max3A_1717 : vector<16xi32>
        %add3A_1720 = arith.constant 1024 : i32
        %add3A_1721 = vector.broadcast %add3A_1720 : i32 to vector<16xi32>
        %add3A_1722 = arith.addi %min3A_1719, %add3A_1721 : vector<16xi32>
        %swap3A_1723 = arith.index_cast %add3A_1619 : i32 to index
        %swap3A_1724 = arith.constant 80 : index
        %swap3A_1725 = tpu.vector_load %arg5[%swap3A_1723, %swap3A_1724] {strides = array<i32>} : memref<256x128xi32, #tpu.memory_space<vmem>>, vector<1x16xi32>,
        %swap3A_1726 = vector.shape_cast %swap3A_1725 : vector<1x16xi32> to vector<16xi32>
        %swap3A_1727 = vector.shape_cast %add3A_1722 : vector<16xi32> to vector<1x16xi32>
        tpu.vector_store %arg5[%swap3A_1723, %swap3A_1724], %swap3A_1727 {strides = array<i32>} : memref<256x128xi32, #tpu.memory_space<vmem>>, vector<1x16xi32>,
        %get3A_1728 = arith.index_cast %add3A_1619 : i32 to index
        %get3A_1729 = arith.constant 96 : index
        %get3A_1730 = tpu.vector_load %arg5[%get3A_1728, %get3A_1729] {strides = array<i32>} : memref<256x128xi32, #tpu.memory_space<vmem>>, vector<1x16xi32>,
        %get3A_1731 = vector.shape_cast %get3A_1730 : vector<1x16xi32> to vector<16xi32>
        %jit3A_1732 = arith.constant -1024 : i32
        %jit3A_1733 = arith.constant 1023 : i32
        %max3A_1734 = vector.broadcast %jit3A_1732 : i32 to vector<16xi32>
        %max3A_1735 = arith.maxsi %max3A_1734, %get3A_1731 : vector<16xi32>
        %min3A_1736 = vector.broadcast %jit3A_1733 : i32 to vector<16xi32>
        %min3A_1737 = arith.minsi %min3A_1736, %max3A_1735 : vector<16xi32>
        %add3A_1738 = arith.constant 1024 : i32
        %add3A_1739 = vector.broadcast %add3A_1738 : i32 to vector<16xi32>
        %add3A_1740 = arith.addi %min3A_1737, %add3A_1739 : vector<16xi32>
        %swap3A_1741 = arith.index_cast %add3A_1619 : i32 to index
        %swap3A_1742 = arith.constant 96 : index
        %swap3A_1743 = tpu.vector_load %arg5[%swap3A_1741, %swap3A_1742] {strides = array<i32>} : memref<256x128xi32, #tpu.memory_space<vmem>>, vector<1x16xi32>,
        %swap3A_1744 = vector.shape_cast %swap3A_1743 : vector<1x16xi32> to vector<16xi32>
        %swap3A_1745 = vector.shape_cast %add3A_1740 : vector<16xi32> to vector<1x16xi32>
        tpu.vector_store %arg5[%swap3A_1741, %swap3A_1742], %swap3A_1745 {strides = array<i32>} : memref<256x128xi32, #tpu.memory_space<vmem>>, vector<1x16xi32>,
        %get3A_1746 = arith.index_cast %add3A_1619 : i32 to index
        %get3A_1747 = arith.constant 112 : index
        %get3A_1748 = tpu.vector_load %arg5[%get3A_1746, %get3A_1747] {strides = array<i32>} : memref<256x128xi32, #tpu.memory_space<vmem>>, vector<1x16xi32>,
        %get3A_1749 = vector.shape_cast %get3A_1748 : vector<1x16xi32> to vector<16xi32>
        %jit3A_1750 = arith.constant -1024 : i32
        %jit3A_1751 = arith.constant 1023 : i32
        %max3A_1752 = vector.broadcast %jit3A_1750 : i32 to vector<16xi32>
        %max3A_1753 = arith.maxsi %max3A_1752, %get3A_1749 : vector<16xi32>
        %min3A_1754 = vector.broadcast %jit3A_1751 : i32 to vector<16xi32>
        %min3A_1755 = arith.minsi %min3A_1754, %max3A_1753 : vector<16xi32>
        %add3A_1756 = arith.constant 1024 : i32
        %add3A_1757 = vector.broadcast %add3A_1756 : i32 to vector<16xi32>
        %add3A_1758 = arith.addi %min3A_1755, %add3A_1757 : vector<16xi32>
        %swap3A_1759 = arith.index_cast %add3A_1619 : i32 to index
        %swap3A_1760 = arith.constant 112 : index
        %swap3A_1761 = tpu.vector_load %arg5[%swap3A_1759, %swap3A_1760] {strides = array<i32>} : memref<256x128xi32, #tpu.memory_space<vmem>>, vector<1x16xi32>,
        %swap3A_1762 = vector.shape_cast %swap3A_1761 : vector<1x16xi32> to vector<16xi32>
        %swap3A_1763 = vector.shape_cast %add3A_1758 : vector<16xi32> to vector<1x16xi32>
        tpu.vector_store %arg5[%swap3A_1759, %swap3A_1760], %swap3A_1763 {strides = array<i32>} : memref<256x128xi32, #tpu.memory_space<vmem>>, vector<1x16xi32>,
        %mul3A_1764 = arith.constant 2 : i32
        %mul3A_1765 = arith.muli %add3A_1615, %mul3A_1764 : i32
        %add3A_1766 = arith.constant 1 : i32
        %add3A_1767 = arith.addi %mul3A_1765, %add3A_1766 : i32
        %get3A_1768 = arith.index_cast %add3A_1767 : i32 to index
        %get3A_1769 = arith.constant 0 : index
        %get3A_1770 = tpu.vector_load %arg5[%get3A_1768, %get3A_1769] {strides = array<i32>} : memref<256x128xi32, #tpu.memory_space<vmem>>, vector<1x16xi32>,
        %get3A_1771 = vector.shape_cast %get3A_1770 : vector<1x16xi32> to vector<16xi32>
        %jit3A_1772 = arith.constant -1024 : i32
        %jit3A_1773 = arith.constant 1023 : i32
        %max3A_1774 = vector.broadcast %jit3A_1772 : i32 to vector<16xi32>
        %max3A_1775 = arith.maxsi %max3A_1774, %get3A_1771 : vector<16xi32>
        %min3A_1776 = vector.broadcast %jit3A_1773 : i32 to vector<16xi32>
        %min3A_1777 = arith.minsi %min3A_1776, %max3A_1775 : vector<16xi32>
        %add3A_1778 = arith.constant 1024 : i32
        %add3A_1779 = vector.broadcast %add3A_1778 : i32 to vector<16xi32>
        %add3A_1780 = arith.addi %min3A_1777, %add3A_1779 : vector<16xi32>
        %swap3A_1781 = arith.index_cast %add3A_1767 : i32 to index
        %swap3A_1782 = arith.constant 0 : index
        %swap3A_1783 = tpu.vector_load %arg5[%swap3A_1781, %swap3A_1782] {strides = array<i32>} : memref<256x128xi32, #tpu.memory_space<vmem>>, vector<1x16xi32>,
        %swap3A_1784 = vector.shape_cast %swap3A_1783 : vector<1x16xi32> to vector<16xi32>
        %swap3A_1785 = vector.shape_cast %add3A_1780 : vector<16xi32> to vector<1x16xi32>
        tpu.vector_store %arg5[%swap3A_1781, %swap3A_1782], %swap3A_1785 {strides = array<i32>} : memref<256x128xi32, #tpu.memory_space<vmem>>, vector<1x16xi32>,
        %get3A_1786 = arith.index_cast %add3A_1767 : i32 to index
        %get3A_1787 = arith.constant 16 : index
        %get3A_1788 = tpu.vector_load %arg5[%get3A_1786, %get3A_1787] {strides = array<i32>} : memref<256x128xi32, #tpu.memory_space<vmem>>, vector<1x16xi32>,
        %get3A_1789 = vector.shape_cast %get3A_1788 : vector<1x16xi32> to vector<16xi32>
        %jit3A_1790 = arith.constant -1024 : i32
        %jit3A_1791 = arith.constant 1023 : i32
        %max3A_1792 = vector.broadcast %jit3A_1790 : i32 to vector<16xi32>
        %max3A_1793 = arith.maxsi %max3A_1792, %get3A_1789 : vector<16xi32>
        %min3A_1794 = vector.broadcast %jit3A_1791 : i32 to vector<16xi32>
        %min3A_1795 = arith.minsi %min3A_1794, %max3A_1793 : vector<16xi32>
        %add3A_1796 = arith.constant 1024 : i32
        %add3A_1797 = vector.broadcast %add3A_1796 : i32 to vector<16xi32>
        %add3A_1798 = arith.addi %min3A_1795, %add3A_1797 : vector<16xi32>
        %swap3A_1799 = arith.index_cast %add3A_1767 : i32 to index
        %swap3A_1800 = arith.constant 16 : index
        %swap3A_1801 = tpu.vector_load %arg5[%swap3A_1799, %swap3A_1800] {strides = array<i32>} : memref<256x128xi32, #tpu.memory_space<vmem>>, vector<1x16xi32>,
        %swap3A_1802 = vector.shape_cast %swap3A_1801 : vector<1x16xi32> to vector<16xi32>
        %swap3A_1803 = vector.shape_cast %add3A_1798 : vector<16xi32> to vector<1x16xi32>
        tpu.vector_store %arg5[%swap3A_1799, %swap3A_1800], %swap3A_1803 {strides = array<i32>} : memref<256x128xi32, #tpu.memory_space<vmem>>, vector<1x16xi32>,
        %get3A_1804 = arith.index_cast %add3A_1767 : i32 to index
        %get3A_1805 = arith.constant 32 : index
        %get3A_1806 = tpu.vector_load %arg5[%get3A_1804, %get3A_1805] {strides = array<i32>} : memref<256x128xi32, #tpu.memory_space<vmem>>, vector<1x16xi32>,
        %get3A_1807 = vector.shape_cast %get3A_1806 : vector<1x16xi32> to vector<16xi32>
        %jit3A_1808 = arith.constant -1024 : i32
        %jit3A_1809 = arith.constant 1023 : i32
        %max3A_1810 = vector.broadcast %jit3A_1808 : i32 to vector<16xi32>
        %max3A_1811 = arith.maxsi %max3A_1810, %get3A_1807 : vector<16xi32>
        %min3A_1812 = vector.broadcast %jit3A_1809 : i32 to vector<16xi32>
        %min3A_1813 = arith.minsi %min3A_1812, %max3A_1811 : vector<16xi32>
        %add3A_1814 = arith.constant 1024 : i32
        %add3A_1815 = vector.broadcast %add3A_1814 : i32 to vector<16xi32>
        %add3A_1816 = arith.addi %min3A_1813, %add3A_1815 : vector<16xi32>
        %swap3A_1817 = arith.index_cast %add3A_1767 : i32 to index
        %swap3A_1818 = arith.constant 32 : index
        %swap3A_1819 = tpu.vector_load %arg5[%swap3A_1817, %swap3A_1818] {strides = array<i32>} : memref<256x128xi32, #tpu.memory_space<vmem>>, vector<1x16xi32>,
        %swap3A_1820 = vector.shape_cast %swap3A_1819 : vector<1x16xi32> to vector<16xi32>
        %swap3A_1821 = vector.shape_cast %add3A_1816 : vector<16xi32> to vector<1x16xi32>
        tpu.vector_store %arg5[%swap3A_1817, %swap3A_1818], %swap3A_1821 {strides = array<i32>} : memref<256x128xi32, #tpu.memory_space<vmem>>, vector<1x16xi32>,
        %get3A_1822 = arith.index_cast %add3A_1767 : i32 to index
        %get3A_1823 = arith.constant 48 : index
        %get3A_1824 = tpu.vector_load %arg5[%get3A_1822, %get3A_1823] {strides = array<i32>} : memref<256x128xi32, #tpu.memory_space<vmem>>, vector<1x16xi32>,
        %get3A_1825 = vector.shape_cast %get3A_1824 : vector<1x16xi32> to vector<16xi32>
        %jit3A_1826 = arith.constant -1024 : i32
        %jit3A_1827 = arith.constant 1023 : i32
        %max3A_1828 = vector.broadcast %jit3A_1826 : i32 to vector<16xi32>
        %max3A_1829 = arith.maxsi %max3A_1828, %get3A_1825 : vector<16xi32>
        %min3A_1830 = vector.broadcast %jit3A_1827 : i32 to vector<16xi32>
        %min3A_1831 = arith.minsi %min3A_1830, %max3A_1829 : vector<16xi32>
        %add3A_1832 = arith.constant 1024 : i32
        %add3A_1833 = vector.broadcast %add3A_1832 : i32 to vector<16xi32>
        %add3A_1834 = arith.addi %min3A_1831, %add3A_1833 : vector<16xi32>
        %swap3A_1835 = arith.index_cast %add3A_1767 : i32 to index
        %swap3A_1836 = arith.constant 48 : index
        %swap3A_1837 = tpu.vector_load %arg5[%swap3A_1835, %swap3A_1836] {strides = array<i32>} : memref<256x128xi32, #tpu.memory_space<vmem>>, vector<1x16xi32>,
        %swap3A_1838 = vector.shape_cast %swap3A_1837 : vector<1x16xi32> to vector<16xi32>
        %swap3A_1839 = vector.shape_cast %add3A_1834 : vector<16xi32> to vector<1x16xi32>
        tpu.vector_store %arg5[%swap3A_1835, %swap3A_1836], %swap3A_1839 {strides = array<i32>} : memref<256x128xi32, #tpu.memory_space<vmem>>, vector<1x16xi32>,
        %get3A_1840 = arith.index_cast %add3A_1767 : i32 to index
        %get3A_1841 = arith.constant 64 : index
        %get3A_1842 = tpu.vector_load %arg5[%get3A_1840, %get3A_1841] {strides = array<i32>} : memref<256x128xi32, #tpu.memory_space<vmem>>, vector<1x16xi32>,
        %get3A_1843 = vector.shape_cast %get3A_1842 : vector<1x16xi32> to vector<16xi32>
        %jit3A_1844 = arith.constant -1024 : i32
        %jit3A_1845 = arith.constant 1023 : i32
        %max3A_1846 = vector.broadcast %jit3A_1844 : i32 to vector<16xi32>
        %max3A_1847 = arith.maxsi %max3A_1846, %get3A_1843 : vector<16xi32>
        %min3A_1848 = vector.broadcast %jit3A_1845 : i32 to vector<16xi32>
        %min3A_1849 = arith.minsi %min3A_1848, %max3A_1847 : vector<16xi32>
        %add3A_1850 = arith.constant 1024 : i32
        %add3A_1851 = vector.broadcast %add3A_1850 : i32 to vector<16xi32>
        %add3A_1852 = arith.addi %min3A_1849, %add3A_1851 : vector<16xi32>
        %swap3A_1853 = arith.index_cast %add3A_1767 : i32 to index
        %swap3A_1854 = arith.constant 64 : index
        %swap3A_1855 = tpu.vector_load %arg5[%swap3A_1853, %swap3A_1854] {strides = array<i32>} : memref<256x128xi32, #tpu.memory_space<vmem>>, vector<1x16xi32>,
        %swap3A_1856 = vector.shape_cast %swap3A_1855 : vector<1x16xi32> to vector<16xi32>
        %swap3A_1857 = vector.shape_cast %add3A_1852 : vector<16xi32> to vector<1x16xi32>
        tpu.vector_store %arg5[%swap3A_1853, %swap3A_1854], %swap3A_1857 {strides = array<i32>} : memref<256x128xi32, #tpu.memory_space<vmem>>, vector<1x16xi32>,
        %get3A_1858 = arith.index_cast %add3A_1767 : i32 to index
        %get3A_1859 = arith.constant 80 : index
        %get3A_1860 = tpu.vector_load %arg5[%get3A_1858, %get3A_1859] {strides = array<i32>} : memref<256x128xi32, #tpu.memory_space<vmem>>, vector<1x16xi32>,
        %get3A_1861 = vector.shape_cast %get3A_1860 : vector<1x16xi32> to vector<16xi32>
        %jit3A_1862 = arith.constant -1024 : i32
        %jit3A_1863 = arith.constant 1023 : i32
        %max3A_1864 = vector.broadcast %jit3A_1862 : i32 to vector<16xi32>
        %max3A_1865 = arith.maxsi %max3A_1864, %get3A_1861 : vector<16xi32>
        %min3A_1866 = vector.broadcast %jit3A_1863 : i32 to vector<16xi32>
        %min3A_1867 = arith.minsi %min3A_1866, %max3A_1865 : vector<16xi32>
        %add3A_1868 = arith.constant 1024 : i32
        %add3A_1869 = vector.broadcast %add3A_1868 : i32 to vector<16xi32>
        %add3A_1870 = arith.addi %min3A_1867, %add3A_1869 : vector<16xi32>
        %swap3A_1871 = arith.index_cast %add3A_1767 : i32 to index
        %swap3A_1872 = arith.constant 80 : index
        %swap3A_1873 = tpu.vector_load %arg5[%swap3A_1871, %swap3A_1872] {strides = array<i32>} : memref<256x128xi32, #tpu.memory_space<vmem>>, vector<1x16xi32>,
        %swap3A_1874 = vector.shape_cast %swap3A_1873 : vector<1x16xi32> to vector<16xi32>
        %swap3A_1875 = vector.shape_cast %add3A_1870 : vector<16xi32> to vector<1x16xi32>
        tpu.vector_store %arg5[%swap3A_1871, %swap3A_1872], %swap3A_1875 {strides = array<i32>} : memref<256x128xi32, #tpu.memory_space<vmem>>, vector<1x16xi32>,
        %get3A_1876 = arith.index_cast %add3A_1767 : i32 to index
        %get3A_1877 = arith.constant 96 : index
        %get3A_1878 = tpu.vector_load %arg5[%get3A_1876, %get3A_1877] {strides = array<i32>} : memref<256x128xi32, #tpu.memory_space<vmem>>, vector<1x16xi32>,
        %get3A_1879 = vector.shape_cast %get3A_1878 : vector<1x16xi32> to vector<16xi32>
        %jit3A_1880 = arith.constant -1024 : i32
        %jit3A_1881 = arith.constant 1023 : i32
        %max3A_1882 = vector.broadcast %jit3A_1880 : i32 to vector<16xi32>
        %max3A_1883 = arith.maxsi %max3A_1882, %get3A_1879 : vector<16xi32>
        %min3A_1884 = vector.broadcast %jit3A_1881 : i32 to vector<16xi32>
        %min3A_1885 = arith.minsi %min3A_1884, %max3A_1883 : vector<16xi32>
        %add3A_1886 = arith.constant 1024 : i32
        %add3A_1887 = vector.broadcast %add3A_1886 : i32 to vector<16xi32>
        %add3A_1888 = arith.addi %min3A_1885, %add3A_1887 : vector<16xi32>
        %swap3A_1889 = arith.index_cast %add3A_1767 : i32 to index
        %swap3A_1890 = arith.constant 96 : index
        %swap3A_1891 = tpu.vector_load %arg5[%swap3A_1889, %swap3A_1890] {strides = array<i32>} : memref<256x128xi32, #tpu.memory_space<vmem>>, vector<1x16xi32>,
        %swap3A_1892 = vector.shape_cast %swap3A_1891 : vector<1x16xi32> to vector<16xi32>
        %swap3A_1893 = vector.shape_cast %add3A_1888 : vector<16xi32> to vector<1x16xi32>
        tpu.vector_store %arg5[%swap3A_1889, %swap3A_1890], %swap3A_1893 {strides = array<i32>} : memref<256x128xi32, #tpu.memory_space<vmem>>, vector<1x16xi32>,
        %get3A_1894 = arith.index_cast %add3A_1767 : i32 to index
        %get3A_1895 = arith.constant 112 : index
        %get3A_1896 = tpu.vector_load %arg5[%get3A_1894, %get3A_1895] {strides = array<i32>} : memref<256x128xi32, #tpu.memory_space<vmem>>, vector<1x16xi32>,
        %get3A_1897 = vector.shape_cast %get3A_1896 : vector<1x16xi32> to vector<16xi32>
        %jit3A_1898 = arith.constant -1024 : i32
        %jit3A_1899 = arith.constant 1023 : i32
        %max3A_1900 = vector.broadcast %jit3A_1898 : i32 to vector<16xi32>
        %max3A_1901 = arith.maxsi %max3A_1900, %get3A_1897 : vector<16xi32>
        %min3A_1902 = vector.broadcast %jit3A_1899 : i32 to vector<16xi32>
        %min3A_1903 = arith.minsi %min3A_1902, %max3A_1901 : vector<16xi32>
        %add3A_1904 = arith.constant 1024 : i32
        %add3A_1905 = vector.broadcast %add3A_1904 : i32 to vector<16xi32>
        %add3A_1906 = arith.addi %min3A_1903, %add3A_1905 : vector<16xi32>
        %swap3A_1907 = arith.index_cast %add3A_1767 : i32 to index
        %swap3A_1908 = arith.constant 112 : index
        %swap3A_1909 = tpu.vector_load %arg5[%swap3A_1907, %swap3A_1908] {strides = array<i32>} : memref<256x128xi32, #tpu.memory_space<vmem>>, vector<1x16xi32>,
        %swap3A_1910 = vector.shape_cast %swap3A_1909 : vector<1x16xi32> to vector<16xi32>
        %swap3A_1911 = vector.shape_cast %add3A_1906 : vector<16xi32> to vector<1x16xi32>
        tpu.vector_store %arg5[%swap3A_1907, %swap3A_1908], %swap3A_1911 {strides = array<i32>} : memref<256x128xi32, #tpu.memory_space<vmem>>, vector<1x16xi32>,
      } else {
      }
      %mul3A_1475 = arith.constant 2 : i32
      %mul3A_1476 = arith.muli %add3A_1425, %mul3A_1475 : i32
      %add3A_1477 = arith.constant 0 : i32
      %add3A_1478 = arith.addi %mul3A_1476, %add3A_1477 : i32
      %dma_wait3A_1479 = arith.constant 0 : i32
      %dma_wait3A_1480 = tpu.memref_slice %arg5[%add3A_1478, %dma_wait3A_1479] : memref<256x128xi32, #tpu.memory_space<vmem>> -> memref<1x128xi32, #tpu.memory_space<vmem>>
      %dma_wait3A_1481 = tpu.memref_squeeze %dma_wait3A_1480 : memref<1x128xi32, #tpu.memory_space<vmem>> -> memref<128xi32, #tpu.memory_space<vmem>>
      %dma_wait3A_1482 = arith.constant 0 : i32
      %dma_wait3A_1483 = arith.constant 0 : i32
      %dma_wait3A_1484 = tpu.memref_slice %arg6[%dma_wait3A_1482, %dma_wait3A_1483] : memref<2048x128xf32, #tpu.memory_space<vmem_shared>> -> memref<2048x128xf32, #tpu.memory_space<vmem_shared>>
      tpu.wait_indirect_dma semaphore(%arg11 : memref<!tpu.dma_semaphore, #tpu.memory_space<semaphore_mem>>) src(%dma_wait3A_1484 : memref<2048x128xf32, #tpu.memory_space<vmem_shared>>) dst(%arg9 : memref<128x128xf32, #tpu.memory_space<vmem>>)
      %mul3A_1485 = arith.constant 2 : i32
      %mul3A_1486 = arith.muli %add3A_1425, %mul3A_1485 : i32
      %add3A_1487 = arith.constant 1 : i32
      %add3A_1488 = arith.addi %mul3A_1486, %add3A_1487 : i32
      %dma_wait3A_1489 = arith.constant 0 : i32
      %dma_wait3A_1490 = tpu.memref_slice %arg5[%add3A_1488, %dma_wait3A_1489] : memref<256x128xi32, #tpu.memory_space<vmem>> -> memref<1x128xi32, #tpu.memory_space<vmem>>
      %dma_wait3A_1491 = tpu.memref_squeeze %dma_wait3A_1490 : memref<1x128xi32, #tpu.memory_space<vmem>> -> memref<128xi32, #tpu.memory_space<vmem>>
      %dma_wait3A_1492 = arith.constant 0 : i32
      %dma_wait3A_1493 = arith.constant 0 : i32
      %dma_wait3A_1494 = tpu.memref_slice %arg6[%dma_wait3A_1492, %dma_wait3A_1493] : memref<2048x128xf32, #tpu.memory_space<vmem_shared>> -> memref<2048x128xf32, #tpu.memory_space<vmem_shared>>
      tpu.wait_indirect_dma semaphore(%arg11 : memref<!tpu.dma_semaphore, #tpu.memory_space<semaphore_mem>>) src(%dma_wait3A_1494 : memref<2048x128xf32, #tpu.memory_space<vmem_shared>>) dst(%arg10 : memref<128x128xf32, #tpu.memory_space<vmem>>)
      %mul3A_1495 = arith.constant 2 : i32
      %mul3A_1496 = arith.muli %add3A_1425, %mul3A_1495 : i32
      %add3A_1497 = arith.addi %mul3A_2, %mul3A_1496 : i32
      %add3A_1498 = arith.constant 0 : i32
      %add3A_1499 = arith.addi %add3A_1497, %add3A_1498 : i32
      %mul3A_1500 = arith.constant 128 : i32
      %mul3A_1501 = arith.muli %add3A_1499, %mul3A_1500 : i32
      %dma_start3A_1502 = arith.constant 0 : i32
      %dma_start3A_1503 = tpu.memref_slice %arg4[%mul3A_1501, %dma_start3A_1502] : memref<1048576x128xf32, #tpu.memory_space<hbm>> -> memref<128x128xf32, #tpu.memory_space<hbm>>
      %dma_start3A_1504 = arith.constant 0 : i32
      %dma_start3A_1505 = tpu.memref_slice %arg4[%mul3A_1501, %dma_start3A_1504] : memref<1048576x128xf32, #tpu.memory_space<hbm>> -> memref<128x128xf32, #tpu.memory_space<hbm>>
      tpu.enqueue_dma source(%arg9 : memref<128x128xf32, #tpu.memory_space<vmem>>) target(%dma_start3A_1505 : memref<128x128xf32, #tpu.memory_space<hbm>>) target_semaphore(%arg12 : memref<!tpu.dma_semaphore, #tpu.memory_space<semaphore_mem>>)
      %mul3A_1506 = arith.constant 2 : i32
      %mul3A_1507 = arith.muli %add3A_1425, %mul3A_1506 : i32
      %add3A_1508 = arith.addi %mul3A_2, %mul3A_1507 : i32
      %add3A_1509 = arith.constant 1 : i32
      %add3A_1510 = arith.addi %add3A_1508, %add3A_1509 : i32
      %mul3A_1511 = arith.constant 128 : i32
      %mul3A_1512 = arith.muli %add3A_1510, %mul3A_1511 : i32
      %dma_start3A_1513 = arith.constant 0 : i32
      %dma_start3A_1514 = tpu.memref_slice %arg4[%mul3A_1512, %dma_start3A_1513] : memref<1048576x128xf32, #tpu.memory_space<hbm>> -> memref<128x128xf32, #tpu.memory_space<hbm>>
      %dma_start3A_1515 = arith.constant 0 : i32
      %dma_start3A_1516 = tpu.memref_slice %arg4[%mul3A_1512, %dma_start3A_1515] : memref<1048576x128xf32, #tpu.memory_space<hbm>> -> memref<128x128xf32, #tpu.memory_space<hbm>>
      tpu.enqueue_dma source(%arg10 : memref<128x128xf32, #tpu.memory_space<vmem>>) target(%dma_start3A_1516 : memref<128x128xf32, #tpu.memory_space<hbm>>) target_semaphore(%arg12 : memref<!tpu.dma_semaphore, #tpu.memory_space<semaphore_mem>>)
      %add3A_1517 = arith.constant 1 : i32
      %add3A_1518 = arith.addi %add3A_1425, %add3A_1517 : i32
      %sub3A_1519 = arith.constant 1 : i32
      %sub3A_1520 = arith.subi %add3A_1518, %sub3A_1519 : i32
      %mul3A_1521 = arith.constant 2 : i32
      %mul3A_1522 = arith.muli %sub3A_1520, %mul3A_1521 : i32
      %add3A_1523 = arith.addi %mul3A_2, %mul3A_1522 : i32
      %add3A_1524 = arith.constant 0 : i32
      %add3A_1525 = arith.addi %add3A_1523, %add3A_1524 : i32
      %mul3A_1526 = arith.constant 128 : i32
      %mul3A_1527 = arith.muli %add3A_1525, %mul3A_1526 : i32
      %dma_wait3A_1528 = arith.constant 0 : i32
      %dma_wait3A_1529 = tpu.memref_slice %arg4[%mul3A_1527, %dma_wait3A_1528] : memref<1048576x128xf32, #tpu.memory_space<hbm>> -> memref<128x128xf32, #tpu.memory_space<hbm>>
      %dma_wait3A_1530 = arith.constant 0 : i32
      %dma_wait3A_1531 = tpu.memref_slice %arg4[%mul3A_1527, %dma_wait3A_1530] : memref<1048576x128xf32, #tpu.memory_space<hbm>> -> memref<128x128xf32, #tpu.memory_space<hbm>>
      tpu.wait_dma2 semaphore(%arg12 : memref<!tpu.dma_semaphore, #tpu.memory_space<semaphore_mem>>) src(%arg9 : memref<128x128xf32, #tpu.memory_space<vmem>>) dst(%dma_wait3A_1531 : memref<128x128xf32, #tpu.memory_space<hbm>>)
      %mul3A_1532 = arith.constant 2 : i32
      %mul3A_1533 = arith.muli %sub3A_1520, %mul3A_1532 : i32
      %add3A_1534 = arith.addi %mul3A_2, %mul3A_1533 : i32
      %add3A_1535 = arith.constant 1 : i32
      %add3A_1536 = arith.addi %add3A_1534, %add3A_1535 : i32
      %mul3A_1537 = arith.constant 128 : i32
      %mul3A_1538 = arith.muli %add3A_1536, %mul3A_1537 : i32
      %dma_wait3A_1539 = arith.constant 0 : i32
      %dma_wait3A_1540 = tpu.memref_slice %arg4[%mul3A_1538, %dma_wait3A_1539] : memref<1048576x128xf32, #tpu.memory_space<hbm>> -> memref<128x128xf32, #tpu.memory_space<hbm>>
      %dma_wait3A_1541 = arith.constant 0 : i32
      %dma_wait3A_1542 = tpu.memref_slice %arg4[%mul3A_1538, %dma_wait3A_1541] : memref<1048576x128xf32, #tpu.memory_space<hbm>> -> memref<128x128xf32, #tpu.memory_space<hbm>>
      tpu.wait_dma2 semaphore(%arg12 : memref<!tpu.dma_semaphore, #tpu.memory_space<semaphore_mem>>) src(%arg10 : memref<128x128xf32, #tpu.memory_space<vmem>>) dst(%dma_wait3A_1542 : memref<128x128xf32, #tpu.memory_space<hbm>>)
      %add3A_1543 = arith.constant 1 : i32
      %add3A_1544 = arith.addi %add3A_1518, %add3A_1543 : i32
      %mul3A_1545 = arith.constant 2 : i32
      %mul3A_1546 = arith.muli %add3A_1544, %mul3A_1545 : i32
      %add3A_1547 = arith.constant 0 : i32
      %add3A_1548 = arith.addi %mul3A_1546, %add3A_1547 : i32
      %dma_start3A_1549 = arith.constant 0 : i32
      %dma_start3A_1550 = tpu.memref_slice %arg5[%add3A_1548, %dma_start3A_1549] : memref<256x128xi32, #tpu.memory_space<vmem>> -> memref<1x128xi32, #tpu.memory_space<vmem>>
      %dma_start3A_1551 = tpu.memref_squeeze %dma_start3A_1550 : memref<1x128xi32, #tpu.memory_space<vmem>> -> memref<128xi32, #tpu.memory_space<vmem>>
      %dma_start3A_1552 = arith.constant 0 : i32
      %dma_start3A_1553 = arith.constant 0 : i32
      %dma_start3A_1554 = tpu.memref_slice %arg6[%dma_start3A_1552, %dma_start3A_1553] : memref<2048x128xf32, #tpu.memory_space<vmem_shared>> -> memref<2048x128xf32, #tpu.memory_space<vmem_shared>>
      tpu.enqueue_indirect_dma source(%dma_start3A_1554 : memref<2048x128xf32, #tpu.memory_space<vmem_shared>>) target(%arg9 : memref<128x128xf32, #tpu.memory_space<vmem>>) offsets(%dma_start3A_1551 : memref<128xi32, #tpu.memory_space<vmem>>) semaphore(%arg11 : memref<!tpu.dma_semaphore, #tpu.memory_space<semaphore_mem>>)
      %mul3A_1555 = arith.constant 2 : i32
      %mul3A_1556 = arith.muli %add3A_1544, %mul3A_1555 : i32
      %add3A_1557 = arith.constant 1 : i32
      %add3A_1558 = arith.addi %mul3A_1556, %add3A_1557 : i32
      %dma_start3A_1559 = arith.constant 0 : i32
      %dma_start3A_1560 = tpu.memref_slice %arg5[%add3A_1558, %dma_start3A_1559] : memref<256x128xi32, #tpu.memory_space<vmem>> -> memref<1x128xi32, #tpu.memory_space<vmem>>
      %dma_start3A_1561 = tpu.memref_squeeze %dma_start3A_1560 : memref<1x128xi32, #tpu.memory_space<vmem>> -> memref<128xi32, #tpu.memory_space<vmem>>
      %dma_start3A_1562 = arith.constant 0 : i32
      %dma_start3A_1563 = arith.constant 0 : i32
      %dma_start3A_1564 = tpu.memref_slice %arg6[%dma_start3A_1562, %dma_start3A_1563] : memref<2048x128xf32, #tpu.memory_space<vmem_shared>> -> memref<2048x128xf32, #tpu.memory_space<vmem_shared>>
      tpu.enqueue_indirect_dma source(%dma_start3A_1564 : memref<2048x128xf32, #tpu.memory_space<vmem_shared>>) target(%arg10 : memref<128x128xf32, #tpu.memory_space<vmem>>) offsets(%dma_start3A_1561 : memref<128xi32, #tpu.memory_space<vmem>>) semaphore(%arg11 : memref<!tpu.dma_semaphore, #tpu.memory_space<semaphore_mem>>)
      %add3A_1565 = arith.constant 3 : i32
      %add3A_1566 = arith.addi %add3A_1518, %add3A_1565 : i32
      %lt3A_1567 = arith.constant 128 : i32
      %lt3A_1568 = arith.cmpi slt, %add3A_1566, %lt3A_1567 : i32
      %convert_element_type3A_1569 = arith.extui %lt3A_1568 : i1 to i32
      %cond3A_1570 = arith.constant 0 : i32
      %cond3A_1571 = arith.cmpi ne, %convert_element_type3A_1569, %cond3A_1570 : i32
      scf.if %cond3A_1571 {
        %add3A_1614 = arith.constant 3 : i32
        %add3A_1615 = arith.addi %add3A_1518, %add3A_1614 : i32
        %mul3A_1616 = arith.constant 2 : i32
        %mul3A_1617 = arith.muli %add3A_1615, %mul3A_1616 : i32
        %add3A_1618 = arith.constant 0 : i32
        %add3A_1619 = arith.addi %mul3A_1617, %add3A_1618 : i32
        %get3A_1620 = arith.index_cast %add3A_1619 : i32 to index
        %get3A_1621 = arith.constant 0 : index
        %get3A_1622 = tpu.vector_load %arg5[%get3A_1620, %get3A_1621] {strides = array<i32>} : memref<256x128xi32, #tpu.memory_space<vmem>>, vector<1x16xi32>,
        %get3A_1623 = vector.shape_cast %get3A_1622 : vector<1x16xi32> to vector<16xi32>
        %jit3A_1624 = arith.constant -1024 : i32
        %jit3A_1625 = arith.constant 1023 : i32
        %max3A_1626 = vector.broadcast %jit3A_1624 : i32 to vector<16xi32>
        %max3A_1627 = arith.maxsi %max3A_1626, %get3A_1623 : vector<16xi32>
        %min3A_1628 = vector.broadcast %jit3A_1625 : i32 to vector<16xi32>
        %min3A_1629 = arith.minsi %min3A_1628, %max3A_1627 : vector<16xi32>
        %add3A_1630 = arith.constant 1024 : i32
        %add3A_1631 = vector.broadcast %add3A_1630 : i32 to vector<16xi32>
        %add3A_1632 = arith.addi %min3A_1629, %add3A_1631 : vector<16xi32>
        %swap3A_1633 = arith.index_cast %add3A_1619 : i32 to index
        %swap3A_1634 = arith.constant 0 : index
        %swap3A_1635 = tpu.vector_load %arg5[%swap3A_1633, %swap3A_1634] {strides = array<i32>} : memref<256x128xi32, #tpu.memory_space<vmem>>, vector<1x16xi32>,
        %swap3A_1636 = vector.shape_cast %swap3A_1635 : vector<1x16xi32> to vector<16xi32>
        %swap3A_1637 = vector.shape_cast %add3A_1632 : vector<16xi32> to vector<1x16xi32>
        tpu.vector_store %arg5[%swap3A_1633, %swap3A_1634], %swap3A_1637 {strides = array<i32>} : memref<256x128xi32, #tpu.memory_space<vmem>>, vector<1x16xi32>,
        %get3A_1638 = arith.index_cast %add3A_1619 : i32 to index
        %get3A_1639 = arith.constant 16 : index
        %get3A_1640 = tpu.vector_load %arg5[%get3A_1638, %get3A_1639] {strides = array<i32>} : memref<256x128xi32, #tpu.memory_space<vmem>>, vector<1x16xi32>,
        %get3A_1641 = vector.shape_cast %get3A_1640 : vector<1x16xi32> to vector<16xi32>
        %jit3A_1642 = arith.constant -1024 : i32
        %jit3A_1643 = arith.constant 1023 : i32
        %max3A_1644 = vector.broadcast %jit3A_1642 : i32 to vector<16xi32>
        %max3A_1645 = arith.maxsi %max3A_1644, %get3A_1641 : vector<16xi32>
        %min3A_1646 = vector.broadcast %jit3A_1643 : i32 to vector<16xi32>
        %min3A_1647 = arith.minsi %min3A_1646, %max3A_1645 : vector<16xi32>
        %add3A_1648 = arith.constant 1024 : i32
        %add3A_1649 = vector.broadcast %add3A_1648 : i32 to vector<16xi32>
        %add3A_1650 = arith.addi %min3A_1647, %add3A_1649 : vector<16xi32>
        %swap3A_1651 = arith.index_cast %add3A_1619 : i32 to index
        %swap3A_1652 = arith.constant 16 : index
        %swap3A_1653 = tpu.vector_load %arg5[%swap3A_1651, %swap3A_1652] {strides = array<i32>} : memref<256x128xi32, #tpu.memory_space<vmem>>, vector<1x16xi32>,
        %swap3A_1654 = vector.shape_cast %swap3A_1653 : vector<1x16xi32> to vector<16xi32>
        %swap3A_1655 = vector.shape_cast %add3A_1650 : vector<16xi32> to vector<1x16xi32>
        tpu.vector_store %arg5[%swap3A_1651, %swap3A_1652], %swap3A_1655 {strides = array<i32>} : memref<256x128xi32, #tpu.memory_space<vmem>>, vector<1x16xi32>,
        %get3A_1656 = arith.index_cast %add3A_1619 : i32 to index
        %get3A_1657 = arith.constant 32 : index
        %get3A_1658 = tpu.vector_load %arg5[%get3A_1656, %get3A_1657] {strides = array<i32>} : memref<256x128xi32, #tpu.memory_space<vmem>>, vector<1x16xi32>,
        %get3A_1659 = vector.shape_cast %get3A_1658 : vector<1x16xi32> to vector<16xi32>
        %jit3A_1660 = arith.constant -1024 : i32
        %jit3A_1661 = arith.constant 1023 : i32
        %max3A_1662 = vector.broadcast %jit3A_1660 : i32 to vector<16xi32>
        %max3A_1663 = arith.maxsi %max3A_1662, %get3A_1659 : vector<16xi32>
        %min3A_1664 = vector.broadcast %jit3A_1661 : i32 to vector<16xi32>
        %min3A_1665 = arith.minsi %min3A_1664, %max3A_1663 : vector<16xi32>
        %add3A_1666 = arith.constant 1024 : i32
        %add3A_1667 = vector.broadcast %add3A_1666 : i32 to vector<16xi32>
        %add3A_1668 = arith.addi %min3A_1665, %add3A_1667 : vector<16xi32>
        %swap3A_1669 = arith.index_cast %add3A_1619 : i32 to index
        %swap3A_1670 = arith.constant 32 : index
        %swap3A_1671 = tpu.vector_load %arg5[%swap3A_1669, %swap3A_1670] {strides = array<i32>} : memref<256x128xi32, #tpu.memory_space<vmem>>, vector<1x16xi32>,
        %swap3A_1672 = vector.shape_cast %swap3A_1671 : vector<1x16xi32> to vector<16xi32>
        %swap3A_1673 = vector.shape_cast %add3A_1668 : vector<16xi32> to vector<1x16xi32>
        tpu.vector_store %arg5[%swap3A_1669, %swap3A_1670], %swap3A_1673 {strides = array<i32>} : memref<256x128xi32, #tpu.memory_space<vmem>>, vector<1x16xi32>,
        %get3A_1674 = arith.index_cast %add3A_1619 : i32 to index
        %get3A_1675 = arith.constant 48 : index
        %get3A_1676 = tpu.vector_load %arg5[%get3A_1674, %get3A_1675] {strides = array<i32>} : memref<256x128xi32, #tpu.memory_space<vmem>>, vector<1x16xi32>,
        %get3A_1677 = vector.shape_cast %get3A_1676 : vector<1x16xi32> to vector<16xi32>
        %jit3A_1678 = arith.constant -1024 : i32
        %jit3A_1679 = arith.constant 1023 : i32
        %max3A_1680 = vector.broadcast %jit3A_1678 : i32 to vector<16xi32>
        %max3A_1681 = arith.maxsi %max3A_1680, %get3A_1677 : vector<16xi32>
        %min3A_1682 = vector.broadcast %jit3A_1679 : i32 to vector<16xi32>
        %min3A_1683 = arith.minsi %min3A_1682, %max3A_1681 : vector<16xi32>
        %add3A_1684 = arith.constant 1024 : i32
        %add3A_1685 = vector.broadcast %add3A_1684 : i32 to vector<16xi32>
        %add3A_1686 = arith.addi %min3A_1683, %add3A_1685 : vector<16xi32>
        %swap3A_1687 = arith.index_cast %add3A_1619 : i32 to index
        %swap3A_1688 = arith.constant 48 : index
        %swap3A_1689 = tpu.vector_load %arg5[%swap3A_1687, %swap3A_1688] {strides = array<i32>} : memref<256x128xi32, #tpu.memory_space<vmem>>, vector<1x16xi32>,
        %swap3A_1690 = vector.shape_cast %swap3A_1689 : vector<1x16xi32> to vector<16xi32>
        %swap3A_1691 = vector.shape_cast %add3A_1686 : vector<16xi32> to vector<1x16xi32>
        tpu.vector_store %arg5[%swap3A_1687, %swap3A_1688], %swap3A_1691 {strides = array<i32>} : memref<256x128xi32, #tpu.memory_space<vmem>>, vector<1x16xi32>,
        %get3A_1692 = arith.index_cast %add3A_1619 : i32 to index
        %get3A_1693 = arith.constant 64 : index
        %get3A_1694 = tpu.vector_load %arg5[%get3A_1692, %get3A_1693] {strides = array<i32>} : memref<256x128xi32, #tpu.memory_space<vmem>>, vector<1x16xi32>,
        %get3A_1695 = vector.shape_cast %get3A_1694 : vector<1x16xi32> to vector<16xi32>
        %jit3A_1696 = arith.constant -1024 : i32
        %jit3A_1697 = arith.constant 1023 : i32
        %max3A_1698 = vector.broadcast %jit3A_1696 : i32 to vector<16xi32>
        %max3A_1699 = arith.maxsi %max3A_1698, %get3A_1695 : vector<16xi32>
        %min3A_1700 = vector.broadcast %jit3A_1697 : i32 to vector<16xi32>
        %min3A_1701 = arith.minsi %min3A_1700, %max3A_1699 : vector<16xi32>
        %add3A_1702 = arith.constant 1024 : i32
        %add3A_1703 = vector.broadcast %add3A_1702 : i32 to vector<16xi32>
        %add3A_1704 = arith.addi %min3A_1701, %add3A_1703 : vector<16xi32>
        %swap3A_1705 = arith.index_cast %add3A_1619 : i32 to index
        %swap3A_1706 = arith.constant 64 : index
        %swap3A_1707 = tpu.vector_load %arg5[%swap3A_1705, %swap3A_1706] {strides = array<i32>} : memref<256x128xi32, #tpu.memory_space<vmem>>, vector<1x16xi32>,
        %swap3A_1708 = vector.shape_cast %swap3A_1707 : vector<1x16xi32> to vector<16xi32>
        %swap3A_1709 = vector.shape_cast %add3A_1704 : vector<16xi32> to vector<1x16xi32>
        tpu.vector_store %arg5[%swap3A_1705, %swap3A_1706], %swap3A_1709 {strides = array<i32>} : memref<256x128xi32, #tpu.memory_space<vmem>>, vector<1x16xi32>,
        %get3A_1710 = arith.index_cast %add3A_1619 : i32 to index
        %get3A_1711 = arith.constant 80 : index
        %get3A_1712 = tpu.vector_load %arg5[%get3A_1710, %get3A_1711] {strides = array<i32>} : memref<256x128xi32, #tpu.memory_space<vmem>>, vector<1x16xi32>,
        %get3A_1713 = vector.shape_cast %get3A_1712 : vector<1x16xi32> to vector<16xi32>
        %jit3A_1714 = arith.constant -1024 : i32
        %jit3A_1715 = arith.constant 1023 : i32
        %max3A_1716 = vector.broadcast %jit3A_1714 : i32 to vector<16xi32>
        %max3A_1717 = arith.maxsi %max3A_1716, %get3A_1713 : vector<16xi32>
        %min3A_1718 = vector.broadcast %jit3A_1715 : i32 to vector<16xi32>
        %min3A_1719 = arith.minsi %min3A_1718, %max3A_1717 : vector<16xi32>
        %add3A_1720 = arith.constant 1024 : i32
        %add3A_1721 = vector.broadcast %add3A_1720 : i32 to vector<16xi32>
        %add3A_1722 = arith.addi %min3A_1719, %add3A_1721 : vector<16xi32>
        %swap3A_1723 = arith.index_cast %add3A_1619 : i32 to index
        %swap3A_1724 = arith.constant 80 : index
        %swap3A_1725 = tpu.vector_load %arg5[%swap3A_1723, %swap3A_1724] {strides = array<i32>} : memref<256x128xi32, #tpu.memory_space<vmem>>, vector<1x16xi32>,
        %swap3A_1726 = vector.shape_cast %swap3A_1725 : vector<1x16xi32> to vector<16xi32>
        %swap3A_1727 = vector.shape_cast %add3A_1722 : vector<16xi32> to vector<1x16xi32>
        tpu.vector_store %arg5[%swap3A_1723, %swap3A_1724], %swap3A_1727 {strides = array<i32>} : memref<256x128xi32, #tpu.memory_space<vmem>>, vector<1x16xi32>,
        %get3A_1728 = arith.index_cast %add3A_1619 : i32 to index
        %get3A_1729 = arith.constant 96 : index
        %get3A_1730 = tpu.vector_load %arg5[%get3A_1728, %get3A_1729] {strides = array<i32>} : memref<256x128xi32, #tpu.memory_space<vmem>>, vector<1x16xi32>,
        %get3A_1731 = vector.shape_cast %get3A_1730 : vector<1x16xi32> to vector<16xi32>
        %jit3A_1732 = arith.constant -1024 : i32
        %jit3A_1733 = arith.constant 1023 : i32
        %max3A_1734 = vector.broadcast %jit3A_1732 : i32 to vector<16xi32>
        %max3A_1735 = arith.maxsi %max3A_1734, %get3A_1731 : vector<16xi32>
        %min3A_1736 = vector.broadcast %jit3A_1733 : i32 to vector<16xi32>
        %min3A_1737 = arith.minsi %min3A_1736, %max3A_1735 : vector<16xi32>
        %add3A_1738 = arith.constant 1024 : i32
        %add3A_1739 = vector.broadcast %add3A_1738 : i32 to vector<16xi32>
        %add3A_1740 = arith.addi %min3A_1737, %add3A_1739 : vector<16xi32>
        %swap3A_1741 = arith.index_cast %add3A_1619 : i32 to index
        %swap3A_1742 = arith.constant 96 : index
        %swap3A_1743 = tpu.vector_load %arg5[%swap3A_1741, %swap3A_1742] {strides = array<i32>} : memref<256x128xi32, #tpu.memory_space<vmem>>, vector<1x16xi32>,
        %swap3A_1744 = vector.shape_cast %swap3A_1743 : vector<1x16xi32> to vector<16xi32>
        %swap3A_1745 = vector.shape_cast %add3A_1740 : vector<16xi32> to vector<1x16xi32>
        tpu.vector_store %arg5[%swap3A_1741, %swap3A_1742], %swap3A_1745 {strides = array<i32>} : memref<256x128xi32, #tpu.memory_space<vmem>>, vector<1x16xi32>,
        %get3A_1746 = arith.index_cast %add3A_1619 : i32 to index
        %get3A_1747 = arith.constant 112 : index
        %get3A_1748 = tpu.vector_load %arg5[%get3A_1746, %get3A_1747] {strides = array<i32>} : memref<256x128xi32, #tpu.memory_space<vmem>>, vector<1x16xi32>,
        %get3A_1749 = vector.shape_cast %get3A_1748 : vector<1x16xi32> to vector<16xi32>
        %jit3A_1750 = arith.constant -1024 : i32
        %jit3A_1751 = arith.constant 1023 : i32
        %max3A_1752 = vector.broadcast %jit3A_1750 : i32 to vector<16xi32>
        %max3A_1753 = arith.maxsi %max3A_1752, %get3A_1749 : vector<16xi32>
        %min3A_1754 = vector.broadcast %jit3A_1751 : i32 to vector<16xi32>
        %min3A_1755 = arith.minsi %min3A_1754, %max3A_1753 : vector<16xi32>
        %add3A_1756 = arith.constant 1024 : i32
        %add3A_1757 = vector.broadcast %add3A_1756 : i32 to vector<16xi32>
        %add3A_1758 = arith.addi %min3A_1755, %add3A_1757 : vector<16xi32>
        %swap3A_1759 = arith.index_cast %add3A_1619 : i32 to index
        %swap3A_1760 = arith.constant 112 : index
        %swap3A_1761 = tpu.vector_load %arg5[%swap3A_1759, %swap3A_1760] {strides = array<i32>} : memref<256x128xi32, #tpu.memory_space<vmem>>, vector<1x16xi32>,
        %swap3A_1762 = vector.shape_cast %swap3A_1761 : vector<1x16xi32> to vector<16xi32>
        %swap3A_1763 = vector.shape_cast %add3A_1758 : vector<16xi32> to vector<1x16xi32>
        tpu.vector_store %arg5[%swap3A_1759, %swap3A_1760], %swap3A_1763 {strides = array<i32>} : memref<256x128xi32, #tpu.memory_space<vmem>>, vector<1x16xi32>,
        %mul3A_1764 = arith.constant 2 : i32
        %mul3A_1765 = arith.muli %add3A_1615, %mul3A_1764 : i32
        %add3A_1766 = arith.constant 1 : i32
        %add3A_1767 = arith.addi %mul3A_1765, %add3A_1766 : i32
        %get3A_1768 = arith.index_cast %add3A_1767 : i32 to index
        %get3A_1769 = arith.constant 0 : index
        %get3A_1770 = tpu.vector_load %arg5[%get3A_1768, %get3A_1769] {strides = array<i32>} : memref<256x128xi32, #tpu.memory_space<vmem>>, vector<1x16xi32>,
        %get3A_1771 = vector.shape_cast %get3A_1770 : vector<1x16xi32> to vector<16xi32>
        %jit3A_1772 = arith.constant -1024 : i32
        %jit3A_1773 = arith.constant 1023 : i32
        %max3A_1774 = vector.broadcast %jit3A_1772 : i32 to vector<16xi32>
        %max3A_1775 = arith.maxsi %max3A_1774, %get3A_1771 : vector<16xi32>
        %min3A_1776 = vector.broadcast %jit3A_1773 : i32 to vector<16xi32>
        %min3A_1777 = arith.minsi %min3A_1776, %max3A_1775 : vector<16xi32>
        %add3A_1778 = arith.constant 1024 : i32
        %add3A_1779 = vector.broadcast %add3A_1778 : i32 to vector<16xi32>
        %add3A_1780 = arith.addi %min3A_1777, %add3A_1779 : vector<16xi32>
        %swap3A_1781 = arith.index_cast %add3A_1767 : i32 to index
        %swap3A_1782 = arith.constant 0 : index
        %swap3A_1783 = tpu.vector_load %arg5[%swap3A_1781, %swap3A_1782] {strides = array<i32>} : memref<256x128xi32, #tpu.memory_space<vmem>>, vector<1x16xi32>,
        %swap3A_1784 = vector.shape_cast %swap3A_1783 : vector<1x16xi32> to vector<16xi32>
        %swap3A_1785 = vector.shape_cast %add3A_1780 : vector<16xi32> to vector<1x16xi32>
        tpu.vector_store %arg5[%swap3A_1781, %swap3A_1782], %swap3A_1785 {strides = array<i32>} : memref<256x128xi32, #tpu.memory_space<vmem>>, vector<1x16xi32>,
        %get3A_1786 = arith.index_cast %add3A_1767 : i32 to index
        %get3A_1787 = arith.constant 16 : index
        %get3A_1788 = tpu.vector_load %arg5[%get3A_1786, %get3A_1787] {strides = array<i32>} : memref<256x128xi32, #tpu.memory_space<vmem>>, vector<1x16xi32>,
        %get3A_1789 = vector.shape_cast %get3A_1788 : vector<1x16xi32> to vector<16xi32>
        %jit3A_1790 = arith.constant -1024 : i32
        %jit3A_1791 = arith.constant 1023 : i32
        %max3A_1792 = vector.broadcast %jit3A_1790 : i32 to vector<16xi32>
        %max3A_1793 = arith.maxsi %max3A_1792, %get3A_1789 : vector<16xi32>
        %min3A_1794 = vector.broadcast %jit3A_1791 : i32 to vector<16xi32>
        %min3A_1795 = arith.minsi %min3A_1794, %max3A_1793 : vector<16xi32>
        %add3A_1796 = arith.constant 1024 : i32
        %add3A_1797 = vector.broadcast %add3A_1796 : i32 to vector<16xi32>
        %add3A_1798 = arith.addi %min3A_1795, %add3A_1797 : vector<16xi32>
        %swap3A_1799 = arith.index_cast %add3A_1767 : i32 to index
        %swap3A_1800 = arith.constant 16 : index
        %swap3A_1801 = tpu.vector_load %arg5[%swap3A_1799, %swap3A_1800] {strides = array<i32>} : memref<256x128xi32, #tpu.memory_space<vmem>>, vector<1x16xi32>,
        %swap3A_1802 = vector.shape_cast %swap3A_1801 : vector<1x16xi32> to vector<16xi32>
        %swap3A_1803 = vector.shape_cast %add3A_1798 : vector<16xi32> to vector<1x16xi32>
        tpu.vector_store %arg5[%swap3A_1799, %swap3A_1800], %swap3A_1803 {strides = array<i32>} : memref<256x128xi32, #tpu.memory_space<vmem>>, vector<1x16xi32>,
        %get3A_1804 = arith.index_cast %add3A_1767 : i32 to index
        %get3A_1805 = arith.constant 32 : index
        %get3A_1806 = tpu.vector_load %arg5[%get3A_1804, %get3A_1805] {strides = array<i32>} : memref<256x128xi32, #tpu.memory_space<vmem>>, vector<1x16xi32>,
        %get3A_1807 = vector.shape_cast %get3A_1806 : vector<1x16xi32> to vector<16xi32>
        %jit3A_1808 = arith.constant -1024 : i32
        %jit3A_1809 = arith.constant 1023 : i32
        %max3A_1810 = vector.broadcast %jit3A_1808 : i32 to vector<16xi32>
        %max3A_1811 = arith.maxsi %max3A_1810, %get3A_1807 : vector<16xi32>
        %min3A_1812 = vector.broadcast %jit3A_1809 : i32 to vector<16xi32>
        %min3A_1813 = arith.minsi %min3A_1812, %max3A_1811 : vector<16xi32>
        %add3A_1814 = arith.constant 1024 : i32
        %add3A_1815 = vector.broadcast %add3A_1814 : i32 to vector<16xi32>
        %add3A_1816 = arith.addi %min3A_1813, %add3A_1815 : vector<16xi32>
        %swap3A_1817 = arith.index_cast %add3A_1767 : i32 to index
        %swap3A_1818 = arith.constant 32 : index
        %swap3A_1819 = tpu.vector_load %arg5[%swap3A_1817, %swap3A_1818] {strides = array<i32>} : memref<256x128xi32, #tpu.memory_space<vmem>>, vector<1x16xi32>,
        %swap3A_1820 = vector.shape_cast %swap3A_1819 : vector<1x16xi32> to vector<16xi32>
        %swap3A_1821 = vector.shape_cast %add3A_1816 : vector<16xi32> to vector<1x16xi32>
        tpu.vector_store %arg5[%swap3A_1817, %swap3A_1818], %swap3A_1821 {strides = array<i32>} : memref<256x128xi32, #tpu.memory_space<vmem>>, vector<1x16xi32>,
        %get3A_1822 = arith.index_cast %add3A_1767 : i32 to index
        %get3A_1823 = arith.constant 48 : index
        %get3A_1824 = tpu.vector_load %arg5[%get3A_1822, %get3A_1823] {strides = array<i32>} : memref<256x128xi32, #tpu.memory_space<vmem>>, vector<1x16xi32>,
        %get3A_1825 = vector.shape_cast %get3A_1824 : vector<1x16xi32> to vector<16xi32>
        %jit3A_1826 = arith.constant -1024 : i32
        %jit3A_1827 = arith.constant 1023 : i32
        %max3A_1828 = vector.broadcast %jit3A_1826 : i32 to vector<16xi32>
        %max3A_1829 = arith.maxsi %max3A_1828, %get3A_1825 : vector<16xi32>
        %min3A_1830 = vector.broadcast %jit3A_1827 : i32 to vector<16xi32>
        %min3A_1831 = arith.minsi %min3A_1830, %max3A_1829 : vector<16xi32>
        %add3A_1832 = arith.constant 1024 : i32
        %add3A_1833 = vector.broadcast %add3A_1832 : i32 to vector<16xi32>
        %add3A_1834 = arith.addi %min3A_1831, %add3A_1833 : vector<16xi32>
        %swap3A_1835 = arith.index_cast %add3A_1767 : i32 to index
        %swap3A_1836 = arith.constant 48 : index
        %swap3A_1837 = tpu.vector_load %arg5[%swap3A_1835, %swap3A_1836] {strides = array<i32>} : memref<256x128xi32, #tpu.memory_space<vmem>>, vector<1x16xi32>,
        %swap3A_1838 = vector.shape_cast %swap3A_1837 : vector<1x16xi32> to vector<16xi32>
        %swap3A_1839 = vector.shape_cast %add3A_1834 : vector<16xi32> to vector<1x16xi32>
        tpu.vector_store %arg5[%swap3A_1835, %swap3A_1836], %swap3A_1839 {strides = array<i32>} : memref<256x128xi32, #tpu.memory_space<vmem>>, vector<1x16xi32>,
        %get3A_1840 = arith.index_cast %add3A_1767 : i32 to index
        %get3A_1841 = arith.constant 64 : index
        %get3A_1842 = tpu.vector_load %arg5[%get3A_1840, %get3A_1841] {strides = array<i32>} : memref<256x128xi32, #tpu.memory_space<vmem>>, vector<1x16xi32>,
        %get3A_1843 = vector.shape_cast %get3A_1842 : vector<1x16xi32> to vector<16xi32>
        %jit3A_1844 = arith.constant -1024 : i32
        %jit3A_1845 = arith.constant 1023 : i32
        %max3A_1846 = vector.broadcast %jit3A_1844 : i32 to vector<16xi32>
        %max3A_1847 = arith.maxsi %max3A_1846, %get3A_1843 : vector<16xi32>
        %min3A_1848 = vector.broadcast %jit3A_1845 : i32 to vector<16xi32>
        %min3A_1849 = arith.minsi %min3A_1848, %max3A_1847 : vector<16xi32>
        %add3A_1850 = arith.constant 1024 : i32
        %add3A_1851 = vector.broadcast %add3A_1850 : i32 to vector<16xi32>
        %add3A_1852 = arith.addi %min3A_1849, %add3A_1851 : vector<16xi32>
        %swap3A_1853 = arith.index_cast %add3A_1767 : i32 to index
        %swap3A_1854 = arith.constant 64 : index
        %swap3A_1855 = tpu.vector_load %arg5[%swap3A_1853, %swap3A_1854] {strides = array<i32>} : memref<256x128xi32, #tpu.memory_space<vmem>>, vector<1x16xi32>,
        %swap3A_1856 = vector.shape_cast %swap3A_1855 : vector<1x16xi32> to vector<16xi32>
        %swap3A_1857 = vector.shape_cast %add3A_1852 : vector<16xi32> to vector<1x16xi32>
        tpu.vector_store %arg5[%swap3A_1853, %swap3A_1854], %swap3A_1857 {strides = array<i32>} : memref<256x128xi32, #tpu.memory_space<vmem>>, vector<1x16xi32>,
        %get3A_1858 = arith.index_cast %add3A_1767 : i32 to index
        %get3A_1859 = arith.constant 80 : index
        %get3A_1860 = tpu.vector_load %arg5[%get3A_1858, %get3A_1859] {strides = array<i32>} : memref<256x128xi32, #tpu.memory_space<vmem>>, vector<1x16xi32>,
        %get3A_1861 = vector.shape_cast %get3A_1860 : vector<1x16xi32> to vector<16xi32>
        %jit3A_1862 = arith.constant -1024 : i32
        %jit3A_1863 = arith.constant 1023 : i32
        %max3A_1864 = vector.broadcast %jit3A_1862 : i32 to vector<16xi32>
        %max3A_1865 = arith.maxsi %max3A_1864, %get3A_1861 : vector<16xi32>
        %min3A_1866 = vector.broadcast %jit3A_1863 : i32 to vector<16xi32>
        %min3A_1867 = arith.minsi %min3A_1866, %max3A_1865 : vector<16xi32>
        %add3A_1868 = arith.constant 1024 : i32
        %add3A_1869 = vector.broadcast %add3A_1868 : i32 to vector<16xi32>
        %add3A_1870 = arith.addi %min3A_1867, %add3A_1869 : vector<16xi32>
        %swap3A_1871 = arith.index_cast %add3A_1767 : i32 to index
        %swap3A_1872 = arith.constant 80 : index
        %swap3A_1873 = tpu.vector_load %arg5[%swap3A_1871, %swap3A_1872] {strides = array<i32>} : memref<256x128xi32, #tpu.memory_space<vmem>>, vector<1x16xi32>,
        %swap3A_1874 = vector.shape_cast %swap3A_1873 : vector<1x16xi32> to vector<16xi32>
        %swap3A_1875 = vector.shape_cast %add3A_1870 : vector<16xi32> to vector<1x16xi32>
        tpu.vector_store %arg5[%swap3A_1871, %swap3A_1872], %swap3A_1875 {strides = array<i32>} : memref<256x128xi32, #tpu.memory_space<vmem>>, vector<1x16xi32>,
        %get3A_1876 = arith.index_cast %add3A_1767 : i32 to index
        %get3A_1877 = arith.constant 96 : index
        %get3A_1878 = tpu.vector_load %arg5[%get3A_1876, %get3A_1877] {strides = array<i32>} : memref<256x128xi32, #tpu.memory_space<vmem>>, vector<1x16xi32>,
        %get3A_1879 = vector.shape_cast %get3A_1878 : vector<1x16xi32> to vector<16xi32>
        %jit3A_1880 = arith.constant -1024 : i32
        %jit3A_1881 = arith.constant 1023 : i32
        %max3A_1882 = vector.broadcast %jit3A_1880 : i32 to vector<16xi32>
        %max3A_1883 = arith.maxsi %max3A_1882, %get3A_1879 : vector<16xi32>
        %min3A_1884 = vector.broadcast %jit3A_1881 : i32 to vector<16xi32>
        %min3A_1885 = arith.minsi %min3A_1884, %max3A_1883 : vector<16xi32>
        %add3A_1886 = arith.constant 1024 : i32
        %add3A_1887 = vector.broadcast %add3A_1886 : i32 to vector<16xi32>
        %add3A_1888 = arith.addi %min3A_1885, %add3A_1887 : vector<16xi32>
        %swap3A_1889 = arith.index_cast %add3A_1767 : i32 to index
        %swap3A_1890 = arith.constant 96 : index
        %swap3A_1891 = tpu.vector_load %arg5[%swap3A_1889, %swap3A_1890] {strides = array<i32>} : memref<256x128xi32, #tpu.memory_space<vmem>>, vector<1x16xi32>,
        %swap3A_1892 = vector.shape_cast %swap3A_1891 : vector<1x16xi32> to vector<16xi32>
        %swap3A_1893 = vector.shape_cast %add3A_1888 : vector<16xi32> to vector<1x16xi32>
        tpu.vector_store %arg5[%swap3A_1889, %swap3A_1890], %swap3A_1893 {strides = array<i32>} : memref<256x128xi32, #tpu.memory_space<vmem>>, vector<1x16xi32>,
        %get3A_1894 = arith.index_cast %add3A_1767 : i32 to index
        %get3A_1895 = arith.constant 112 : index
        %get3A_1896 = tpu.vector_load %arg5[%get3A_1894, %get3A_1895] {strides = array<i32>} : memref<256x128xi32, #tpu.memory_space<vmem>>, vector<1x16xi32>,
        %get3A_1897 = vector.shape_cast %get3A_1896 : vector<1x16xi32> to vector<16xi32>
        %jit3A_1898 = arith.constant -1024 : i32
        %jit3A_1899 = arith.constant 1023 : i32
        %max3A_1900 = vector.broadcast %jit3A_1898 : i32 to vector<16xi32>
        %max3A_1901 = arith.maxsi %max3A_1900, %get3A_1897 : vector<16xi32>
        %min3A_1902 = vector.broadcast %jit3A_1899 : i32 to vector<16xi32>
        %min3A_1903 = arith.minsi %min3A_1902, %max3A_1901 : vector<16xi32>
        %add3A_1904 = arith.constant 1024 : i32
        %add3A_1905 = vector.broadcast %add3A_1904 : i32 to vector<16xi32>
        %add3A_1906 = arith.addi %min3A_1903, %add3A_1905 : vector<16xi32>
        %swap3A_1907 = arith.index_cast %add3A_1767 : i32 to index
        %swap3A_1908 = arith.constant 112 : index
        %swap3A_1909 = tpu.vector_load %arg5[%swap3A_1907, %swap3A_1908] {strides = array<i32>} : memref<256x128xi32, #tpu.memory_space<vmem>>, vector<1x16xi32>,
        %swap3A_1910 = vector.shape_cast %swap3A_1909 : vector<1x16xi32> to vector<16xi32>
        %swap3A_1911 = vector.shape_cast %add3A_1906 : vector<16xi32> to vector<1x16xi32>
        tpu.vector_store %arg5[%swap3A_1907, %swap3A_1908], %swap3A_1911 {strides = array<i32>} : memref<256x128xi32, #tpu.memory_space<vmem>>, vector<1x16xi32>,
      } else {
      }
      %mul3A_1572 = arith.constant 2 : i32
      %mul3A_1573 = arith.muli %add3A_1518, %mul3A_1572 : i32
      %add3A_1574 = arith.constant 0 : i32
      %add3A_1575 = arith.addi %mul3A_1573, %add3A_1574 : i32
      %dma_wait3A_1576 = arith.constant 0 : i32
      %dma_wait3A_1577 = tpu.memref_slice %arg5[%add3A_1575, %dma_wait3A_1576] : memref<256x128xi32, #tpu.memory_space<vmem>> -> memref<1x128xi32, #tpu.memory_space<vmem>>
      %dma_wait3A_1578 = tpu.memref_squeeze %dma_wait3A_1577 : memref<1x128xi32, #tpu.memory_space<vmem>> -> memref<128xi32, #tpu.memory_space<vmem>>
      %dma_wait3A_1579 = arith.constant 0 : i32
      %dma_wait3A_1580 = arith.constant 0 : i32
      %dma_wait3A_1581 = tpu.memref_slice %arg6[%dma_wait3A_1579, %dma_wait3A_1580] : memref<2048x128xf32, #tpu.memory_space<vmem_shared>> -> memref<2048x128xf32, #tpu.memory_space<vmem_shared>>
      tpu.wait_indirect_dma semaphore(%arg11 : memref<!tpu.dma_semaphore, #tpu.memory_space<semaphore_mem>>) src(%dma_wait3A_1581 : memref<2048x128xf32, #tpu.memory_space<vmem_shared>>) dst(%arg7 : memref<128x128xf32, #tpu.memory_space<vmem>>)
      %mul3A_1582 = arith.constant 2 : i32
      %mul3A_1583 = arith.muli %add3A_1518, %mul3A_1582 : i32
      %add3A_1584 = arith.constant 1 : i32
      %add3A_1585 = arith.addi %mul3A_1583, %add3A_1584 : i32
      %dma_wait3A_1586 = arith.constant 0 : i32
      %dma_wait3A_1587 = tpu.memref_slice %arg5[%add3A_1585, %dma_wait3A_1586] : memref<256x128xi32, #tpu.memory_space<vmem>> -> memref<1x128xi32, #tpu.memory_space<vmem>>
      %dma_wait3A_1588 = tpu.memref_squeeze %dma_wait3A_1587 : memref<1x128xi32, #tpu.memory_space<vmem>> -> memref<128xi32, #tpu.memory_space<vmem>>
      %dma_wait3A_1589 = arith.constant 0 : i32
      %dma_wait3A_1590 = arith.constant 0 : i32
      %dma_wait3A_1591 = tpu.memref_slice %arg6[%dma_wait3A_1589, %dma_wait3A_1590] : memref<2048x128xf32, #tpu.memory_space<vmem_shared>> -> memref<2048x128xf32, #tpu.memory_space<vmem_shared>>
      tpu.wait_indirect_dma semaphore(%arg11 : memref<!tpu.dma_semaphore, #tpu.memory_space<semaphore_mem>>) src(%dma_wait3A_1591 : memref<2048x128xf32, #tpu.memory_space<vmem_shared>>) dst(%arg8 : memref<128x128xf32, #tpu.memory_space<vmem>>)
      %mul3A_1592 = arith.constant 2 : i32
      %mul3A_1593 = arith.muli %add3A_1518, %mul3A_1592 : i32
      %add3A_1594 = arith.addi %mul3A_2, %mul3A_1593 : i32
      %add3A_1595 = arith.constant 0 : i32
      %add3A_1596 = arith.addi %add3A_1594, %add3A_1595 : i32
      %mul3A_1597 = arith.constant 128 : i32
      %mul3A_1598 = arith.muli %add3A_1596, %mul3A_1597 : i32
      %dma_start3A_1599 = arith.constant 0 : i32
      %dma_start3A_1600 = tpu.memref_slice %arg4[%mul3A_1598, %dma_start3A_1599] : memref<1048576x128xf32, #tpu.memory_space<hbm>> -> memref<128x128xf32, #tpu.memory_space<hbm>>
      %dma_start3A_1601 = arith.constant 0 : i32
      %dma_start3A_1602 = tpu.memref_slice %arg4[%mul3A_1598, %dma_start3A_1601] : memref<1048576x128xf32, #tpu.memory_space<hbm>> -> memref<128x128xf32, #tpu.memory_space<hbm>>
      tpu.enqueue_dma source(%arg7 : memref<128x128xf32, #tpu.memory_space<vmem>>) target(%dma_start3A_1602 : memref<128x128xf32, #tpu.memory_space<hbm>>) target_semaphore(%arg12 : memref<!tpu.dma_semaphore, #tpu.memory_space<semaphore_mem>>)
      %mul3A_1603 = arith.constant 2 : i32
      %mul3A_1604 = arith.muli %add3A_1518, %mul3A_1603 : i32
      %add3A_1605 = arith.addi %mul3A_2, %mul3A_1604 : i32
      %add3A_1606 = arith.constant 1 : i32
      %add3A_1607 = arith.addi %add3A_1605, %add3A_1606 : i32
      %mul3A_1608 = arith.constant 128 : i32
      %mul3A_1609 = arith.muli %add3A_1607, %mul3A_1608 : i32
      %dma_start3A_1610 = arith.constant 0 : i32
      %dma_start3A_1611 = tpu.memref_slice %arg4[%mul3A_1609, %dma_start3A_1610] : memref<1048576x128xf32, #tpu.memory_space<hbm>> -> memref<128x128xf32, #tpu.memory_space<hbm>>
      %dma_start3A_1612 = arith.constant 0 : i32
      %dma_start3A_1613 = tpu.memref_slice %arg4[%mul3A_1609, %dma_start3A_1612] : memref<1048576x128xf32, #tpu.memory_space<hbm>> -> memref<128x128xf32, #tpu.memory_space<hbm>>
      tpu.enqueue_dma source(%arg8 : memref<128x128xf32, #tpu.memory_space<vmem>>) target(%dma_start3A_1613 : memref<128x128xf32, #tpu.memory_space<hbm>>) target_semaphore(%arg12 : memref<!tpu.dma_semaphore, #tpu.memory_space<semaphore_mem>>)
    }
    %scan3A_1346 = arith.constant 63 : i32
    %add3A_1347 = arith.constant 252 : i32
    %add3A_1348 = arith.addi %mul3A_2, %add3A_1347 : i32
    %add3A_1349 = arith.constant 0 : i32
    %add3A_1350 = arith.addi %add3A_1348, %add3A_1349 : i32
    %mul3A_1351 = arith.constant 128 : i32
    %mul3A_1352 = arith.muli %add3A_1350, %mul3A_1351 : i32
    %dma_wait3A_1353 = arith.constant 0 : i32
    %dma_wait3A_1354 = tpu.memref_slice %arg4[%mul3A_1352, %dma_wait3A_1353] : memref<1048576x128xf32, #tpu.memory_space<hbm>> -> memref<128x128xf32, #tpu.memory_space<hbm>>
    %dma_wait3A_1355 = arith.constant 0 : i32
    %dma_wait3A_1356 = tpu.memref_slice %arg4[%mul3A_1352, %dma_wait3A_1355] : memref<1048576x128xf32, #tpu.memory_space<hbm>> -> memref<128x128xf32, #tpu.memory_space<hbm>>
    tpu.wait_dma2 semaphore(%arg12 : memref<!tpu.dma_semaphore, #tpu.memory_space<semaphore_mem>>) src(%arg7 : memref<128x128xf32, #tpu.memory_space<vmem>>) dst(%dma_wait3A_1356 : memref<128x128xf32, #tpu.memory_space<hbm>>)
    %add3A_1357 = arith.constant 252 : i32
    %add3A_1358 = arith.addi %mul3A_2, %add3A_1357 : i32
    %add3A_1359 = arith.constant 1 : i32
    %add3A_1360 = arith.addi %add3A_1358, %add3A_1359 : i32
    %mul3A_1361 = arith.constant 128 : i32
    %mul3A_1362 = arith.muli %add3A_1360, %mul3A_1361 : i32
    %dma_wait3A_1363 = arith.constant 0 : i32
    %dma_wait3A_1364 = tpu.memref_slice %arg4[%mul3A_1362, %dma_wait3A_1363] : memref<1048576x128xf32, #tpu.memory_space<hbm>> -> memref<128x128xf32, #tpu.memory_space<hbm>>
    %dma_wait3A_1365 = arith.constant 0 : i32
    %dma_wait3A_1366 = tpu.memref_slice %arg4[%mul3A_1362, %dma_wait3A_1365] : memref<1048576x128xf32, #tpu.memory_space<hbm>> -> memref<128x128xf32, #tpu.memory_space<hbm>>
    tpu.wait_dma2 semaphore(%arg12 : memref<!tpu.dma_semaphore, #tpu.memory_space<semaphore_mem>>) src(%arg8 : memref<128x128xf32, #tpu.memory_space<vmem>>) dst(%dma_wait3A_1366 : memref<128x128xf32, #tpu.memory_space<hbm>>)
    %dma_wait3A_1367 = arith.constant 254 : i32
    %dma_wait3A_1368 = arith.constant 0 : i32
    %dma_wait3A_1369 = tpu.memref_slice %arg5[%dma_wait3A_1367, %dma_wait3A_1368] : memref<256x128xi32, #tpu.memory_space<vmem>> -> memref<1x128xi32, #tpu.memory_space<vmem>>
    %dma_wait3A_1370 = tpu.memref_squeeze %dma_wait3A_1369 : memref<1x128xi32, #tpu.memory_space<vmem>> -> memref<128xi32, #tpu.memory_space<vmem>>
    %dma_wait3A_1371 = arith.constant 0 : i32
    %dma_wait3A_1372 = arith.constant 0 : i32
    %dma_wait3A_1373 = tpu.memref_slice %arg6[%dma_wait3A_1371, %dma_wait3A_1372] : memref<2048x128xf32, #tpu.memory_space<vmem_shared>> -> memref<2048x128xf32, #tpu.memory_space<vmem_shared>>
    tpu.wait_indirect_dma semaphore(%arg11 : memref<!tpu.dma_semaphore, #tpu.memory_space<semaphore_mem>>) src(%dma_wait3A_1373 : memref<2048x128xf32, #tpu.memory_space<vmem_shared>>) dst(%arg9 : memref<128x128xf32, #tpu.memory_space<vmem>>)
    %dma_wait3A_1374 = arith.constant 255 : i32
    %dma_wait3A_1375 = arith.constant 0 : i32
    %dma_wait3A_1376 = tpu.memref_slice %arg5[%dma_wait3A_1374, %dma_wait3A_1375] : memref<256x128xi32, #tpu.memory_space<vmem>> -> memref<1x128xi32, #tpu.memory_space<vmem>>
    %dma_wait3A_1377 = tpu.memref_squeeze %dma_wait3A_1376 : memref<1x128xi32, #tpu.memory_space<vmem>> -> memref<128xi32, #tpu.memory_space<vmem>>
    %dma_wait3A_1378 = arith.constant 0 : i32
    %dma_wait3A_1379 = arith.constant 0 : i32
    %dma_wait3A_1380 = tpu.memref_slice %arg6[%dma_wait3A_1378, %dma_wait3A_1379] : memref<2048x128xf32, #tpu.memory_space<vmem_shared>> -> memref<2048x128xf32, #tpu.memory_space<vmem_shared>>
    tpu.wait_indirect_dma semaphore(%arg11 : memref<!tpu.dma_semaphore, #tpu.memory_space<semaphore_mem>>) src(%dma_wait3A_1380 : memref<2048x128xf32, #tpu.memory_space<vmem_shared>>) dst(%arg10 : memref<128x128xf32, #tpu.memory_space<vmem>>)
    %add3A_1381 = arith.constant 254 : i32
    %add3A_1382 = arith.addi %mul3A_2, %add3A_1381 : i32
    %add3A_1383 = arith.constant 0 : i32
    %add3A_1384 = arith.addi %add3A_1382, %add3A_1383 : i32
    %mul3A_1385 = arith.constant 128 : i32
    %mul3A_1386 = arith.muli %add3A_1384, %mul3A_1385 : i32
    %dma_start3A_1387 = arith.constant 0 : i32
    %dma_start3A_1388 = tpu.memref_slice %arg4[%mul3A_1386, %dma_start3A_1387] : memref<1048576x128xf32, #tpu.memory_space<hbm>> -> memref<128x128xf32, #tpu.memory_space<hbm>>
    %dma_start3A_1389 = arith.constant 0 : i32
    %dma_start3A_1390 = tpu.memref_slice %arg4[%mul3A_1386, %dma_start3A_1389] : memref<1048576x128xf32, #tpu.memory_space<hbm>> -> memref<128x128xf32, #tpu.memory_space<hbm>>
    tpu.enqueue_dma source(%arg9 : memref<128x128xf32, #tpu.memory_space<vmem>>) target(%dma_start3A_1390 : memref<128x128xf32, #tpu.memory_space<hbm>>) target_semaphore(%arg12 : memref<!tpu.dma_semaphore, #tpu.memory_space<semaphore_mem>>)
    %add3A_1391 = arith.constant 254 : i32
    %add3A_1392 = arith.addi %mul3A_2, %add3A_1391 : i32
    %add3A_1393 = arith.constant 1 : i32
    %add3A_1394 = arith.addi %add3A_1392, %add3A_1393 : i32
    %mul3A_1395 = arith.constant 128 : i32
    %mul3A_1396 = arith.muli %add3A_1394, %mul3A_1395 : i32
    %dma_start3A_1397 = arith.constant 0 : i32
    %dma_start3A_1398 = tpu.memref_slice %arg4[%mul3A_1396, %dma_start3A_1397] : memref<1048576x128xf32, #tpu.memory_space<hbm>> -> memref<128x128xf32, #tpu.memory_space<hbm>>
    %dma_start3A_1399 = arith.constant 0 : i32
    %dma_start3A_1400 = tpu.memref_slice %arg4[%mul3A_1396, %dma_start3A_1399] : memref<1048576x128xf32, #tpu.memory_space<hbm>> -> memref<128x128xf32, #tpu.memory_space<hbm>>
    tpu.enqueue_dma source(%arg10 : memref<128x128xf32, #tpu.memory_space<vmem>>) target(%dma_start3A_1400 : memref<128x128xf32, #tpu.memory_space<hbm>>) target_semaphore(%arg12 : memref<!tpu.dma_semaphore, #tpu.memory_space<semaphore_mem>>)
    %add3A_1401 = arith.constant 254 : i32
    %add3A_1402 = arith.addi %mul3A_2, %add3A_1401 : i32
    %add3A_1403 = arith.constant 0 : i32
    %add3A_1404 = arith.addi %add3A_1402, %add3A_1403 : i32
    %mul3A_1405 = arith.constant 128 : i32
    %mul3A_1406 = arith.muli %add3A_1404, %mul3A_1405 : i32
    %dma_wait3A_1407 = arith.constant 0 : i32
    %dma_wait3A_1408 = tpu.memref_slice %arg4[%mul3A_1406, %dma_wait3A_1407] : memref<1048576x128xf32, #tpu.memory_space<hbm>> -> memref<128x128xf32, #tpu.memory_space<hbm>>
    %dma_wait3A_1409 = arith.constant 0 : i32
    %dma_wait3A_1410 = tpu.memref_slice %arg4[%mul3A_1406, %dma_wait3A_1409] : memref<1048576x128xf32, #tpu.memory_space<hbm>> -> memref<128x128xf32, #tpu.memory_space<hbm>>
    tpu.wait_dma2 semaphore(%arg12 : memref<!tpu.dma_semaphore, #tpu.memory_space<semaphore_mem>>) src(%arg9 : memref<128x128xf32, #tpu.memory_space<vmem>>) dst(%dma_wait3A_1410 : memref<128x128xf32, #tpu.memory_space<hbm>>)
    %add3A_1411 = arith.constant 254 : i32
    %add3A_1412 = arith.addi %mul3A_2, %add3A_1411 : i32
    %add3A_1413 = arith.constant 1 : i32
    %add3A_1414 = arith.addi %add3A_1412, %add3A_1413 : i32
    %mul3A_1415 = arith.constant 128 : i32
    %mul3A_1416 = arith.muli %add3A_1414, %mul3A_1415 : i32
    %dma_wait3A_1417 = arith.constant 0 : i32
    %dma_wait3A_1418 = tpu.memref_slice %arg4[%mul3A_1416, %dma_wait3A_1417] : memref<1048576x128xf32, #tpu.memory_space<hbm>> -> memref<128x128xf32, #tpu.memory_space<hbm>>
    %dma_wait3A_1419 = arith.constant 0 : i32
    %dma_wait3A_1420 = tpu.memref_slice %arg4[%mul3A_1416, %dma_wait3A_1419] : memref<1048576x128xf32, #tpu.memory_space<hbm>> -> memref<128x128xf32, #tpu.memory_space<hbm>>
    tpu.wait_dma2 semaphore(%arg12 : memref<!tpu.dma_semaphore, #tpu.memory_space<semaphore_mem>>) src(%arg10 : memref<128x128xf32, #tpu.memory_space<vmem>>) dst(%dma_wait3A_1420 : memref<128x128xf32, #tpu.memory_space<hbm>>)
    return
  }
}

</mosaic_0001>

<sc_bundles>
// kernel: kernel.3.cloned.1.call-start
scs
__scs_entry_jumppad:
0x0: {  	(pc) =	sbr.rel $0x88, $3  }
0x1: {  	(tag) =	ssettag $0x0;
	lr =	simm.s32 $0x1  }
0x2: {  	[smem:$0x3F9F] =	sst lr;
	_ =	strace $0xD0000000  }
0x3: {  	_ = 	snop  }
0x4: {  	_ = 	snop  }
0x5: {  	_ = 	snop  }
0x6: {  	_ = 	snop  }
0x7: {  	_ = 	snop  }
__scs_overlays_trampoline_lowered:
0x8: {  	[smem:$0x3FAE] =	sst s0  }
0x9: {  	[smem:$0x3FAF] =	sst s1  }
0xa: {  	[smem:$0x3FB0] =	sst s2  }
0xb: {  	[smem:$0x3FB1] =	sst s3  }
0xc: {  	[smem:$0x3FB2] =	sst s4  }
0xd: {  	[smem:$0x3FB3] =	sst s5  }
0xe: {  	[smem:$0x3FB4] =	sst s6  }
0xf: {  	[smem:$0x3FB5] =	sst s7  }
0x10: {  	[smem:$0x3FB6] =	sst s8  }
0x11: {  	[smem:$0x3FB7] =	sst s9;
	s0 =	simm.s32 @!p0 $0x0  }
0x12: {  	s1 =	sld [smem:$0x3F9D];
	s0 =	simm.s32 @p0 $0x1  }
0x13: {  	[smem:$0x3FB8] =	sst s0;
	s0 =	simm.s32 @!p1 $0x0  }
0x14: {  	s2 =	sld [smem:$0x3F9C];
	s0 =	simm.s32 @p1 $0x1  }
0x15: {  	[smem:$0x3FB9] =	sst s0;
	s0 =	simm.s32 @!p2 $0x0  }
0x16: {  	s3 =	sld [smem:$0x3FDB];
	s0 =	simm.s32 @p2 $0x1  }
0x17: {  	s4 =	simm.s32 $0x1BF5;
	[smem:$0x3FBB] =	sst s0  }
0x18: {  	s0 =	sld [smem:$0x3F9E];
	_ =	swait.ge [sflag:s4], $0x0  }
0x19: {  	s7 =	sld [smem:$0x3F9F]  }
0x1a: {  	s8 =	sadd.s32 $0xFFFFE003, lr  }
0x1b: {  	s9 =	sadd.s32 $0xFFFFFEF7, lr;
	s5 =	simm.s32 $0xFFFFFFFF;
	p2 =	slt.u32 s8, $0xFFFFF086  }
0x1c: {  	p1 =	slt.u32 s9, $0xF7A;
	s5 =	simm.s32 @!p2 $0x0  }
0x1d: {  	s5 =	simm.s32 @p1 $0x1;
	p0 =	seq.s32 s7, s2  }
0x1e: {  	s7 =	smul.u32 @!p0 $0xF7A, s2;
	p2 =	seq.s32 @!p0 s5, $0x0  }
0x1f: {  	s9 =	smul.u32 $0xF7A, s1;
	s8 =	simm.s32 @!p0 $0x1BF5;
	p2 =	por !p2, p0  }
0x20: {  	[sflag:s8] =	ssyncset.s32 @!p0 $0xFFFFF086;
	s6 =	sadd.s32 @!p0 s3, s7;
	s7 =	simm.s32 @!p0 $0x108  }
0x21: {  	s3 =	sadd.s32 s3, s9;
	s6 =	sadd.s32 @!p0 $0x88, s6;
	s7 =	simm.s32 @p2 $0x1082  }
0x22: {  	[simem:s7], [sflag:s8] =	dma.local @!p0 [hbm:s6], $0xF7A  }
0x23: {  	s9 =	sor.u32 $0xD0000000, s2;
	s6 =	simm.s32 $0x108;
	_ =	swait.ge @!p0 [sflag:s8], $0x0  }
0x24: {  	s3 =	sadd.s32 $0x88, s3;
	s6 =	simm.s32 @!p1 $0x1082;
	[sflag:s4] =	ssyncset.s32 $0xFFFFF086  }
0x25: {  	[simem:s6], [sflag:s4] =	dma.local [hbm:s3], $0xF7A  }
0x26: {  	[smem:$0x3F9F] =	sst s1;
	(tag) =	ssettag s2;
	_ =	strace s9  }
0x27: {  	s1 =	sld [smem:$0x3FAF]  }
0x28: {  	s2 =	sld [smem:$0x3FB0]  }
0x29: {  	s4 =	sld [smem:$0x3FB2]  }
0x2a: {  	p0 =	seq.s32 s5, $0x0;
	s5 =	sld [smem:$0x3FB3]  }
0x2b: {  	s6 =	sld [smem:$0x3FB4]  }
0x2c: {  	s7 =	sld [smem:$0x3FB5]  }
0x2d: {  	s3 =	simm.s32 $0x108;
	s8 =	sld [smem:$0x3FB6]  }
0x2e: {  	s3 =	simm.s32 @!p0 $0x1082;
	s9 =	sld [smem:$0x3FB7]  }
0x2f: {  	lr =	sadd.s32 s0, s3;
	s0 =	sld [smem:$0x3FAE]  }
0x30: {  	s3 =	sld [smem:$0x3FB1]  }
0x31: {  	[smem:$0x3FBA] =	sst s10  }
0x32: {  	s10 =	sld [smem:$0x3FB8];
	_ =	sdelay $0x3  }
0x33: {  	p0 =	seq.s32 s10, $0x1;
	s10 =	sld [smem:$0x3FBA];
	_ =	sdelay $0x3  }
0x34: {  	[smem:$0x3FBA] =	sst s10  }
0x35: {  	s10 =	sld [smem:$0x3FB9];
	_ =	sdelay $0x3  }
0x36: {  	p1 =	seq.s32 s10, $0x1;
	s10 =	sld [smem:$0x3FBA];
	_ =	sdelay $0x3  }
0x37: {  	[smem:$0x3FBA] =	sst s10  }
0x38: {  	s10 =	sld [smem:$0x3FBB]  }
0x39: {  	_ = 	snop;
	(pc) =	sbr.ind lr, $3  }
0x3a: {  	_ = 	snop  }
0x3b: {  	_ = 	snop  }
0x3c: {  	p2 =	seq.s32 s10, $0x1;
	s10 =	sld [smem:$0x3FBA]  }
0x3d: {  	_ =	shalt  }
0x3e: {  	_ =	shalt  }
0x3f: {  	_ =	shalt  }
0x40: {  	_ =	shalt  }
0x41: {  	_ =	shalt  }
0x42: {  	_ =	shalt  }
0x43: {  	_ =	shalt  }
0x44: {  	_ =	shalt  }
0x45: {  	_ =	shalt  }
0x46: {  	_ =	shalt  }
0x47: {  	_ =	shalt  }
0x48: {  	_ =	shalt  }
0x49: {  	_ =	shalt  }
0x4a: {  	_ =	shalt  }
0x4b: {  	_ =	shalt  }
0x4c: {  	_ =	shalt  }
0x4d: {  	_ =	shalt  }
0x4e: {  	_ =	shalt  }
0x4f: {  	_ =	shalt  }
0x50: {  	_ =	shalt  }
0x51: {  	_ =	shalt  }
0x52: {  	_ =	shalt  }
0x53: {  	_ =	shalt  }
0x54: {  	_ =	shalt  }
0x55: {  	_ =	shalt  }
0x56: {  	_ =	shalt  }
0x57: {  	_ =	shalt  }
0x58: {  	_ =	shalt  }
0x59: {  	_ =	shalt  }
0x5a: {  	_ =	shalt  }
0x5b: {  	_ =	shalt  }
0x5c: {  	_ =	shalt  }
0x5d: {  	_ =	shalt  }
0x5e: {  	_ =	shalt  }
0x5f: {  	_ =	shalt  }
0x60: {  	_ =	shalt  }
0x61: {  	_ =	shalt  }
0x62: {  	_ =	shalt  }
0x63: {  	_ =	shalt  }
0x64: {  	_ =	shalt  }
0x65: {  	_ =	shalt  }
0x66: {  	_ =	shalt  }
0x67: {  	_ =	shalt  }
0x68: {  	_ =	shalt  }
0x69: {  	_ =	shalt  }
0x6a: {  	_ =	shalt  }
0x6b: {  	_ =	shalt  }
0x6c: {  	_ =	shalt  }
0x6d: {  	_ =	shalt  }
0x6e: {  	_ =	shalt  }
0x6f: {  	_ =	shalt  }
0x70: {  	_ =	shalt  }
0x71: {  	_ =	shalt  }
0x72: {  	_ =	shalt  }
0x73: {  	_ =	shalt  }
0x74: {  	_ =	shalt  }
0x75: {  	_ =	shalt  }
0x76: {  	_ =	shalt  }
0x77: {  	_ =	shalt  }
0x78: {  	_ =	shalt  }
0x79: {  	_ =	shalt  }
0x7a: {  	_ =	shalt  }
0x7b: {  	_ =	shalt  }
0x7c: {  	_ =	shalt  }
0x7d: {  	_ =	shalt  }
0x7e: {  	_ =	shalt  }
0x7f: {  	_ =	shalt  }
0x80: {  	_ =	shalt  }
0x81: {  	_ =	shalt  }
0x82: {  	_ =	shalt  }
0x83: {  	_ =	shalt  }
0x84: {  	_ =	shalt  }
0x85: {  	_ =	shalt  }
0x86: {  	_ =	shalt  }
0x87: {  	_ =	shalt  }
.Lfunc_end0:
.L_simem_size_0:
called_computation_lowered:
.L_overlay_start_0:
0x88: {  	s2 =	sld [smem:$0x3FD9]  }
0x89: {  	s3 =	sld [smem:$0x3FFE];
	_ =	sdelay $0x1  }
0x8a: {  	s1 =	srdreg.scid  }
0x8b: {  	s0 =	sand.u32 $0x1, s1  }
0x8c: {  	s17 =	sshll.u32 s0, $0xA;
	s2 =	sadd.s32 s3, s2  }
0x8d: {  	s2 =	sadd.s32 s2, s17  }
0x8e: {  	[smem:$0x3FC6] =	sst s2  }
0x8f: {  	_ = 	snop  }
0x90: {  	s2 =	sld [smem:$0x3FC8]  }
0x91: {  	s18 =	sld [smem:$0x3FD0];
	(tm) =	ssettm $0x1  }
0x92: {  	s4 =	sld [smem:$0x3FFB];
	_ =	sdelay $0x3  }
0x93: {  	_ =	strace s4  }
0x94: {  	s4 =	sld [smem:$0x3FFC];
	_ =	sdelay $0x3  }
0x95: {  	_ =	strace s4  }
0x96: {  	s4 =	sld [smem:$0x3FFD];
	_ =	sdelay $0x3  }
0x97: {  	_ =	strace s4  }
0x98: {  	_ =	strace $0x8FFFFFFF  }
0x99: {  	s19 =	sld [smem:$0x3FDB];
	_ =	sdelay $0x1  }
0x9a: {  	s5 =	simm.s32 $_scs_section_size  }
0x9b: {  	s6 =	simm.s32 $_size__tile_overlayer_lowered;
	s7 =	simm.s32 $_tile_overlayer_lowered  }
0x9c: {  	s22 =	simm.s32 $0x1BFF;
	s21 =	sshll.u32 s7, $0x1;
	s4 =	sadd.s32 s5, s19  }
0x9d: {  	s8 =	simm.s32 $0x0;
	s20 =	sshll.u32 s6, $0x1;
	s6 =	sadd.s32 s21, s4  }
0x9e: {  	[timem:s8], [sflag:s22] =	dma.local [hbm:s6], s20  }
0x9f: {  	_ =	swait.ge [sflag:s22], s20  }
0xa0: {  	s5 =	ssub.s32 $0x0, s20;
	[sflag:s22] =	ssyncset.done $0x0  }
0xa1: {  	[sflag:s22] =	ssyncadd.s32 s5;
	_ =	sdelay $0x1  }
0xa2: {  	s23 =	simm.s32 $0x1B8B  }
0xa3: {  	_ =	swait.ge [sflag:s23], $0x1  }
0xa4: {  	[sflag:s23] =	ssyncset.done $0x0  }
0xa5: {  	s25 =	simm.s32 $0x1B8E;
	s24 =	sld [smem:$0x3FFE];
	[sflag:s23] =	ssyncadd.s32 $0xFFFFFFFF  }
0xa6: {  	s26 =	simm.s32 $execute0_lowered;
	[smem:$0x3FD2] =	sst s25  }
0xa7: {  	s6 =	sshll.u32 s26, $0x1;
	_ =	strace $0x80000046;
	[dreg:$0x1] =	wrdreg $0xFFFFFFFF  }
0xa8: {  	s28 =	simm.s32 $_size_execute0_lowered;
	s4 =	sadd.s32 s4, s6;
	[dreg:$0x0] =	wrdreg $0x0  }
0xa9: {  	s6 =	sshll.u32 s28, $0x1;
	[dreg:$0x2] =	wrdreg s4  }
0xaa: {  	[dreg:$0x3] =	wrdreg s6  }
0xab: {  	[dreg:$0x4] =	wrdreg $0xC0  }
0xac: {  	_ =	task [dreg:s8], $0x5FFFF  }
0xad: {  	[dreg:$0x1] =	wrdreg $0xFFFFFFFF  }
0xae: {  	[dreg:$0x0] =	wrdreg $0x60  }
0xaf: {  	[dreg:$0x2] =	wrdreg s24  }
0xb0: {  	[dreg:$0x3] =	wrdreg s2  }
0xb1: {  	[dreg:$0x4] =	wrdreg s18  }
0xb2: {  	[dreg:$0x5] =	wrdreg $0x80000  }
0xb3: {  	[dreg:$0x6] =	wrdreg $0x9  }
0xb4: {  	_ =	task.clear_ibuf [dreg:s8], $0x7FFFF;
	_ =	strace $0x90000046  }
0xb5: {  	s29 =	simm.s32 $0x9;
	_ =	strace $0x80000048  }
0xb6: {  	_ =	swait.ge [sflag:s29], $0x1  }
0xb7: {  	[sflag:s29] =	ssyncadd.s32 $0xFFFFFFFF  }
0xb8: {  	_ =	strace $0x90000048  }
0xb9: {  	_ =	sfence  }
0xba: {  	s30 =	sld [smem:$0x0];
	_ =	sdelay $0x2  }
0xbb: {  	s31 =	sshll.u32 s1, $0xD;
	s1 =	sshrl.u32 s1, $0x2  }
0xbc: {  	s3 =	sand.u32 $0x4000, s31;
	s1 =	sadd.s32 s1, s30  }
0xbd: {  	s0 =	sor.u32 s3, s0;
	s1 =	sshll.u32 s1, $0x11  }
0xbe: {  	s0 =	sor.u32 s1, s0  }
0xbf: {  	s0 =	sadd.s32 $0x8F2B, s0  }
0xc0: {  	[sflag:s0] =	ssyncadd.remote.s32 $0x1  }
0xc1: {  	_ =	sfence.sel $0xFFFF  }
0xc2: {  	[dreg:$0x0] =	wrdreg $0xFFFFFFFF;
	(pc) =	sbr.abs _section_cstart, $3  }
0xc3: {  	[dreg:$0x1] =	wrdreg $0xFFFFFFFF  }
0xc4: {  	_ =	task.clear_ibuf [dreg:s8], $0x2FFFF;
	_ =	strace $0x9FFFFFFF  }
0xc5: {  	(tm) =	ssettm $0x7FFFFFFF  }
tec
execute0_lowered:
.L_overlay_start_1:
0x0: {  	(tag) =	ssettag $0x1  }
0x1: {  	s4 =	rddreg [dreg:$0x0]  }
0x2: {  	s5 =	rddreg [dreg:$0x1]  }
0x3: {  	s11 =	rddreg [dreg:$0x2]  }
0x4: {  	s2 =	rddreg [dreg:$0x3]  }
0x5: {  	s0 =	rddreg [dreg:$0x4]  }
0x6: {  	s6 =	srdreg.scid;
	s1 =	stileid.u32;
	s3 =	simm.s32 $0x0  }
0x7: {  	s15 =	simm.s32 $0x3;
	s16 =	simm.s32 $0x80;
	s17 =	simm.s32 $0xC000  }
0x8: {  	s18 =	simm.s32 $0x10000;
	s19 =	simm.s32 $0x100;
	s20 =	simm.s32 $0x14000  }
0x9: {  	s21 =	simm.s32 $0x180;
	s22 =	simm.s32 $0x18000;
	s23 =	simm.s32 $0x1  }
0xa: {  	s24 =	simm.s32 $0x2;
	s25 =	simm.s32 $0x0;
	s7 =	sand.u32 $0x1, s6  }
0xb: {  	s26 =	sshll.u32 s1, $0x1;
	[smem:$0x7FF] =	sst s3;
	s28 =	sshll.u32 s1, $0xE  }
0xc: {  	s29 =	sshll.u32 s1, $0xB;
	s30 =	sshll.u32 s1, $0x6;
	s31 =	sshll.u32 s1, $0x14  }
0xd: {  	s6 =	sor.u32 s7, s26;
	s8 =	ssub.s32 $0x2, s7;
	_ =	strace $0x80000047  }
0xe: {  	s14 =	sadd.s32 s28, s2;
	s13 =	sshll.u32 s7, $0x13;
	s9 =	sshll.u32 s6, $0xC  }
0xf: {  	s10 =	sshrl.u32 s8, $0x1;
	s6 =	sshll.u32 s6, $0x13;
	s13 =	sor.u32 s13, s31  }
.Ltmp0:
0x10: {  	s14 =	sshrl.u32 s14, $0x3;
	s9 =	sadd.s32 s9, s4;
	(pc) =	sbr.rel .LBB2_1-.Ltmp0, $4  }
0x11: {  	s12 =	ssub.s32 s8, s10;
	s4 =	sadd.s32 s5, s29;
	s5 =	sor.u32 $0x1C03, s30  }
0x12: {  	s6 =	sadd.s32 s11, s6;
	s13 =	sadd.s32 s13, s11;
	s7 =	sadd.s32 $0x400, s9  }
0x13: {  	s8 =	sadd.s32 $0x800, s6;
	s9 =	sadd.s32 $0x7F000, s6;
	s10 =	sadd.s32 $0x7F800, s6  }
0x14: {  	s11 =	smax.u32 s12, $0x1;
	s12 =	sadd.s32 $0x2000, s13;
	s13 =	sadd.s32 $0x1000, s13  }
.LBB2_7:
0x15: {  	_ =	swait.ge [sflag:s24], $0x4000  }
0x16: {  	[sflag:s24] =	ssyncset.done $0x0  }
0x17: {  	[sflag:s24] =	ssyncadd.s32 $0xFFFFC000  }
0x18: {  	_ =	swait.ge [sflag:s24], $0x4000  }
0x19: {  	[sflag:s24] =	ssyncset.done $0x0  }
0x1a: {  	[sflag:s24] =	ssyncadd.s32 $0xFFFFC000  }
0x1b: {  	_ =	swait.ge [sflag:s23], $0x4000  }
0x1c: {  	[sflag:s23] =	ssyncset.done $0x0  }
0x1d: {  	[sflag:s23] =	ssyncadd.s32 $0xFFFFC000  }
0x1e: {  	_ =	swait.ge [sflag:s23], $0x4000  }
0x1f: {  	[sflag:s23] =	ssyncset.done $0x0  }
0x20: {  	[sflag:s23] =	ssyncadd.s32 $0xFFFFC000  }
0x21: {  	[hbm4b:s9+s3] =	stream.linear.scatter [tilespmem:s20], [sflag:$0x2], $0x4000, $0x38;
	[tilespmem:$0x1C000] =	vst v63  }
0x22: {  	s25 =	sadd.s32 $0x1, s25  }
0x23: {  	[hbm4b:s10+s3] =	stream.linear.scatter [tilespmem:s22], [sflag:$0x2], $0x4000, $0x38;
	[tilespmem:$0x1C000] =	vst v63  }
0x24: {  	p0 =	sne.s32 s25, s11;
	_ =	swait.ge [sflag:s24], $0x4000  }
.Ltmp1:
0x25: {  	[sflag:s24] =	ssyncset.done $0x0;
	(pc) =	sbr.rel @!p0 .LBB2_8-.Ltmp1, $4  }
0x26: {  	[sflag:s24] =	ssyncadd.s32 $0xFFFFC000  }
0x27: {  	_ =	swait.ge [sflag:s24], $0x4000  }
0x28: {  	[sflag:s24] =	ssyncset.done $0x0  }
0x29: {  	[sflag:s24] =	ssyncadd.s32 $0xFFFFC000  }
.LBB2_1:
0x2a: {  	[spmem:s14], [sflag:s5] =	dma.local [hbm:s4], $0x800  }
0x2b: {  	_ =	swait.ge [sflag:s15], $0x800  }
0x2c: {  	[sflag:s15] =	ssyncset.done $0x0  }
0x2d: {  	[sflag:s15] =	ssyncadd.s32 $0xFFFFF800  }
0x2e: {  	[tilespmem:s3], [sflag:$0x3] =	stream.linear.gather [hbm4b:s7+s3], $0x8000, $0x38;
	[tilespmem:$0x1C000] =	vst v63  }
0x2f: {  	_ =	swait.ge [sflag:s15], $0x8000  }
0x30: {  	[sflag:s15] =	ssyncset.done $0x0  }
0x31: {  	[sflag:s15] =	ssyncadd.s32 $0xFFFF8000  }
0x32: {  	[bflag:$0x0] =	sbarrier.arrive $0xFFFF  }
0x33: {  	v0 =	vld [tilespmem:$0x0]  }
0x34: {  	v1 =	vld [tilespmem:$0x10]  }
0x35: {  	v2 =	vld [tilespmem:$0x20]  }
0x36: {  	v3 =	vld [tilespmem:$0x30]  }
0x37: {  	v5 =	vld [tilespmem:$0x40]  }
0x38: {  	v6 =	vld [tilespmem:$0x50]  }
0x39: {  	v7 =	vld [tilespmem:$0x60]  }
0x3a: {  	v8 =	vld [tilespmem:$0x70]  }
0x3b: {  	v9 =	vld [tilespmem:$0x80]  }
0x3c: {  	v10 =	vld [tilespmem:$0x90]  }
0x3d: {  	v11 =	vld [tilespmem:$0xA0]  }
0x3e: {  	v12 =	vld [tilespmem:$0xB0]  }
0x3f: {  	v13 =	vld [tilespmem:$0xC0]  }
0x40: {  	v14 =	vld [tilespmem:$0xD0]  }
0x41: {  	v15 =	vld [tilespmem:$0xE0]  }
0x42: {  	v16 =	vld [tilespmem:$0xF0];
	vm0 =	vgt.s32 v0, $0xFFFFFC00;
	vm7 =	vgt.s32 v1, $0xFFFFFC00  }
0x43: {  	v17 =	vld [tilespmem:$0x100];
	vm8 =	vgt.s32 v2, $0xFFFFFC00;
	vm9 =	vgt.s32 v3, $0xFFFFFC00;
	vm10 =	vgt.s32 v5, $0xFFFFFC00  }
0x44: {  	v18 =	vld [tilespmem:$0x110];
	vm12 =	vgt.s32 v6, $0xFFFFFC00;
	vm13 =	vgt.s32 v7, $0xFFFFFC00;
	vm14 =	vgt.s32 v8, $0xFFFFFC00  }
0x45: {  	v19 =	vld [tilespmem:$0x120];
	vm4 =	vgt.s32 v9, $0xFFFFFC00;
	vm5 =	vgt.s32 v10, $0xFFFFFC00;
	vm6 =	vgt.s32 v11, $0xFFFFFC00  }
0x46: {  	v20 =	vld [tilespmem:$0x130];
	v0 =	vnsel vm0, $0xFFFFFC00, v0;
	v1 =	vnsel vm7, $0xFFFFFC00, v1;
	v2 =	vnsel vm8, $0xFFFFFC00, v2  }
0x47: {  	v21 =	vld [tilespmem:$0x140];
	v3 =	vnsel vm9, $0xFFFFFC00, v3;
	v5 =	vnsel vm10, $0xFFFFFC00, v5;
	v40 =	vnsel vm12, $0xFFFFFC00, v6  }
0x48: {  	v22 =	vld [tilespmem:$0x150];
	v41 =	vnsel vm13, $0xFFFFFC00, v7;
	v42 =	vnsel vm14, $0xFFFFFC00, v8;
	v43 =	vnsel vm4, $0xFFFFFC00, v9  }
0x49: {  	v23 =	vld [tilespmem:$0x160];
	v10 =	vnsel vm5, $0xFFFFFC00, v10;
	v44 =	vnsel vm6, $0xFFFFFC00, v11;
	vm8 =	vgt.s32 v12, $0xFFFFFC00  }
0x4a: {  	v24 =	vld [tilespmem:$0x170];
	vm9 =	vgt.s32 v13, $0xFFFFFC00;
	vm10 =	vgt.s32 v14, $0xFFFFFC00;
	vm12 =	vgt.s32 v15, $0xFFFFFC00  }
0x4b: {  	v25 =	vld [tilespmem:$0x180];
	vm13 =	vgt.s32 v16, $0xFFFFFC00;
	vm14 =	vgt.s32 v17, $0xFFFFFC00;
	vm4 =	vgt.s32 v18, $0xFFFFFC00  }
0x4c: {  	v26 =	vld [tilespmem:$0x190];
	vm5 =	vgt.s32 v19, $0xFFFFFC00;
	vm6 =	vgt.s32 v20, $0xFFFFFC00;
	vm1 =	vlt.s32 v0, $0x3FF  }
0x4d: {  	v27 =	vld [tilespmem:$0x1A0];
	vm0 =	vlt.s32 v1, $0x3FF;
	vm11 =	vlt.s32 v3, $0x3FF;
	vm15 =	vlt.s32 v41, $0x3FF  }
0x4e: {  	v28 =	vld [tilespmem:$0x1B0];
	vm7 =	vlt.s32 v10, $0x3FF;
	v45 =	vnsel vm8, $0xFFFFFC00, v12;
	v46 =	vnsel vm9, $0xFFFFFC00, v13  }
0x4f: {  	v30 =	vld [tilespmem:$0x1C0];
	v47 =	vnsel vm10, $0xFFFFFC00, v14;
	v48 =	vnsel vm12, $0xFFFFFC00, v15;
	v49 =	vnsel vm13, $0xFFFFFC00, v16  }
0x50: {  	v17 =	vnsel vm14, $0xFFFFFC00, v17;
	v50 =	vnsel vm4, $0xFFFFFC00, v18;
	v51 =	vnsel vm5, $0xFFFFFC00, v19  }
0x51: {  	v31 =	vld [tilespmem:$0x1D0];
	v52 =	vnsel vm6, $0xFFFFFC00, v20;
	vm8 =	vgt.s32 v21, $0xFFFFFC00;
	vm9 =	vgt.s32 v22, $0xFFFFFC00  }
0x52: {  	v32 =	vld [tilespmem:$0x1E0];
	vm10 =	vgt.s32 v23, $0xFFFFFC00;
	vm12 =	vgt.s32 v24, $0xFFFFFC00;
	vm13 =	vgt.s32 v25, $0xFFFFFC00  }
0x53: {  	v33 =	vld [tilespmem:$0x1F0];
	vm14 =	vgt.s32 v26, $0xFFFFFC00;
	vm4 =	vgt.s32 v27, $0xFFFFFC00;
	vm5 =	vgt.s32 v28, $0xFFFFFC00  }
0x54: {  	v34 =	vld [tilespmem:$0x200];
	vm6 =	vgt.s32 v30, $0xFFFFFC00;
	v0 =	vnsel vm1, $0x3FF, v0;
	v1 =	vnsel vm0, $0x3FF, v1  }
0x55: {  	v35 =	vld [tilespmem:$0x210];
	vm1 =	vlt.s32 v2, $0x3FF;
	vm0 =	vlt.s32 v5, $0x3FF;
	v6 =	vnsel vm15, $0x3FF, v41  }
0x56: {  	v36 =	vld [tilespmem:$0x220];
	v10 =	vnsel vm7, $0x3FF, v10;
	vm15 =	vlt.s32 v49, $0x3FF;
	vm7 =	vlt.s32 v51, $0x3FF  }
0x57: {  	v37 =	vld [tilespmem:$0x230];
	v53 =	vnsel vm8, $0xFFFFFC00, v21;
	v22 =	vnsel vm9, $0xFFFFFC00, v22;
	v54 =	vnsel vm10, $0xFFFFFC00, v23  }
0x58: {  	v55 =	vnsel vm12, $0xFFFFFC00, v24;
	v56 =	vnsel vm13, $0xFFFFFC00, v25;
	v57 =	vnsel vm14, $0xFFFFFC00, v26  }
0x59: {  	v58 =	vnsel vm4, $0xFFFFFC00, v27;
	v59 =	vnsel vm5, $0xFFFFFC00, v28;
	v60 =	vnsel vm6, $0xFFFFFC00, v30  }
0x5a: {  	vm8 =	vgt.s32 v31, $0xFFFFFC00;
	vm9 =	vgt.s32 v32, $0xFFFFFC00;
	vm10 =	vgt.s32 v33, $0xFFFFFC00  }
0x5b: {  	vm12 =	vgt.s32 v34, $0xFFFFFC00;
	vm13 =	vgt.s32 v35, $0xFFFFFC00;
	vm4 =	vgt.s32 v36, $0xFFFFFC00  }
0x5c: {  	v38 =	vld [tilespmem:$0x240];
	vm5 =	vgt.s32 v37, $0xFFFFFC00;
	v4 =	vnsel vm1, $0x3FF, v2;
	v2 =	vnsel vm11, $0x3FF, v3  }
0x5d: {  	v39 =	vld [tilespmem:$0x250];
	v3 =	vnsel vm0, $0x3FF, v5;
	vm1 =	vlt.s32 v40, $0x3FF;
	vm0 =	vlt.s32 v42, $0x3FF  }
0x5e: {  	vm11 =	vlt.s32 v46, $0x3FF;
	v14 =	vnsel vm15, $0x3FF, v49;
	v18 =	vnsel vm7, $0x3FF, v51  }
0x5f: {  	vm15 =	vlt.s32 v56, $0x3FF;
	vm7 =	vlt.s32 v59, $0x3FF;
	v61 =	vnsel vm8, $0xFFFFFC00, v31  }
0x60: {  	v62 =	vnsel vm9, $0xFFFFFC00, v32;
	v63 =	vnsel vm10, $0xFFFFFC00, v33;
	v34 =	vnsel vm12, $0xFFFFFC00, v34  }
0x61: {  	v0 =	vadd.s32 $0x400, v0;
	v35 =	vnsel vm13, $0xFFFFFC00, v35;
	v1 =	vadd.s32 $0x400, v1  }
0x62: {  	v6 =	vadd.s32 $0x400, v6;
	vm8 =	vgt.s32 v38, $0xFFFFFC00;
	vm9 =	vgt.s32 v39, $0xFFFFFC00  }
0x63: {  	v7 =	vnsel vm1, $0x3FF, v40;
	v5 =	vnsel vm0, $0x3FF, v42;
	vm1 =	vlt.s32 v43, $0x3FF  }
0x64: {  	vm0 =	vlt.s32 v44, $0x3FF;
	v12 =	vnsel vm11, $0x3FF, v46;
	vm11 =	vlt.s32 v22, $0x3FF  }
0x65: {  	v24 =	vnsel vm15, $0x3FF, v56;
	v26 =	vnsel vm7, $0x3FF, v59;
	vm14 =	vlt.s32 v34, $0x3FF  }
0x66: {  	vm15 =	vlt.s32 v35, $0x3FF;
	v4 =	vadd.s32 $0x400, v4;
	v2 =	vadd.s32 $0x400, v2  }
0x67: {  	v40 =	vnsel vm4, $0xFFFFFC00, v36;
	v41 =	vadd.s32 $0x400, v3;
	v42 =	vnsel vm5, $0xFFFFFC00, v37  }
0x68: {  	v9 =	vnsel vm1, $0x3FF, v43;
	v8 =	vnsel vm0, $0x3FF, v44;
	vm1 =	vlt.s32 v45, $0x3FF  }
0x69: {  	[tilespmem:$0x0] =	vst v0;
	vm0 =	vlt.s32 v47, $0x3FF;
	v22 =	vnsel vm11, $0x3FF, v22;
	vm11 =	vlt.s32 v62, $0x3FF  }
0x6a: {  	[tilespmem:$0x10] =	vst v1;
	v0 =	vnsel vm14, $0x3FF, v34;
	v1 =	vnsel vm15, $0x3FF, v35;
	vm6 =	vlt.s32 v40, $0x3FF  }
0x6b: {  	v7 =	vadd.s32 $0x400, v7;
	vm7 =	vlt.s32 v42, $0x3FF;
	v5 =	vadd.s32 $0x400, v5  }
0x6c: {  	v11 =	vnsel vm1, $0x3FF, v45;
	v13 =	vnsel vm0, $0x3FF, v47;
	vm1 =	vlt.s32 v48, $0x3FF  }
0x6d: {  	[tilespmem:$0x30] =	vst v2;
	vm0 =	vlt.s32 v17, $0x3FF;
	v30 =	vnsel vm11, $0x3FF, v62;
	v2 =	vnsel vm6, $0x3FF, v40  }
0x6e: {  	v3 =	vnsel vm7, $0x3FF, v42;
	v45 =	vnsel vm8, $0xFFFFFC00, v38;
	v46 =	vadd.s32 $0x400, v9  }
0x6f: {  	v47 =	vnsel vm9, $0xFFFFFC00, v39;
	v62 =	vadd.s32 $0x400, v18;
	v33 =	vadd.s32 $0x400, v22  }
0x70: {  	v49 =	vld [tilespmem:$0x280];
	v38 =	vadd.s32 $0x400, v24;
	v0 =	vadd.s32 $0x400, v0;
	v16 =	vnsel vm1, $0x3FF, v48  }
0x71: {  	v51 =	vld [tilespmem:$0x290];
	v15 =	vnsel vm0, $0x3FF, v17;
	vm1 =	vlt.s32 v50, $0x3FF;
	vm0 =	vlt.s32 v52, $0x3FF  }
0x72: {  	[tilespmem:$0x60] =	vst v6;
	vm10 =	vlt.s32 v45, $0x3FF;
	v48 =	vadd.s32 $0x400, v10;
	vm11 =	vlt.s32 v47, $0x3FF  }
0x73: {  	[tilespmem:$0x20] =	vst v4;
	v19 =	vnsel vm1, $0x3FF, v50;
	v17 =	vnsel vm0, $0x3FF, v52;
	vm1 =	vlt.s32 v53, $0x3FF  }
0x74: {  	[tilespmem:$0x40] =	vst v41;
	vm0 =	vlt.s32 v54, $0x3FF;
	v6 =	vnsel vm10, $0x3FF, v45;
	v50 =	vadd.s32 $0x400, v8  }
0x75: {  	v36 =	vld [tilespmem:$0x2F0];
	[tilespmem:$0x50] =	vst v7;
	v8 =	vnsel vm11, $0x3FF, v47;
	v52 =	vadd.s32 $0x400, v11;
	v56 =	vadd.s32 $0x400, v16  }
0x76: {  	v43 =	vld [tilespmem:$0x260];
	[tilespmem:$0x70] =	vst v5;
	vm4 =	vgt.s32 v49, $0xFFFFFC00;
	vm5 =	vgt.s32 v51, $0xFFFFFC00;
	v59 =	vadd.s32 $0x400, v15  }
0x77: {  	v44 =	vld [tilespmem:$0x270];
	[tilespmem:$0x80] =	vst v46;
	v47 =	vadd.s32 $0x400, v30;
	v21 =	vnsel vm1, $0x3FF, v53;
	v20 =	vnsel vm0, $0x3FF, v54  }
0x78: {  	[tilespmem:$0x120] =	vst v62;
	vm1 =	vlt.s32 v55, $0x3FF;
	vm0 =	vlt.s32 v57, $0x3FF;
	v53 =	vadd.s32 $0x400, v12  }
0x79: {  	v34 =	vld [tilespmem:$0x2E0];
	[tilespmem:$0x150] =	vst v33;
	v54 =	vadd.s32 $0x400, v13;
	v10 =	vnsel vm4, $0xFFFFFC00, v49;
	v9 =	vnsel vm5, $0xFFFFFC00, v51  }
0x7a: {  	[tilespmem:$0x100] =	vst v59;
	vm5 =	vgt.s32 v36, $0xFFFFFC00;
	v51 =	vadd.s32 $0x400, v1;
	v59 =	vadd.s32 $0x400, v6  }
0x7b: {  	[tilespmem:$0x180] =	vst v38;
	v23 =	vnsel vm1, $0x3FF, v55;
	v25 =	vnsel vm0, $0x3FF, v57;
	vm1 =	vlt.s32 v58, $0x3FF  }
0x7c: {  	[tilespmem:$0x200] =	vst v0;
	vm0 =	vlt.s32 v60, $0x3FF;
	vm12 =	vgt.s32 v43, $0xFFFFFC00;
	vm13 =	vgt.s32 v44, $0xFFFFFC00  }
0x7d: {  	[tilespmem:$0x90] =	vst v48;
	vm6 =	vlt.s32 v10, $0x3FF;
	vm7 =	vlt.s32 v9, $0x3FF;
	v32 =	vadd.s32 $0x400, v21  }
0x7e: {  	[tilespmem:$0xA0] =	vst v50;
	v35 =	vadd.s32 $0x400, v20;
	vm4 =	vgt.s32 v34, $0xFFFFFC00;
	v16 =	vnsel vm5, $0xFFFFFC00, v36  }
0x7f: {  	[tilespmem:$0xD0] =	vst v54;
	v54 =	vadd.s32 $0x400, v2;
	v29 =	vnsel vm1, $0x3FF, v58;
	v27 =	vnsel vm0, $0x3FF, v60  }
0x80: {  	[tilespmem:$0xB0] =	vst v52;
	vm1 =	vlt.s32 v61, $0x3FF;
	vm0 =	vlt.s32 v63, $0x3FF;
	v4 =	vnsel vm12, $0xFFFFFC00, v43  }
0x81: {  	[tilespmem:$0xE0] =	vst v56;
	v7 =	vnsel vm13, $0xFFFFFC00, v44;
	v58 =	vadd.s32 $0x400, v14;
	v60 =	vadd.s32 $0x400, v19  }
0x82: {  	v40 =	vld [tilespmem:$0x300];
	[tilespmem:$0x1E0] =	vst v47;
	v10 =	vnsel vm6, $0x3FF, v10;
	v9 =	vnsel vm7, $0x3FF, v9;
	v19 =	vadd.s32 $0x400, v17  }
0x83: {  	v56 =	vld [tilespmem:$0x350];
	[tilespmem:$0xC0] =	vst v53;
	v37 =	vadd.s32 $0x400, v23;
	v39 =	vadd.s32 $0x400, v25;
	v43 =	vadd.s32 $0x400, v26  }
0x84: {  	v55 =	vld [tilespmem:$0x2A0];
	[tilespmem:$0x210] =	vst v51;
	v15 =	vnsel vm4, $0xFFFFFC00, v34;
	vm7 =	vlt.s32 v16, $0x3FF;
	v31 =	vnsel vm1, $0x3FF, v61  }
0x85: {  	v57 =	vld [tilespmem:$0x2B0];
	[tilespmem:$0x240] =	vst v59;
	v28 =	vnsel vm0, $0x3FF, v63;
	vm14 =	vlt.s32 v4, $0x3FF;
	vm15 =	vlt.s32 v7, $0x3FF  }
0x86: {  	v53 =	vld [tilespmem:$0x340];
	[tilespmem:$0x140] =	vst v32;
	v41 =	vadd.s32 $0x400, v29;
	v44 =	vadd.s32 $0x400, v27;
	vm6 =	vlt.s32 v15, $0x3FF  }
0x87: {  	v42 =	vld [tilespmem:$0x310];
	[tilespmem:$0x160] =	vst v35;
	v16 =	vnsel vm7, $0x3FF, v16;
	v22 =	vadd.s32 $0x400, v10;
	v23 =	vadd.s32 $0x400, v9  }
0x88: {  	v30 =	vld [tilespmem:$0x3A0];
	[tilespmem:$0x220] =	vst v54;
	v4 =	vnsel vm14, $0x3FF, v4;
	v7 =	vnsel vm15, $0x3FF, v7;
	v45 =	vadd.s32 $0x400, v31  }
0x89: {  	v32 =	vld [tilespmem:$0x3B0];
	[tilespmem:$0xF0] =	vst v58;
	v15 =	vnsel vm6, $0x3FF, v15;
	v49 =	vadd.s32 $0x400, v28;
	v33 =	vadd.s32 $0x400, v16  }
0x8a: {  	v61 =	vld [tilespmem:$0x2C0];
	[tilespmem:$0x110] =	vst v60;
	v20 =	vadd.s32 $0x400, v7;
	vm5 =	vgt.s32 v56, $0xFFFFFC00;
	v31 =	vadd.s32 $0x400, v15  }
0x8b: {  	v63 =	vld [tilespmem:$0x2D0];
	[tilespmem:$0x130] =	vst v19;
	vm8 =	vgt.s32 v55, $0xFFFFFC00;
	vm9 =	vgt.s32 v57, $0xFFFFFC00;
	vm4 =	vgt.s32 v53, $0xFFFFFC00  }
0x8c: {  	v62 =	vld [tilespmem:$0x360];
	[tilespmem:$0x170] =	vst v37;
	v5 =	vnsel vm5, $0xFFFFFC00, v56;
	v11 =	vnsel vm8, $0xFFFFFC00, v55;
	v12 =	vnsel vm9, $0xFFFFFC00, v57  }
0x8d: {  	[tilespmem:$0x190] =	vst v39;
	v19 =	vld [tilespmem:$0x370];
	vm8 =	vgt.s32 v40, $0xFFFFFC00;
	vm9 =	vgt.s32 v42, $0xFFFFFC00;
	v57 =	vadd.s32 $0x400, v3  }
0x8e: {  	[tilespmem:$0x1B0] =	vst v43;
	v21 =	vnsel vm4, $0xFFFFFC00, v53;
	vm7 =	vlt.s32 v5, $0x3FF;
	vm4 =	vgt.s32 v30, $0xFFFFFC00  }
0x8f: {  	v46 =	vld [tilespmem:$0x320];
	[tilespmem:$0x1A0] =	vst v41;
	vm5 =	vgt.s32 v32, $0xFFFFFC00;
	vm10 =	vlt.s32 v11, $0x3FF;
	vm11 =	vlt.s32 v12, $0x3FF  }
0x90: {  	v48 =	vld [tilespmem:$0x330];
	[tilespmem:$0x1C0] =	vst v44;
	vm12 =	vgt.s32 v61, $0xFFFFFC00;
	vm13 =	vgt.s32 v63, $0xFFFFFC00;
	v17 =	vnsel vm8, $0xFFFFFC00, v40  }
0x91: {  	[tilespmem:$0x280] =	vst v22;
	v50 =	vnsel vm9, $0xFFFFFC00, v42;
	vm6 =	vlt.s32 v21, $0x3FF;
	v5 =	vnsel vm7, $0x3FF, v5  }
0x92: {  	[tilespmem:$0x290] =	vst v23;
	vm8 =	vgt.s32 v62, $0xFFFFFC00;
	vm9 =	vgt.s32 v19, $0xFFFFFC00;
	v42 =	vnsel vm4, $0xFFFFFC00, v30  }
0x93: {  	v38 =	vld [tilespmem:$0x3C0];
	[tilespmem:$0x1D0] =	vst v45;
	v44 =	vnsel vm5, $0xFFFFFC00, v32;
	v11 =	vnsel vm10, $0x3FF, v11;
	v12 =	vnsel vm11, $0x3FF, v12  }
0x94: {  	[tilespmem:$0x1F0] =	vst v49;
	v13 =	vnsel vm12, $0xFFFFFC00, v61;
	v14 =	vnsel vm13, $0xFFFFFC00, v63;
	vm10 =	vlt.s32 v17, $0x3FF  }
0x95: {  	[tilespmem:$0x2F0] =	vst v33;
	vm11 =	vlt.s32 v50, $0x3FF;
	vm12 =	vgt.s32 v46, $0xFFFFFC00;
	vm13 =	vgt.s32 v48, $0xFFFFFC00  }
0x96: {  	v24 =	vld [tilespmem:$0x380];
	[tilespmem:$0x270] =	vst v20;
	v61 =	vadd.s32 $0x400, v8;
	v63 =	vadd.s32 $0x400, v4;
	v7 =	vnsel vm6, $0x3FF, v21  }
0x97: {  	v26 =	vld [tilespmem:$0x390];
	[tilespmem:$0x2E0] =	vst v31;
	v8 =	vnsel vm8, $0xFFFFFC00, v62;
	v6 =	vnsel vm9, $0xFFFFFC00, v19;
	vm6 =	vlt.s32 v42, $0x3FF  }
0x98: {  	[tilespmem:$0x230] =	vst v57;
	v45 =	vadd.s32 $0x400, v5;
	vm7 =	vlt.s32 v44, $0x3FF;
	vm8 =	vgt.s32 v38, $0xFFFFFC00  }
0x99: {  	vm14 =	vlt.s32 v13, $0x3FF;
	vm15 =	vlt.s32 v14, $0x3FF;
	v52 =	vnsel vm10, $0x3FF, v17;
	[tilespmem:$0x250] =	vst v61  }
0x9a: {  	v55 =	vnsel vm11, $0x3FF, v50;
	v58 =	vnsel vm12, $0xFFFFFC00, v46;
	v60 =	vnsel vm13, $0xFFFFFC00, v48;
	[tilespmem:$0x260] =	vst v63  }
0x9b: {  	v25 =	vadd.s32 $0x400, v11;
	v27 =	vadd.s32 $0x400, v12;
	vm10 =	vlt.s32 v8, $0x3FF;
	[tilespmem:$0x350] =	vst v45  }
0x9c: {  	vm11 =	vlt.s32 v6, $0x3FF;
	vm12 =	vgt.s32 v24, $0xFFFFFC00;
	vm13 =	vgt.s32 v26, $0xFFFFFC00;
	[tilespmem:$0x2A0] =	vst v25  }
0x9d: {  	v43 =	vadd.s32 $0x400, v7;
	v4 =	vnsel vm6, $0x3FF, v42;
	v7 =	vnsel vm7, $0x3FF, v44;
	[tilespmem:$0x2B0] =	vst v27  }
0x9e: {  	v50 =	vnsel vm8, $0xFFFFFC00, v38;
	v13 =	vnsel vm14, $0x3FF, v13;
	v34 =	vadd.s32 $0x400, v52;
	[tilespmem:$0x340] =	vst v43  }
0x9f: {  	v14 =	vnsel vm15, $0x3FF, v14;
	vm14 =	vlt.s32 v58, $0x3FF;
	v36 =	vadd.s32 $0x400, v55;
	[tilespmem:$0x300] =	vst v34  }
0xa0: {  	vm15 =	vlt.s32 v60, $0x3FF;
	v8 =	vnsel vm10, $0x3FF, v8;
	v55 =	vadd.s32 $0x400, v4;
	[tilespmem:$0x310] =	vst v36  }
0xa1: {  	v6 =	vnsel vm11, $0x3FF, v6;
	v9 =	vnsel vm12, $0xFFFFFC00, v24;
	v56 =	vadd.s32 $0x400, v7;
	[tilespmem:$0x3A0] =	vst v55  }
0xa2: {  	v40 =	vld [tilespmem:$0x3D0];
	v35 =	vnsel vm13, $0xFFFFFC00, v26;
	vm10 =	vlt.s32 v50, $0x3FF;
	v28 =	vadd.s32 $0x400, v13;
	[tilespmem:$0x3B0] =	vst v56  }
0xa3: {  	v46 =	vld [tilespmem:$0x3E0];
	v3 =	vnsel vm14, $0x3FF, v58;
	v18 =	vnsel vm15, $0x3FF, v60;
	v29 =	vadd.s32 $0x400, v14;
	[tilespmem:$0x2C0] =	vst v28  }
0xa4: {  	v48 =	vld [tilespmem:$0x3F0];
	vm14 =	vlt.s32 v9, $0x3FF;
	vm15 =	vlt.s32 v35, $0x3FF;
	v47 =	vadd.s32 $0x400, v8;
	[tilespmem:$0x2D0] =	vst v29  }
0xa5: {  	v49 =	vadd.s32 $0x400, v6;
	v54 =	vnsel vm10, $0x3FF, v50;
	v37 =	vnsel vm14, $0x3FF, v9;
	[tilespmem:$0x360] =	vst v47  }
0xa6: {  	v39 =	vadd.s32 $0x400, v3;
	v1 =	vnsel vm15, $0x3FF, v35;
	v41 =	vadd.s32 $0x400, v18;
	[tilespmem:$0x370] =	vst v49  }
0xa7: {  	vm9 =	vgt.s32 v40, $0xFFFFFC00;
	v58 =	vadd.s32 $0x400, v54;
	[tilespmem:$0x320] =	vst v39;
	v51 =	vadd.s32 $0x400, v37  }
0xa8: {  	[tilespmem:$0x330] =	vst v41;
	v52 =	vnsel vm9, $0xFFFFFC00, v40;
	v53 =	vadd.s32 $0x400, v1;
	vm12 =	vgt.s32 v46, $0xFFFFFC00  }
0xa9: {  	[tilespmem:$0x3C0] =	vst v58;
	vm11 =	vlt.s32 v52, $0x3FF;
	vm13 =	vgt.s32 v48, $0xFFFFFC00;
	v57 =	vnsel vm12, $0xFFFFFC00, v46  }
0xaa: {  	[tilespmem:$0x380] =	vst v51;
	v2 =	vnsel vm11, $0x3FF, v52;
	v59 =	vnsel vm13, $0xFFFFFC00, v48;
	vm14 =	vlt.s32 v57, $0x3FF  }
0xab: {  	[tilespmem:$0x390] =	vst v53;
	v60 =	vadd.s32 $0x400, v2;
	vm15 =	vlt.s32 v59, $0x3FF;
	v61 =	vnsel vm14, $0x3FF, v57  }
0xac: {  	[tilespmem:$0x3D0] =	vst v60;
	v62 =	vnsel vm15, $0x3FF, v59;
	v63 =	vadd.s32 $0x400, v61  }
0xad: {  	v0 =	vadd.s32 $0x400, v62;
	[tilespmem:$0x3E0] =	vst v63  }
0xae: {  	[tilespmem:$0x3F0] =	vst v0  }
0xaf: {  	[tilespmem:s17], [sflag:$0x1] =	stream.indirect.gather [spmem:s2], $0x80, s3, s16, $0xb8;
	[tilespmem:$0x1C000] =	vst v63  }
0xb0: {  	_ = 	snop  }
0xb1: {  	[tilespmem:s18], [sflag:$0x1] =	stream.indirect.gather [spmem:s2], $0x80, s16, s16, $0xb8;
	[tilespmem:$0x1C000] =	vst v63  }
0xb2: {  	_ = 	snop  }
0xb3: {  	[tilespmem:s20], [sflag:$0x1] =	stream.indirect.gather [spmem:s2], $0x80, s19, s16, $0xb8;
	[tilespmem:$0x1C000] =	vst v63  }
0xb4: {  	_ = 	snop  }
0xb5: {  	[tilespmem:s22], [sflag:$0x1] =	stream.indirect.gather [spmem:s2], $0x80, s21, s16, $0xb8;
	[tilespmem:$0x1C000] =	vst v63  }
0xb6: {  	_ =	swait.ge [sflag:s23], $0x4000  }
0xb7: {  	[sflag:s23] =	ssyncset.done $0x0  }
0xb8: {  	[sflag:s23] =	ssyncadd.s32 $0xFFFFC000  }
0xb9: {  	_ =	swait.ge [sflag:s23], $0x4000  }
.Ltmp2:
0xba: {  	[sflag:s23] =	ssyncset.done $0x0;
	(pc) =	sbr.rel .LBB2_2-.Ltmp2, $4  }
0xbb: {  	[sflag:s23] =	ssyncadd.s32 $0xFFFFC000  }
0xbc: {  	[hbm4b:s6+s3] =	stream.linear.scatter [tilespmem:s17], [sflag:$0x2], $0x4000, $0x38;
	[tilespmem:$0x1C000] =	vst v63  }
0xbd: {  	s26 =	smov.u32 s13;
	s28 =	smov.u32 s12;
	s29 =	simm.s32 $0x0  }
0xbe: {  	[hbm4b:s8+s3] =	stream.linear.scatter [tilespmem:s18], [sflag:$0x2], $0x4000, $0x38;
	[tilespmem:$0x1C000] =	vst v63  }
.LBB2_6:
0xbf: {  	_ =	swait.ge [sflag:s23], $0x4000  }
0xc0: {  	[sflag:s23] =	ssyncset.done $0x0  }
0xc1: {  	s29 =	sadd.s32 $0x800, s29;
	[sflag:s23] =	ssyncadd.s32 $0xFFFFC000  }
0xc2: {  	p0 =	sne.s32 s29, $0x1F800;
	_ =	swait.ge [sflag:s23], $0x4000  }
.Ltmp3:
0xc3: {  	[sflag:s23] =	ssyncset.done $0x0;
	(pc) =	sbr.rel @!p0 .LBB2_7-.Ltmp3, $4  }
0xc4: {  	[sflag:s23] =	ssyncadd.s32 $0xFFFFC000  }
0xc5: {  	[hbm4b:s28+s3] =	stream.linear.scatter [tilespmem:s17], [sflag:$0x2], $0x4000, $0x38;
	[tilespmem:$0x1C000] =	vst v63  }
0xc6: {  	s30 =	sadd.s32 $0x800, s28;
	s26 =	sadd.s32 $0x2000, s26;
	s28 =	sadd.s32 $0x2000, s28  }
0xc7: {  	[hbm4b:s30+s3] =	stream.linear.scatter [tilespmem:s18], [sflag:$0x2], $0x4000, $0x38;
	[tilespmem:$0x1C000] =	vst v63  }
.LBB2_2:
0xc8: {  	_ =	swait.ge [sflag:s24], $0x4000  }
0xc9: {  	[sflag:s24] =	ssyncset.done $0x0  }
0xca: {  	[sflag:s24] =	ssyncadd.s32 $0xFFFFC000  }
0xcb: {  	p0 =	seq.s32 s29, $0x1F000;
	_ =	swait.ge [sflag:s24], $0x4000  }
.Ltmp4:
0xcc: {  	s30 =	sshra.s32 s29, $0x2;
	[sflag:s24] =	ssyncset.done $0x0;
	(pc) =	sbr.rel @p0 .LBB2_4-.Ltmp4, $4  }
0xcd: {  	s31 =	sadd.s32 $0x200, s30;
	[sflag:s24] =	ssyncadd.s32 $0xFFFFC000  }
0xce: {  	[tilespmem:s17], [sflag:$0x1] =	stream.indirect.gather [spmem:s2], $0x80, s31, s16, $0xb8;
	[tilespmem:$0x1C000] =	vst v63  }
0xcf: {  	s31 =	sadd.s32 $0x280, s30  }
0xd0: {  	[tilespmem:s18], [sflag:$0x1] =	stream.indirect.gather [spmem:s2], $0x80, s31, s16, $0xb8;
	[tilespmem:$0x1C000] =	vst v63  }
0xd1: {  	v0 =	vld [tilespmem:s30+$0x400]  }
0xd2: {  	v1 =	vld [tilespmem:s30+$0x410]  }
0xd3: {  	v2 =	vld [tilespmem:s30+$0x420]  }
0xd4: {  	v3 =	vld [tilespmem:s30+$0x430]  }
0xd5: {  	v4 =	vld [tilespmem:s30+$0x440]  }
0xd6: {  	v5 =	vld [tilespmem:s30+$0x450]  }
0xd7: {  	v6 =	vld [tilespmem:s30+$0x460]  }
0xd8: {  	v7 =	vld [tilespmem:s30+$0x470]  }
0xd9: {  	v8 =	vld [tilespmem:s30+$0x480]  }
0xda: {  	v9 =	vld [tilespmem:s30+$0x490]  }
0xdb: {  	v10 =	vld [tilespmem:s30+$0x4A0]  }
0xdc: {  	v11 =	vld [tilespmem:s30+$0x4B0]  }
0xdd: {  	v38 =	vld [tilespmem:s30+$0x4C0];
	vm0 =	vgt.s32 v0, $0xFFFFFC00;
	vm15 =	vgt.s32 v1, $0xFFFFFC00  }
0xde: {  	v41 =	vld [tilespmem:s30+$0x4D0];
	vm4 =	vgt.s32 v2, $0xFFFFFC00;
	vm5 =	vgt.s32 v3, $0xFFFFFC00;
	vm6 =	vgt.s32 v4, $0xFFFFFC00  }
0xdf: {  	v47 =	vld [tilespmem:s30+$0x4E0];
	vm8 =	vgt.s32 v5, $0xFFFFFC00;
	vm9 =	vgt.s32 v6, $0xFFFFFC00;
	vm10 =	vgt.s32 v7, $0xFFFFFC00  }
0xe0: {  	v49 =	vld [tilespmem:s30+$0x4F0];
	vm12 =	vgt.s32 v8, $0xFFFFFC00;
	vm13 =	vgt.s32 v9, $0xFFFFFC00;
	v0 =	vnsel vm0, $0xFFFFFC00, v0  }
0xe1: {  	v1 =	vnsel vm15, $0xFFFFFC00, v1;
	v2 =	vnsel vm4, $0xFFFFFC00, v2;
	v3 =	vnsel vm5, $0xFFFFFC00, v3  }
0xe2: {  	v4 =	vnsel vm6, $0xFFFFFC00, v4;
	v5 =	vnsel vm8, $0xFFFFFC00, v5;
	v6 =	vnsel vm9, $0xFFFFFC00, v6  }
0xe3: {  	v7 =	vnsel vm10, $0xFFFFFC00, v7;
	v8 =	vnsel vm12, $0xFFFFFC00, v8;
	v9 =	vnsel vm13, $0xFFFFFC00, v9  }
0xe4: {  	vm4 =	vgt.s32 v10, $0xFFFFFC00;
	vm5 =	vgt.s32 v11, $0xFFFFFC00;
	vm8 =	vgt.s32 v38, $0xFFFFFC00  }
0xe5: {  	vm9 =	vgt.s32 v41, $0xFFFFFC00;
	vm12 =	vgt.s32 v47, $0xFFFFFC00;
	vm13 =	vgt.s32 v49, $0xFFFFFC00  }
0xe6: {  	vm1 =	vlt.s32 v0, $0x3FF;
	vm0 =	vlt.s32 v1, $0x3FF;
	vm7 =	vlt.s32 v3, $0x3FF  }
0xe7: {  	vm11 =	vlt.s32 v6, $0x3FF;
	vm14 =	vlt.s32 v8, $0x3FF;
	vm15 =	vlt.s32 v9, $0x3FF  }
0xe8: {  	v43 =	vnsel vm4, $0xFFFFFC00, v10;
	v45 =	vnsel vm5, $0xFFFFFC00, v11;
	v0 =	vnsel vm1, $0x3FF, v0  }
0xe9: {  	v51 =	vnsel vm8, $0xFFFFFC00, v38;
	v1 =	vnsel vm0, $0x3FF, v1;
	v0 =	vadd.s32 $0x400, v0  }
0xea: {  	v53 =	vnsel vm9, $0xFFFFFC00, v41;
	v3 =	vnsel vm7, $0x3FF, v3;
	v36 =	vadd.s32 $0x400, v1;
	[tilespmem:s30+$0x400] =	vst v0  }
0xeb: {  	v58 =	vnsel vm12, $0xFFFFFC00, v47;
	v6 =	vnsel vm11, $0x3FF, v6;
	v42 =	vadd.s32 $0x400, v3;
	[tilespmem:s30+$0x410] =	vst v36  }
0xec: {  	v60 =	vnsel vm13, $0xFFFFFC00, v49;
	v37 =	vnsel vm14, $0x3FF, v8;
	v48 =	vadd.s32 $0x400, v6;
	[tilespmem:s30+$0x430] =	vst v42  }
0xed: {  	vm1 =	vlt.s32 v2, $0x3FF;
	v40 =	vnsel vm15, $0x3FF, v9;
	v52 =	vadd.s32 $0x400, v37;
	[tilespmem:s30+$0x460] =	vst v48  }
0xee: {  	vm0 =	vlt.s32 v4, $0x3FF;
	v2 =	vnsel vm1, $0x3FF, v2;
	v54 =	vadd.s32 $0x400, v40;
	[tilespmem:s30+$0x480] =	vst v52  }
0xef: {  	vm6 =	vlt.s32 v43, $0x3FF;
	v4 =	vnsel vm0, $0x3FF, v4;
	v39 =	vadd.s32 $0x400, v2;
	[tilespmem:s30+$0x490] =	vst v54  }
0xf0: {  	vm10 =	vlt.s32 v51, $0x3FF;
	v3 =	vnsel vm6, $0x3FF, v43;
	v44 =	vadd.s32 $0x400, v4;
	[tilespmem:s30+$0x420] =	vst v39  }
0xf1: {  	vm11 =	vlt.s32 v53, $0x3FF;
	v55 =	vnsel vm10, $0x3FF, v51;
	v56 =	vadd.s32 $0x400, v3;
	[tilespmem:s30+$0x440] =	vst v44  }
0xf2: {  	vm14 =	vlt.s32 v58, $0x3FF;
	v1 =	vnsel vm11, $0x3FF, v53;
	v59 =	vadd.s32 $0x400, v55;
	[tilespmem:s30+$0x4A0] =	vst v56  }
0xf3: {  	vm15 =	vlt.s32 v60, $0x3FF;
	v62 =	vnsel vm14, $0x3FF, v58;
	v61 =	vadd.s32 $0x400, v1;
	[tilespmem:s30+$0x4C0] =	vst v59  }
0xf4: {  	vm1 =	vlt.s32 v5, $0x3FF;
	v63 =	vnsel vm15, $0x3FF, v60;
	v1 =	vadd.s32 $0x400, v62;
	[tilespmem:s30+$0x4D0] =	vst v61  }
0xf5: {  	vm0 =	vlt.s32 v7, $0x3FF;
	v5 =	vnsel vm1, $0x3FF, v5;
	v0 =	vadd.s32 $0x400, v63;
	[tilespmem:s30+$0x4E0] =	vst v1  }
0xf6: {  	vm7 =	vlt.s32 v45, $0x3FF;
	v7 =	vnsel vm0, $0x3FF, v7;
	v46 =	vadd.s32 $0x400, v5;
	[tilespmem:s30+$0x4F0] =	vst v0  }
0xf7: {  	v4 =	vnsel vm7, $0x3FF, v45;
	v50 =	vadd.s32 $0x400, v7;
	[tilespmem:s30+$0x450] =	vst v46  }
0xf8: {  	v57 =	vadd.s32 $0x400, v4;
	[tilespmem:s30+$0x470] =	vst v50  }
0xf9: {  	[tilespmem:s30+$0x4B0] =	vst v57  }
.LBB2_4:
0xfa: {  	_ =	swait.ge [sflag:s23], $0x4000  }
0xfb: {  	[sflag:s23] =	ssyncset.done $0x0  }
0xfc: {  	[sflag:s23] =	ssyncadd.s32 $0xFFFFC000  }
0xfd: {  	_ =	swait.ge [sflag:s23], $0x4000  }
0xfe: {  	[sflag:s23] =	ssyncset.done $0x0  }
0xff: {  	[sflag:s23] =	ssyncadd.s32 $0xFFFFC000  }
0x100: {  	[hbm4b:s26+s3] =	stream.linear.scatter [tilespmem:s20], [sflag:$0x2], $0x4000, $0x38;
	[tilespmem:$0x1C000] =	vst v63  }
0x101: {  	s31 =	sadd.s32 $0x800, s26  }
0x102: {  	[hbm4b:s31+s3] =	stream.linear.scatter [tilespmem:s22], [sflag:$0x2], $0x4000, $0x38;
	[tilespmem:$0x1C000] =	vst v63  }
0x103: {  	_ =	swait.ge [sflag:s24], $0x4000  }
0x104: {  	[sflag:s24] =	ssyncset.done $0x0  }
0x105: {  	[sflag:s24] =	ssyncadd.s32 $0xFFFFC000  }
0x106: {  	_ =	swait.ge [sflag:s24], $0x4000  }
.Ltmp5:
0x107: {  	[sflag:s24] =	ssyncset.done $0x0;
	(pc) =	sbr.rel @p0 .LBB2_6-.Ltmp5, $4  }
0x108: {  	s31 =	sadd.s32 $0x300, s30;
	[sflag:s24] =	ssyncadd.s32 $0xFFFFC000  }
0x109: {  	[tilespmem:s20], [sflag:$0x1] =	stream.indirect.gather [spmem:s2], $0x80, s31, s16, $0xb8;
	[tilespmem:$0x1C000] =	vst v63  }
0x10a: {  	s31 =	sadd.s32 $0x380, s30  }
0x10b: {  	[tilespmem:s22], [sflag:$0x1] =	stream.indirect.gather [spmem:s2], $0x80, s31, s16, $0xb8;
	[tilespmem:$0x1C000] =	vst v63  }
0x10c: {  	v0 =	vld [tilespmem:s30+$0x500]  }
0x10d: {  	v1 =	vld [tilespmem:s30+$0x510]  }
0x10e: {  	v2 =	vld [tilespmem:s30+$0x520]  }
0x10f: {  	v3 =	vld [tilespmem:s30+$0x530]  }
0x110: {  	v4 =	vld [tilespmem:s30+$0x540]  }
0x111: {  	v5 =	vld [tilespmem:s30+$0x550]  }
0x112: {  	v6 =	vld [tilespmem:s30+$0x560]  }
0x113: {  	v7 =	vld [tilespmem:s30+$0x570]  }
0x114: {  	v8 =	vld [tilespmem:s30+$0x580]  }
0x115: {  	v9 =	vld [tilespmem:s30+$0x590]  }
0x116: {  	v10 =	vld [tilespmem:s30+$0x5A0]  }
0x117: {  	v11 =	vld [tilespmem:s30+$0x5B0]  }
0x118: {  	v38 =	vld [tilespmem:s30+$0x5C0];
	vm0 =	vgt.s32 v0, $0xFFFFFC00;
	vm15 =	vgt.s32 v1, $0xFFFFFC00  }
0x119: {  	v41 =	vld [tilespmem:s30+$0x5D0];
	vm4 =	vgt.s32 v2, $0xFFFFFC00;
	vm5 =	vgt.s32 v3, $0xFFFFFC00;
	vm6 =	vgt.s32 v4, $0xFFFFFC00  }
0x11a: {  	v47 =	vld [tilespmem:s30+$0x5E0];
	vm8 =	vgt.s32 v5, $0xFFFFFC00;
	vm9 =	vgt.s32 v6, $0xFFFFFC00;
	vm10 =	vgt.s32 v7, $0xFFFFFC00  }
0x11b: {  	v49 =	vld [tilespmem:s30+$0x5F0];
	vm12 =	vgt.s32 v8, $0xFFFFFC00;
	vm13 =	vgt.s32 v9, $0xFFFFFC00;
	v0 =	vnsel vm0, $0xFFFFFC00, v0  }
0x11c: {  	v1 =	vnsel vm15, $0xFFFFFC00, v1;
	v2 =	vnsel vm4, $0xFFFFFC00, v2;
	v3 =	vnsel vm5, $0xFFFFFC00, v3  }
0x11d: {  	v4 =	vnsel vm6, $0xFFFFFC00, v4;
	v5 =	vnsel vm8, $0xFFFFFC00, v5;
	v6 =	vnsel vm9, $0xFFFFFC00, v6  }
0x11e: {  	v7 =	vnsel vm10, $0xFFFFFC00, v7;
	v8 =	vnsel vm12, $0xFFFFFC00, v8;
	v9 =	vnsel vm13, $0xFFFFFC00, v9  }
0x11f: {  	vm4 =	vgt.s32 v10, $0xFFFFFC00;
	vm5 =	vgt.s32 v11, $0xFFFFFC00;
	vm8 =	vgt.s32 v38, $0xFFFFFC00  }
0x120: {  	vm9 =	vgt.s32 v41, $0xFFFFFC00;
	vm12 =	vgt.s32 v47, $0xFFFFFC00;
	vm13 =	vgt.s32 v49, $0xFFFFFC00  }
0x121: {  	vm1 =	vlt.s32 v0, $0x3FF;
	vm0 =	vlt.s32 v1, $0x3FF;
	vm7 =	vlt.s32 v3, $0x3FF  }
0x122: {  	vm11 =	vlt.s32 v6, $0x3FF;
	vm14 =	vlt.s32 v8, $0x3FF;
	vm15 =	vlt.s32 v9, $0x3FF  }
0x123: {  	v43 =	vnsel vm4, $0xFFFFFC00, v10;
	v45 =	vnsel vm5, $0xFFFFFC00, v11;
	v0 =	vnsel vm1, $0x3FF, v0  }
0x124: {  	v51 =	vnsel vm8, $0xFFFFFC00, v38;
	v1 =	vnsel vm0, $0x3FF, v1;
	v0 =	vadd.s32 $0x400, v0  }
0x125: {  	v53 =	vnsel vm9, $0xFFFFFC00, v41;
	v3 =	vnsel vm7, $0x3FF, v3;
	v36 =	vadd.s32 $0x400, v1;
	[tilespmem:s30+$0x500] =	vst v0  }
0x126: {  	v58 =	vnsel vm12, $0xFFFFFC00, v47;
	v6 =	vnsel vm11, $0x3FF, v6;
	v42 =	vadd.s32 $0x400, v3;
	[tilespmem:s30+$0x510] =	vst v36  }
0x127: {  	v60 =	vnsel vm13, $0xFFFFFC00, v49;
	v37 =	vnsel vm14, $0x3FF, v8;
	v48 =	vadd.s32 $0x400, v6;
	[tilespmem:s30+$0x530] =	vst v42  }
0x128: {  	vm1 =	vlt.s32 v2, $0x3FF;
	v40 =	vnsel vm15, $0x3FF, v9;
	v52 =	vadd.s32 $0x400, v37;
	[tilespmem:s30+$0x560] =	vst v48  }
0x129: {  	vm0 =	vlt.s32 v4, $0x3FF;
	v2 =	vnsel vm1, $0x3FF, v2;
	v54 =	vadd.s32 $0x400, v40;
	[tilespmem:s30+$0x580] =	vst v52  }
0x12a: {  	vm6 =	vlt.s32 v43, $0x3FF;
	v4 =	vnsel vm0, $0x3FF, v4;
	v39 =	vadd.s32 $0x400, v2;
	[tilespmem:s30+$0x590] =	vst v54  }
0x12b: {  	vm10 =	vlt.s32 v51, $0x3FF;
	v3 =	vnsel vm6, $0x3FF, v43;
	v44 =	vadd.s32 $0x400, v4;
	[tilespmem:s30+$0x520] =	vst v39  }
0x12c: {  	vm11 =	vlt.s32 v53, $0x3FF;
	v55 =	vnsel vm10, $0x3FF, v51;
	v56 =	vadd.s32 $0x400, v3;
	[tilespmem:s30+$0x540] =	vst v44  }
0x12d: {  	vm14 =	vlt.s32 v58, $0x3FF;
	v1 =	vnsel vm11, $0x3FF, v53;
	v59 =	vadd.s32 $0x400, v55;
	[tilespmem:s30+$0x5A0] =	vst v56  }
0x12e: {  	vm15 =	vlt.s32 v60, $0x3FF;
	v62 =	vnsel vm14, $0x3FF, v58;
	v61 =	vadd.s32 $0x400, v1;
	[tilespmem:s30+$0x5C0] =	vst v59  }
0x12f: {  	vm1 =	vlt.s32 v5, $0x3FF;
	v63 =	vnsel vm15, $0x3FF, v60;
	v1 =	vadd.s32 $0x400, v62;
	[tilespmem:s30+$0x5D0] =	vst v61  }
.Ltmp6:
0x130: {  	vm0 =	vlt.s32 v7, $0x3FF;
	v5 =	vnsel vm1, $0x3FF, v5;
	v0 =	vadd.s32 $0x400, v63;
	[tilespmem:s30+$0x5E0] =	vst v1;
	(pc) =	sbr.rel .LBB2_6-.Ltmp6, $4  }
0x131: {  	vm7 =	vlt.s32 v45, $0x3FF;
	v7 =	vnsel vm0, $0x3FF, v7;
	v46 =	vadd.s32 $0x400, v5;
	[tilespmem:s30+$0x5F0] =	vst v0  }
0x132: {  	v4 =	vnsel vm7, $0x3FF, v45;
	v50 =	vadd.s32 $0x400, v7;
	[tilespmem:s30+$0x550] =	vst v46  }
0x133: {  	v57 =	vadd.s32 $0x400, v4;
	[tilespmem:s30+$0x570] =	vst v50  }
0x134: {  	[tilespmem:s30+$0x5B0] =	vst v57  }
.LBB2_8:
0x135: {  	_ =	sfence.sel $0x180000  }
0x136: {  	[bflag:$0x0] =	sbarrier.arrive $0xFFFF  }
0x137: {  	p0 =	sne.s32 s1, $0x0;
	_ =	strace $0x90000047  }
0x138: {  	s0 =	sadd.s32 @!p0 $0x100000, s0;
	[bflag:$0x2] =	sbarrier.arrive $0xFFFF  }
0x139: {  	[sflag:s0] =	ssyncadd.tile.s32 @!p0 $0x1;
	_ =	shalt  }
.Lfunc_end2:
_tile_overlayer_lowered:
.L_overlay_start_2:
0x13a: {  	(tag) =	ssettag $0x2  }
0x13b: {  	s0 =	rddreg [dreg:$0x0];
	s2 =	stileid.u32  }
0x13c: {  	s1 =	rddreg [dreg:$0x1];
	p0 =	sne.s32 s2, $0x0  }
0x13d: {  	s3 =	rddreg [dreg:$0x2];
	[bflag:$0x3] =	sbarrier.arrive $0xFFFF;
	s2 =	simm.s32 @!p0 $0x1C03  }
0x13e: {  	[timem:s3], [sflag:s2] =	dma.local @!p0 [hbm:s0], s1  }
0x13f: {  	s0 =	simm.s32 @!p0 $0x3  }
0x140: {  	_ =	swait.ge @!p0 [sflag:s0], s1  }
0x141: {  	s1 =	ssub.s32 @!p0 $0x0, s1;
	[sflag:s0] =	ssyncset.done @!p0 $0x0  }
0x142: {  	[sflag:s0] =	ssyncadd.s32 @!p0 s1  }
0x143: {  	[bflag:$0x3] =	sbarrier.arrive $0xFFFF  }
0x144: {  	_ =	shalt  }

</sc_bundles>
